<compile_context>
chip_gen: v7x
topology: tpu7x:2x2x1
jax: 0.10.2.dev20260603
libtpu: 0.0.44.dev20260713+nightly
codegen_flags: <defaults>
</compile_context>

<pallas_src>
import functools

import jax
import jax.numpy as jnp
from jax.experimental import pallas as pl

import numpy as _np
_BN = float(1.0 / _np.sqrt(_np.float32(1.0) + _np.float32(1e-5),
                           dtype=_np.float32))



def _fps_kernel(npoint, x_ref, y_ref, z_ref, o_ref):
    x = x_ref[...]
    y = y_ref[...]
    z = z_ref[...]
    B, N = x.shape
    iota = jax.lax.broadcasted_iota(jnp.int32, (B, N), 1)
    cols = jax.lax.broadcasted_iota(jnp.int32, o_ref.shape, 1)

    def body(i, carry):
        distance, fidx, cx, cy, cz = carry
        o_ref[...] = jnp.where(cols == i, fidx, o_ref[...])
        d = (x - cx) ** 2 + (y - cy) ** 2 + (z - cz) ** 2
        distance = jnp.minimum(distance, d)
        m = jnp.max(distance, axis=1, keepdims=True)
        idx = jnp.min(jnp.where(distance == m, iota, N), axis=1, keepdims=True)
        onehot = iota == idx
        zero = jnp.zeros((), jnp.float32)
        cx = jnp.sum(jnp.where(onehot, x, zero), axis=1, keepdims=True)
        cy = jnp.sum(jnp.where(onehot, y, zero), axis=1, keepdims=True)
        cz = jnp.sum(jnp.where(onehot, z, zero), axis=1, keepdims=True)
        return (distance, idx, cx, cy, cz)

    o_ref[...] = jnp.zeros(o_ref.shape, jnp.int32)
    init = (jnp.full((B, N), 1e10, jnp.float32),
            jnp.zeros((B, 1), jnp.int32),
            x[:, 0:1], y[:, 0:1], z[:, 0:1])
    jax.lax.fori_loop(0, npoint, body, init)


def _fps(xyz_t, npoint):
    B, N, _ = xyz_t.shape
    return pl.pallas_call(
        functools.partial(_fps_kernel, npoint),
        out_shape=jax.ShapeDtypeStruct((B, npoint), jnp.int32),
    )(xyz_t[:, :, 0], xyz_t[:, :, 1], xyz_t[:, :, 2])



def _square_distance(src, dst):
    dist = -2.0 * jnp.matmul(src, jnp.swapaxes(dst, 1, 2))
    dist = dist + jnp.sum(src ** 2, -1)[:, :, None]
    dist = dist + jnp.sum(dst ** 2, -1)[:, None, :]
    return dist


def _index_points(points, idx):
    return jax.vmap(lambda p, i: p[i])(points, idx)


def _inv_density(xyz_t, bandwidth):
    sqrdists = _square_distance(xyz_t, xyz_t)
    g = jnp.exp(-sqrdists / (2.0 * bandwidth * bandwidth)) / (2.5 * bandwidth)
    return 1.0 / jnp.mean(g, axis=-1)



def _sa_kernel(K, Cpts, p_ref, idx_ref, nx_ref,
               cwa_ref, cwb_ref, cb_ref,
               w1_ref, b1_ref, w2_ref, b2_ref, w3_ref, b3_ref,
               lw_ref, lb_ref, o_ref):
    N = p_ref.shape[1]
    Sb = idx_ref.shape[1]
    Cout = cb_ref.shape[1]

    P = p_ref[...][0]
    idx = idx_ref[...].reshape(Sb, K, 1)
    nx = nx_ref[...][0]

    iota = jax.lax.broadcasted_iota(jnp.int32, (Sb, K, N), 2)
    oh = (iota == idx).astype(jnp.float32).reshape(Sb * K, N)
    G = jnp.dot(oh, P, preferred_element_type=jnp.float32)

    gxyz = G[:, 0:3]
    gpts = G[:, 3:3 + Cpts]
    gden = G[:, 3 + Cpts:4 + Cpts]

    nxr = jnp.broadcast_to(nx[:, None, :], (Sb, K, 3)).reshape(Sb * K, 3)
    gn = gxyz - nxr

    A = jnp.dot(gn, cwa_ref[...], preferred_element_type=jnp.float32)
    A = A + jnp.dot(gpts, cwb_ref[...], preferred_element_type=jnp.float32)
    A = jax.nn.relu((A + cb_ref[...]) * _BN)

    gden3 = gden.reshape(Sb, K, 1)
    scale = gden3 / jnp.max(gden3, axis=1, keepdims=True)
    A3 = A.reshape(Sb, K, Cout) * scale

    h = jax.nn.relu((jnp.dot(gn, w1_ref[...],
                             preferred_element_type=jnp.float32)
                     + b1_ref[...]) * _BN)
    h = jax.nn.relu((jnp.dot(h, w2_ref[...],
                             preferred_element_type=jnp.float32)
                     + b2_ref[...]) * _BN)
    W = jax.nn.relu((jnp.dot(h, w3_ref[...],
                             preferred_element_type=jnp.float32)
                     + b3_ref[...]) * _BN)
    W3 = W.reshape(Sb, K, 16)

    fin = jnp.zeros((Sb, Cout), jnp.float32)
    for w in range(16):
        t_w = jnp.sum(A3 * W3[:, :, w:w + 1], axis=1)
        fin = fin + jnp.dot(t_w, lw_ref[...][w],
                            preferred_element_type=jnp.float32)
    fin = jax.nn.relu((fin + lb_ref[...]) * _BN)
    o_ref[...] = fin[None]


def _sa_layer(xyz_t, pts_t, inv_den, idx, new_xyz, p, Sb):
    B, N, _ = xyz_t.shape
    S, K = idx.shape[1], idx.shape[2]
    Cpts = pts_t.shape[2]
    Cout = p['conv_w'].shape[0]
    Pfull = jnp.concatenate([xyz_t, pts_t, inv_den[:, :, None]], axis=-1)
    Call = Pfull.shape[2]

    cwa = p['conv_w'].T[0:3]
    cwb = p['conv_w'].T[3:]
    cb = p['conv_b'][None, :]
    (w1, b1), (w2, b2), (w3, b3) = p['wn']
    lw = jnp.transpose(p['lin_w'].reshape(Cout, Cout, 16), (2, 1, 0))
    lb = p['lin_b'][None, :]

    grid = (B, S // Sb)
    out = pl.pallas_call(
        functools.partial(_sa_kernel, K, Cpts),
        grid=grid,
        in_specs=[
            pl.BlockSpec((1, N, Call), lambda b, s: (b, 0, 0)),
            pl.BlockSpec((1, Sb, K, 1), lambda b, s: (b, s, 0, 0)),
            pl.BlockSpec((1, Sb, 3), lambda b, s: (b, s, 0)),
            pl.BlockSpec((3, Cout), lambda b, s: (0, 0)),
            pl.BlockSpec((Cpts, Cout), lambda b, s: (0, 0)),
            pl.BlockSpec((1, Cout), lambda b, s: (0, 0)),
            pl.BlockSpec((3, 8), lambda b, s: (0, 0)),
            pl.BlockSpec((1, 8), lambda b, s: (0, 0)),
            pl.BlockSpec((8, 8), lambda b, s: (0, 0)),
            pl.BlockSpec((1, 8), lambda b, s: (0, 0)),
            pl.BlockSpec((8, 16), lambda b, s: (0, 0)),
            pl.BlockSpec((1, 16), lambda b, s: (0, 0)),
            pl.BlockSpec((16, Cout, Cout), lambda b, s: (0, 0, 0)),
            pl.BlockSpec((1, Cout), lambda b, s: (0, 0)),
        ],
        out_specs=pl.BlockSpec((1, Sb, Cout), lambda b, s: (b, s, 0)),
        out_shape=jax.ShapeDtypeStruct((B, S, Cout), jnp.float32),
    )(Pfull, idx[:, :, :, None], new_xyz, cwa, cwb, cb,
      w1.T, b1[None, :], w2.T, b2[None, :], w3.T, b3[None, :], lw, lb)
    return out



def _sa3_kernel(xt_ref, iv_ref, pts_ref,
                cwa_ref, cwb_ref, cb_ref,
                w1_ref, b1_ref, w2_ref, b2_ref, w3_ref, b3_ref,
                lw_ref, lb_ref, o_ref):
    X3 = xt_ref[...][0]
    invden = iv_ref[...][0]
    pts = pts_ref[...][0]
    Cout = cb_ref.shape[1]

    A = jnp.dot(X3, cwa_ref[...], preferred_element_type=jnp.float32)
    A = A + jnp.dot(pts, cwb_ref[...], preferred_element_type=jnp.float32)
    A = jax.nn.relu((A + cb_ref[...]) * _BN)
    A = A * (invden / jnp.max(invden, axis=0, keepdims=True))

    h = jax.nn.relu((jnp.dot(X3, w1_ref[...],
                             preferred_element_type=jnp.float32)
                     + b1_ref[...]) * _BN)
    h = jax.nn.relu((jnp.dot(h, w2_ref[...],
                             preferred_element_type=jnp.float32)
                     + b2_ref[...]) * _BN)
    W = jax.nn.relu((jnp.dot(h, w3_ref[...],
                             preferred_element_type=jnp.float32)
                     + b3_ref[...]) * _BN)

    fin = jnp.zeros((1, Cout), jnp.float32)
    for w in range(16):
        t_w = jnp.sum(A * W[:, w:w + 1], axis=0, keepdims=True)
        fin = fin + jnp.dot(t_w, lw_ref[...][w],
                            preferred_element_type=jnp.float32)
    fin = jax.nn.relu((fin + lb_ref[...]) * _BN)
    o_ref[...] = fin[None]


def _sa3(xyz_t, pts_t, p, bandwidth):
    B, N, _ = xyz_t.shape
    Cpts = pts_t.shape[2]
    Cout = p['conv_w'].shape[0]
    inv_den = _inv_density(xyz_t, bandwidth)[:, :, None]
    cwa = p['conv_w'].T[0:3]
    cwb = p['conv_w'].T[3:]
    (w1, b1), (w2, b2), (w3, b3) = p['wn']
    lw = jnp.transpose(p['lin_w'].reshape(Cout, Cout, 16), (2, 1, 0))
    return pl.pallas_call(
        _sa3_kernel,
        grid=(B,),
        in_specs=[
            pl.BlockSpec((1, N, 3), lambda b: (b, 0, 0)),
            pl.BlockSpec((1, N, 1), lambda b: (b, 0, 0)),
            pl.BlockSpec((1, N, Cpts), lambda b: (b, 0, 0)),
            pl.BlockSpec((3, Cout), lambda b: (0, 0)),
            pl.BlockSpec((Cpts, Cout), lambda b: (0, 0)),
            pl.BlockSpec((1, Cout), lambda b: (0, 0)),
            pl.BlockSpec((3, 8), lambda b: (0, 0)),
            pl.BlockSpec((1, 8), lambda b: (0, 0)),
            pl.BlockSpec((8, 8), lambda b: (0, 0)),
            pl.BlockSpec((1, 8), lambda b: (0, 0)),
            pl.BlockSpec((8, 16), lambda b: (0, 0)),
            pl.BlockSpec((1, 16), lambda b: (0, 0)),
            pl.BlockSpec((16, Cout, Cout), lambda b: (0, 0, 0)),
            pl.BlockSpec((1, Cout), lambda b: (0, 0)),
        ],
        out_specs=pl.BlockSpec((1, 1, Cout), lambda b: (b, 0, 0)),
        out_shape=jax.ShapeDtypeStruct((B, 1, Cout), jnp.float32),
    )(xyz_t, inv_den, pts_t, cwa, cwb, p['conv_b'][None, :],
      w1.T, b1[None, :], w2.T, b2[None, :], w3.T, b3[None, :],
      lw, p['lin_b'][None, :])[:, 0, :]



def _head_kernel(x_ref, w1_ref, b1_ref, g_ref, be_ref, w2_ref, b2_ref, o_ref):
    x = x_ref[...]
    y = jnp.dot(x, w1_ref[...].T, preferred_element_type=jnp.float32)
    y = y + b1_ref[...][None, :]
    mean = jnp.mean(y, axis=1, keepdims=True)
    var = jnp.mean((y - mean) ** 2, axis=1, keepdims=True)
    y = (y - mean) / jnp.sqrt(var + 1e-5)
    y = y * g_ref[...][None, :] + be_ref[...][None, :]
    y = jax.nn.relu(y)
    z = jnp.dot(y, w2_ref[...].T, preferred_element_type=jnp.float32)
    z = z + b2_ref[...][None, :]
    z = z - jax.scipy.special.logsumexp(z, axis=1, keepdims=True)
    o_ref[...] = jnp.broadcast_to(z[:, :, None], o_ref.shape)


def _head(xcat, params):
    B = xcat.shape[0]
    return pl.pallas_call(
        _head_kernel,
        out_shape=jax.ShapeDtypeStruct((B, 2, 1024), jnp.float32),
    )(xcat, params['conv1_w'], params['conv1_b'], params['gn_g'],
      params['gn_b'], params['conv2_w'], params['conv2_b'])



def _sa_stage(xyz_t, pts_t, p, npoint, nsample, bandwidth, Sb):
    fps_idx = _fps(xyz_t, npoint)
    inv_den = _inv_density(xyz_t, bandwidth)
    new_xyz = _index_points(xyz_t, fps_idx)
    dist = _square_distance(new_xyz, xyz_t)
    _, idx = jax.lax.top_k(-dist, nsample)
    out = _sa_layer(xyz_t, pts_t, inv_den, idx, new_xyz, p, Sb)
    return new_xyz, out


def _encode(xyz, params):
    xyz_t = jnp.swapaxes(xyz, 1, 2)
    l1_xyz, l1_pts = _sa_stage(xyz_t, xyz_t, params['sa1'], 512, 32, 0.1, 64)
    l2_xyz, l2_pts = _sa_stage(l1_xyz, l1_pts, params['sa2'], 128, 64, 0.2, 32)
    return _sa3(l2_xyz, l2_pts, params['sa3'], 0.4)


@jax.jit
def _run(xyz, xyz_goal, params):
    feats_x = _encode(xyz, params)
    feats_g = _encode(xyz_goal, params)
    xcat = jnp.concatenate([feats_x, feats_g], axis=-1)
    return _head(xcat, params)


def kernel(xyz, xyz_goal, params):
    return _run(xyz, xyz_goal, params)

# --- scband reference (transcript-rebuilt; emitter-appended) ---
"""Pipeline reference for scband-mani-point-segment3-44169443672119 (READ-ONLY COPY).

The authoritative reference and input builder live on the scoring server;
editing this copy changes nothing except your own understanding.
"""

import jax, jax.numpy as jnp
import numpy as np

def square_distance(src, dst):
    dist = -2.0 * jnp.matmul(src, jnp.swapaxes(dst, 1, 2))
    dist = dist + jnp.sum(src ** 2, -1)[:, :, None]
    dist = dist + jnp.sum(dst ** 2, -1)[:, None, :]
    return dist

def index_points(points, idx):
    return jax.vmap(lambda p, i: p[i])(points, idx)

def farthest_point_sample(xyz, npoint):
    xyz = jax.lax.stop_gradient(xyz)
    B, N, C = xyz.shape
    def body(i, state):
        centroids, distance, farthest = state
        centroids = centroids.at[:, i].set(farthest)
        centroid = jnp.take_along_axis(xyz, farthest[:, None, None], axis=1)
        d = jnp.sum((xyz - centroid) ** 2, -1)
        distance = jnp.minimum(distance, d)
        farthest = jnp.argmax(distance, axis=-1).astype(jnp.int32)
        return (centroids, distance, farthest)
    init = (jnp.zeros((B, npoint), jnp.int32), jnp.full((B, N), 1e10, xyz.dtype), jnp.zeros((B,), jnp.int32))
    centroids, _, _ = jax.lax.fori_loop(0, npoint, body, init)
    return centroids

def compute_density(xyz, bandwidth):
    sqrdists = square_distance(xyz, xyz)
    g = jnp.exp(-sqrdists / (2.0 * bandwidth * bandwidth)) / (2.5 * bandwidth)
    return jnp.mean(g, axis=-1)

def bn_eval(x):
    return x / jnp.sqrt(1.0 + 1e-5)

def conv1x1(x, w, b):
    return jnp.einsum('oi,bihw->bohw', w, x) + b[None, :, None, None]

def weightnet(x, wn):
    for (cw, cb) in wn:
        x = jax.nn.relu(bn_eval(conv1x1(x, cw, cb)))
    return x

def pointconv_sa(xyz, points, p, npoint, nsample, bandwidth, group_all):
    B, _, N = xyz.shape
    xyz_t = jnp.swapaxes(xyz, 1, 2)
    pts_t = jnp.swapaxes(points, 1, 2)
    inv_density = (1.0 / compute_density(xyz_t, bandwidth))[:, :, None]
    if group_all:
        new_xyz = jnp.zeros((B, 1, 3), xyz.dtype)
        grouped_xyz_norm = xyz_t[:, None, :, :]
        new_points = jnp.concatenate([grouped_xyz_norm, pts_t[:, None, :, :]], -1)
        grouped_density = inv_density[:, None, :, :]
        S = 1
    else:
        fps_idx = farthest_point_sample(xyz_t, npoint)
        new_xyz = index_points(xyz_t, fps_idx)
        sqrd = jax.lax.stop_gradient(square_distance(new_xyz, xyz_t))
        _, idx = jax.lax.top_k(-sqrd, nsample)
        grouped_xyz = index_points(xyz_t, idx)
        grouped_xyz_norm = grouped_xyz - new_xyz[:, :, None, :]
        new_points = jnp.concatenate([grouped_xyz_norm, index_points(pts_t, idx)], -1)
        grouped_density = index_points(inv_density, idx)
        S = npoint
    new_points = jnp.transpose(new_points, (0, 3, 2, 1))
    new_points = jax.nn.relu(bn_eval(conv1x1(new_points, p['conv_w'], p['conv_b'])))
    density_scale = grouped_density / jnp.max(grouped_density, axis=2, keepdims=True)
    new_points = new_points * jnp.transpose(density_scale, (0, 3, 2, 1))
    weights = weightnet(jnp.transpose(grouped_xyz_norm, (0, 3, 2, 1)), p['wn'])
    out = jnp.matmul(jnp.transpose(new_points, (0, 3, 1, 2)), jnp.transpose(weights, (0, 3, 2, 1))).reshape(B, S, -1)
    out = out @ p['lin_w'].T + p['lin_b']
    out = jax.nn.relu(bn_eval(jnp.swapaxes(out, 1, 2)))
    return jnp.swapaxes(new_xyz, 1, 2), out

def encode(xyz, params):
    l1_xyz, l1_points = pointconv_sa(xyz, xyz, params['sa1'], 512, 32, 0.1, False)
    l2_xyz, l2_points = pointconv_sa(l1_xyz, l1_points, params['sa2'], 128, 64, 0.2, False)
    _, l3_points = pointconv_sa(l2_xyz, l2_points, params['sa3'], 1, None, 0.4, True)
    return l3_points.reshape(xyz.shape[0], 256)

def group_norm(x, gamma, beta, eps=1e-5):
    mean = jnp.mean(x, axis=(1, 2), keepdims=True)
    var = jnp.var(x, axis=(1, 2), keepdims=True)
    return (x - mean) / jnp.sqrt(var + eps) * gamma[None, :, None] + beta[None, :, None]

def _forward(xyz, xyz_goal, params):
    B = xyz.shape[0]
    x = encode(xyz, params)
    g = encode(xyz_goal, params)
    x = jnp.concatenate([x, g], axis=-1)[:, :, None]
    x = jnp.tile(x, (1, 1, 1024))
    x = jnp.einsum('oi,bil->bol', params['conv1_w'], x) + params['conv1_b'][None, :, None]
    x = jax.nn.relu(group_norm(x, params['gn_g'], params['gn_b']))
    x = jnp.einsum('oi,bil->bol', params['conv2_w'], x) + params['conv2_b'][None, :, None]
    return jax.nn.log_softmax(x, axis=1)

def _mk_sa(key, in_ch, out_ch):
    ks = jax.random.split(key, 5)
    wn = [
        (jax.random.normal(ks[0], (8, 3), jnp.float32) * 0.1, jnp.zeros((8,), jnp.float32)),
        (jax.random.normal(ks[1], (8, 8), jnp.float32) * 0.1, jnp.zeros((8,), jnp.float32)),
        (jax.random.normal(ks[2], (16, 8), jnp.float32) * 0.1, jnp.zeros((16,), jnp.float32)),
    ]
    return {'conv_w': jax.random.normal(ks[3], (out_ch, in_ch), jnp.float32) * 0.1,
            'conv_b': jnp.zeros((out_ch,), jnp.float32),
            'wn': wn,
            'lin_w': jax.random.normal(ks[4], (out_ch, 16 * out_ch), jnp.float32) * 0.05,
            'lin_b': jnp.zeros((out_ch,), jnp.float32)}

def setup_inputs(seed: int = 0):
    key = jax.random.key(seed)
    k = jax.random.split(key, 7)
    params = {'sa1': _mk_sa(k[2], 6, 64), 'sa2': _mk_sa(k[3], 67, 128), 'sa3': _mk_sa(k[4], 131, 256),
              'conv1_w': jax.random.normal(k[5], (256, 512), jnp.float32) * 0.05,
              'conv1_b': jnp.zeros((256,), jnp.float32),
              'gn_g': jnp.ones((256,), jnp.float32), 'gn_b': jnp.zeros((256,), jnp.float32),
              'conv2_w': jax.random.normal(k[6], (2, 256), jnp.float32) * 0.05,
              'conv2_b': jnp.zeros((2,), jnp.float32)}
    return {'xyz': jax.random.normal(k[0], (16, 3, 1024), jnp.float32),
            'xyz_goal': jax.random.normal(k[1], (16, 3, 1024), jnp.float32),
            'params': params}

def reference(xyz, xyz_goal, params):
    return _forward(xyz, xyz_goal, params)

if __name__ == "__main__":
    import jax
    _d = setup_inputs()
    print(jax.jit(kernel)(*tuple(_d.values())))

</pallas_src>

<mosaic_0001>
module attributes {stable_mosaic.version = 14 : i64} {
  func.func @_fps_kernel(%arg0: memref<16x1024xf32, #tpu.memory_space<vmem>>, %arg1: memref<16x1024xf32, #tpu.memory_space<vmem>>, %arg2: memref<16x1024xf32, #tpu.memory_space<vmem>>, %arg3: memref<16x512xi32, #tpu.memory_space<vmem>>) attributes {dimension_semantics = [], scalar_prefetch = 0 : i64, scratch_operands = 0 : i64, tpu.core_type = #tpu.core_type<tc>} {
    %get3A = arith.constant 0 : index
    %get3A_0 = arith.constant 0 : index
    %get3A_1 = vector.load %arg0[%get3A, %get3A_0] : memref<16x1024xf32, #tpu.memory_space<vmem>>, vector<16x1024xf32>
    %get3A_2 = arith.constant 0 : index
    %get3A_3 = arith.constant 0 : index
    %get3A_4 = vector.load %arg1[%get3A_2, %get3A_3] : memref<16x1024xf32, #tpu.memory_space<vmem>>, vector<16x1024xf32>
    %get3A_5 = arith.constant 0 : index
    %get3A_6 = arith.constant 0 : index
    %get3A_7 = vector.load %arg2[%get3A_5, %get3A_6] : memref<16x1024xf32, #tpu.memory_space<vmem>>, vector<16x1024xf32>
    %iota3A = tpu.iota {dimensions = array<i32: 1>} : vector<16x1024xi32>
    %iota3A_8 = tpu.iota {dimensions = array<i32: 1>} : vector<16x512xi32>
    %broadcast_in_dim3A = arith.constant 0 : i32
    %broadcast_in_dim3A_9 = vector.broadcast %broadcast_in_dim3A : i32 to vector<16x512xi32>
    %swap3A = arith.constant 0 : index
    %swap3A_10 = arith.constant 0 : index
    %swap3A_11 = vector.load %arg3[%swap3A, %swap3A_10] : memref<16x512xi32, #tpu.memory_space<vmem>>, vector<16x512xi32>
    tpu.vector_store %arg3[%swap3A, %swap3A_10], %broadcast_in_dim3A_9 {strides = array<i32>} : memref<16x512xi32, #tpu.memory_space<vmem>>, vector<16x512xi32>,
    %broadcast_in_dim3A_12 = arith.constant 1.000000e+10 : f32
    %broadcast_in_dim3A_13 = vector.broadcast %broadcast_in_dim3A_12 : f32 to vector<16x1024xf32>
    %broadcast_in_dim3A_14 = arith.constant 0 : i32
    %broadcast_in_dim3A_15 = vector.broadcast %broadcast_in_dim3A_14 : i32 to vector<16x1xi32>
    %slice3A = vector.extract_strided_slice %get3A_1 {offsets = [0, 0], sizes = [16, 1], strides = [1, 1]} : vector<16x1024xf32> to vector<16x1xf32>
    %slice3A_16 = vector.extract_strided_slice %get3A_4 {offsets = [0, 0], sizes = [16, 1], strides = [1, 1]} : vector<16x1024xf32> to vector<16x1xf32>
    %slice3A_17 = vector.extract_strided_slice %get3A_7 {offsets = [0, 0], sizes = [16, 1], strides = [1, 1]} : vector<16x1024xf32> to vector<16x1xf32>
    %scan3A = arith.constant 0 : i32
    %scan3A_18 = arith.constant 512 : i32
    %scan3A_19 = arith.addi %scan3A, %scan3A_18 : i32
    %scan3A_20 = arith.constant 1 : i32
    %scan3A_21:5 = scf.for %scan3A_23 = %scan3A to %scan3A_19 step %scan3A_20 iter_args(%scan3A_24 = %broadcast_in_dim3A_13, %scan3A_25 = %broadcast_in_dim3A_15, %scan3A_26 = %slice3A, %scan3A_27 = %slice3A_16, %scan3A_28 = %slice3A_17) -> (vector<16x1024xf32>, vector<16x1xi32>, vector<16x1xf32>, vector<16x1xf32>, vector<16x1xf32>)  : i32 {
      %eq3A = vector.broadcast %scan3A_23 : i32 to vector<16x512xi32>
      %eq3A_29 = arith.cmpi eq, %iota3A_8, %eq3A : vector<16x512xi32>
      %get3A_30 = arith.constant 0 : index
      %get3A_31 = arith.constant 0 : index
      %get3A_32 = vector.load %arg3[%get3A_30, %get3A_31] : memref<16x512xi32, #tpu.memory_space<vmem>>, vector<16x512xi32>
      %broadcast_in_dim3A_33 = vector.shape_cast %scan3A_25 : vector<16x1xi32> to vector<16x1xi32>
      %broadcast_in_dim3A_34 = vector.broadcast %broadcast_in_dim3A_33 : vector<16x1xi32> to vector<16x512xi32>
      %select_n3A = arith.select %eq3A_29, %broadcast_in_dim3A_34, %get3A_32 : vector<16x512xi1>, vector<16x512xi32>
      %swap3A_35 = arith.constant 0 : index
      %swap3A_36 = arith.constant 0 : index
      %swap3A_37 = vector.load %arg3[%swap3A_35, %swap3A_36] : memref<16x512xi32, #tpu.memory_space<vmem>>, vector<16x512xi32>
      tpu.vector_store %arg3[%swap3A_35, %swap3A_36], %select_n3A {strides = array<i32>} : memref<16x512xi32, #tpu.memory_space<vmem>>, vector<16x512xi32>,
      %sub3A = vector.broadcast %scan3A_26 : vector<16x1xf32> to vector<16x1024xf32>
      %sub3A_38 = arith.subf %get3A_1, %sub3A : vector<16x1024xf32>
      %integer_pow3A = arith.mulf %sub3A_38, %sub3A_38 : vector<16x1024xf32>
      %sub3A_39 = vector.broadcast %scan3A_27 : vector<16x1xf32> to vector<16x1024xf32>
      %sub3A_40 = arith.subf %get3A_4, %sub3A_39 : vector<16x1024xf32>
      %integer_pow3A_41 = arith.mulf %sub3A_40, %sub3A_40 : vector<16x1024xf32>
      %add3A = arith.addf %integer_pow3A, %integer_pow3A_41 : vector<16x1024xf32>
      %sub3A_42 = vector.broadcast %scan3A_28 : vector<16x1xf32> to vector<16x1024xf32>
      %sub3A_43 = arith.subf %get3A_7, %sub3A_42 : vector<16x1024xf32>
      %integer_pow3A_44 = arith.mulf %sub3A_43, %sub3A_43 : vector<16x1024xf32>
      %add3A_45 = arith.addf %add3A, %integer_pow3A_44 : vector<16x1024xf32>
      %min3A = arith.minimumf %scan3A_24, %add3A_45 : vector<16x1024xf32>
      %reduce_max3A = arith.constant dense<0xFF800000> : vector<16xf32>
      %reduce_max3A_46 = vector.multi_reduction <maximumf>, %min3A, %reduce_max3A [1] : vector<16x1024xf32> to vector<16xf32>
      %broadcast_in_dim3A_47 = vector.shape_cast %reduce_max3A_46 : vector<16xf32> to vector<16x1xf32>
      %eq3A_48 = vector.broadcast %broadcast_in_dim3A_47 : vector<16x1xf32> to vector<16x1024xf32>
      %eq3A_49 = arith.cmpf oeq, %min3A, %eq3A_48 : vector<16x1024xf32>
      %jit3A = arith.constant 1024 : i32
      %broadcast_in_dim3A_50 = vector.broadcast %jit3A : i32 to vector<16x1024xi32>
      %select_n3A_51 = arith.select %eq3A_49, %iota3A, %broadcast_in_dim3A_50 : vector<16x1024xi1>, vector<16x1024xi32>
      %reduce_min3A = arith.constant dense<2147483647> : vector<16xi32>
      %reduce_min3A_52 = vector.multi_reduction <minsi>, %select_n3A_51, %reduce_min3A [1] : vector<16x1024xi32> to vector<16xi32>
      %broadcast_in_dim3A_53 = vector.shape_cast %reduce_min3A_52 : vector<16xi32> to vector<16x1xi32>
      %eq3A_54 = vector.broadcast %broadcast_in_dim3A_53 : vector<16x1xi32> to vector<16x1024xi32>
      %eq3A_55 = arith.cmpi eq, %iota3A, %eq3A_54 : vector<16x1024xi32>
      %jit3A_56 = arith.constant 0.000000e+00 : f32
      %broadcast_in_dim3A_57 = vector.broadcast %jit3A_56 : f32 to vector<16x1024xf32>
      %select_n3A_58 = arith.select %eq3A_55, %get3A_1, %broadcast_in_dim3A_57 : vector<16x1024xi1>, vector<16x1024xf32>
      %reduce_sum3A = arith.constant dense<0.000000e+00> : vector<16xf32>
      %reduce_sum3A_59 = vector.multi_reduction <add>, %select_n3A_58, %reduce_sum3A [1] : vector<16x1024xf32> to vector<16xf32>
      %broadcast_in_dim3A_60 = vector.shape_cast %reduce_sum3A_59 : vector<16xf32> to vector<16x1xf32>
      %jit3A_61 = arith.constant 0.000000e+00 : f32
      %broadcast_in_dim3A_62 = vector.broadcast %jit3A_61 : f32 to vector<16x1024xf32>
      %select_n3A_63 = arith.select %eq3A_55, %get3A_4, %broadcast_in_dim3A_62 : vector<16x1024xi1>, vector<16x1024xf32>
      %reduce_sum3A_64 = arith.constant dense<0.000000e+00> : vector<16xf32>
      %reduce_sum3A_65 = vector.multi_reduction <add>, %select_n3A_63, %reduce_sum3A_64 [1] : vector<16x1024xf32> to vector<16xf32>
      %broadcast_in_dim3A_66 = vector.shape_cast %reduce_sum3A_65 : vector<16xf32> to vector<16x1xf32>
      %jit3A_67 = arith.constant 0.000000e+00 : f32
      %broadcast_in_dim3A_68 = vector.broadcast %jit3A_67 : f32 to vector<16x1024xf32>
      %select_n3A_69 = arith.select %eq3A_55, %get3A_7, %broadcast_in_dim3A_68 : vector<16x1024xi1>, vector<16x1024xf32>
      %reduce_sum3A_70 = arith.constant dense<0.000000e+00> : vector<16xf32>
      %reduce_sum3A_71 = vector.multi_reduction <add>, %select_n3A_69, %reduce_sum3A_70 [1] : vector<16x1024xf32> to vector<16xf32>
      %broadcast_in_dim3A_72 = vector.shape_cast %reduce_sum3A_71 : vector<16xf32> to vector<16x1xf32>
      scf.yield %min3A, %broadcast_in_dim3A_53, %broadcast_in_dim3A_60, %broadcast_in_dim3A_66, %broadcast_in_dim3A_72 : vector<16x1024xf32>, vector<16x1xi32>, vector<16x1xf32>, vector<16x1xf32>, vector<16x1xf32>
    }
    %scan3A_22 = arith.constant 512 : i32
    return
  }
}

module attributes {stable_mosaic.version = 14 : i64} {
  func.func @_fps_kernel(%arg0: memref<16x512xf32, #tpu.memory_space<vmem>>, %arg1: memref<16x512xf32, #tpu.memory_space<vmem>>, %arg2: memref<16x512xf32, #tpu.memory_space<vmem>>, %arg3: memref<16x128xi32, #tpu.memory_space<vmem>>) attributes {dimension_semantics = [], scalar_prefetch = 0 : i64, scratch_operands = 0 : i64, tpu.core_type = #tpu.core_type<tc>} {
    %get3A = arith.constant 0 : index
    %get3A_0 = arith.constant 0 : index
    %get3A_1 = vector.load %arg0[%get3A, %get3A_0] : memref<16x512xf32, #tpu.memory_space<vmem>>, vector<16x512xf32>
    %get3A_2 = arith.constant 0 : index
    %get3A_3 = arith.constant 0 : index
    %get3A_4 = vector.load %arg1[%get3A_2, %get3A_3] : memref<16x512xf32, #tpu.memory_space<vmem>>, vector<16x512xf32>
    %get3A_5 = arith.constant 0 : index
    %get3A_6 = arith.constant 0 : index
    %get3A_7 = vector.load %arg2[%get3A_5, %get3A_6] : memref<16x512xf32, #tpu.memory_space<vmem>>, vector<16x512xf32>
    %iota3A = tpu.iota {dimensions = array<i32: 1>} : vector<16x512xi32>
    %iota3A_8 = tpu.iota {dimensions = array<i32: 1>} : vector<16x128xi32>
    %broadcast_in_dim3A = arith.constant 0 : i32
    %broadcast_in_dim3A_9 = vector.broadcast %broadcast_in_dim3A : i32 to vector<16x128xi32>
    %swap3A = arith.constant 0 : index
    %swap3A_10 = arith.constant 0 : index
    %swap3A_11 = vector.load %arg3[%swap3A, %swap3A_10] : memref<16x128xi32, #tpu.memory_space<vmem>>, vector<16x128xi32>
    tpu.vector_store %arg3[%swap3A, %swap3A_10], %broadcast_in_dim3A_9 {strides = array<i32>} : memref<16x128xi32, #tpu.memory_space<vmem>>, vector<16x128xi32>,
    %broadcast_in_dim3A_12 = arith.constant 1.000000e+10 : f32
    %broadcast_in_dim3A_13 = vector.broadcast %broadcast_in_dim3A_12 : f32 to vector<16x512xf32>
    %broadcast_in_dim3A_14 = arith.constant 0 : i32
    %broadcast_in_dim3A_15 = vector.broadcast %broadcast_in_dim3A_14 : i32 to vector<16x1xi32>
    %slice3A = vector.extract_strided_slice %get3A_1 {offsets = [0, 0], sizes = [16, 1], strides = [1, 1]} : vector<16x512xf32> to vector<16x1xf32>
    %slice3A_16 = vector.extract_strided_slice %get3A_4 {offsets = [0, 0], sizes = [16, 1], strides = [1, 1]} : vector<16x512xf32> to vector<16x1xf32>
    %slice3A_17 = vector.extract_strided_slice %get3A_7 {offsets = [0, 0], sizes = [16, 1], strides = [1, 1]} : vector<16x512xf32> to vector<16x1xf32>
    %scan3A = arith.constant 0 : i32
    %scan3A_18 = arith.constant 128 : i32
    %scan3A_19 = arith.addi %scan3A, %scan3A_18 : i32
    %scan3A_20 = arith.constant 1 : i32
    %scan3A_21:5 = scf.for %scan3A_23 = %scan3A to %scan3A_19 step %scan3A_20 iter_args(%scan3A_24 = %broadcast_in_dim3A_13, %scan3A_25 = %broadcast_in_dim3A_15, %scan3A_26 = %slice3A, %scan3A_27 = %slice3A_16, %scan3A_28 = %slice3A_17) -> (vector<16x512xf32>, vector<16x1xi32>, vector<16x1xf32>, vector<16x1xf32>, vector<16x1xf32>)  : i32 {
      %eq3A = vector.broadcast %scan3A_23 : i32 to vector<16x128xi32>
      %eq3A_29 = arith.cmpi eq, %iota3A_8, %eq3A : vector<16x128xi32>
      %get3A_30 = arith.constant 0 : index
      %get3A_31 = arith.constant 0 : index
      %get3A_32 = vector.load %arg3[%get3A_30, %get3A_31] : memref<16x128xi32, #tpu.memory_space<vmem>>, vector<16x128xi32>
      %broadcast_in_dim3A_33 = vector.shape_cast %scan3A_25 : vector<16x1xi32> to vector<16x1xi32>
      %broadcast_in_dim3A_34 = vector.broadcast %broadcast_in_dim3A_33 : vector<16x1xi32> to vector<16x128xi32>
      %select_n3A = arith.select %eq3A_29, %broadcast_in_dim3A_34, %get3A_32 : vector<16x128xi1>, vector<16x128xi32>
      %swap3A_35 = arith.constant 0 : index
      %swap3A_36 = arith.constant 0 : index
      %swap3A_37 = vector.load %arg3[%swap3A_35, %swap3A_36] : memref<16x128xi32, #tpu.memory_space<vmem>>, vector<16x128xi32>
      tpu.vector_store %arg3[%swap3A_35, %swap3A_36], %select_n3A {strides = array<i32>} : memref<16x128xi32, #tpu.memory_space<vmem>>, vector<16x128xi32>,
      %sub3A = vector.broadcast %scan3A_26 : vector<16x1xf32> to vector<16x512xf32>
      %sub3A_38 = arith.subf %get3A_1, %sub3A : vector<16x512xf32>
      %integer_pow3A = arith.mulf %sub3A_38, %sub3A_38 : vector<16x512xf32>
      %sub3A_39 = vector.broadcast %scan3A_27 : vector<16x1xf32> to vector<16x512xf32>
      %sub3A_40 = arith.subf %get3A_4, %sub3A_39 : vector<16x512xf32>
      %integer_pow3A_41 = arith.mulf %sub3A_40, %sub3A_40 : vector<16x512xf32>
      %add3A = arith.addf %integer_pow3A, %integer_pow3A_41 : vector<16x512xf32>
      %sub3A_42 = vector.broadcast %scan3A_28 : vector<16x1xf32> to vector<16x512xf32>
      %sub3A_43 = arith.subf %get3A_7, %sub3A_42 : vector<16x512xf32>
      %integer_pow3A_44 = arith.mulf %sub3A_43, %sub3A_43 : vector<16x512xf32>
      %add3A_45 = arith.addf %add3A, %integer_pow3A_44 : vector<16x512xf32>
      %min3A = arith.minimumf %scan3A_24, %add3A_45 : vector<16x512xf32>
      %reduce_max3A = arith.constant dense<0xFF800000> : vector<16xf32>
      %reduce_max3A_46 = vector.multi_reduction <maximumf>, %min3A, %reduce_max3A [1] : vector<16x512xf32> to vector<16xf32>
      %broadcast_in_dim3A_47 = vector.shape_cast %reduce_max3A_46 : vector<16xf32> to vector<16x1xf32>
      %eq3A_48 = vector.broadcast %broadcast_in_dim3A_47 : vector<16x1xf32> to vector<16x512xf32>
      %eq3A_49 = arith.cmpf oeq, %min3A, %eq3A_48 : vector<16x512xf32>
      %jit3A = arith.constant 512 : i32
      %broadcast_in_dim3A_50 = vector.broadcast %jit3A : i32 to vector<16x512xi32>
      %select_n3A_51 = arith.select %eq3A_49, %iota3A, %broadcast_in_dim3A_50 : vector<16x512xi1>, vector<16x512xi32>
      %reduce_min3A = arith.constant dense<2147483647> : vector<16xi32>
      %reduce_min3A_52 = vector.multi_reduction <minsi>, %select_n3A_51, %reduce_min3A [1] : vector<16x512xi32> to vector<16xi32>
      %broadcast_in_dim3A_53 = vector.shape_cast %reduce_min3A_52 : vector<16xi32> to vector<16x1xi32>
      %eq3A_54 = vector.broadcast %broadcast_in_dim3A_53 : vector<16x1xi32> to vector<16x512xi32>
      %eq3A_55 = arith.cmpi eq, %iota3A, %eq3A_54 : vector<16x512xi32>
      %jit3A_56 = arith.constant 0.000000e+00 : f32
      %broadcast_in_dim3A_57 = vector.broadcast %jit3A_56 : f32 to vector<16x512xf32>
      %select_n3A_58 = arith.select %eq3A_55, %get3A_1, %broadcast_in_dim3A_57 : vector<16x512xi1>, vector<16x512xf32>
      %reduce_sum3A = arith.constant dense<0.000000e+00> : vector<16xf32>
      %reduce_sum3A_59 = vector.multi_reduction <add>, %select_n3A_58, %reduce_sum3A [1] : vector<16x512xf32> to vector<16xf32>
      %broadcast_in_dim3A_60 = vector.shape_cast %reduce_sum3A_59 : vector<16xf32> to vector<16x1xf32>
      %jit3A_61 = arith.constant 0.000000e+00 : f32
      %broadcast_in_dim3A_62 = vector.broadcast %jit3A_61 : f32 to vector<16x512xf32>
      %select_n3A_63 = arith.select %eq3A_55, %get3A_4, %broadcast_in_dim3A_62 : vector<16x512xi1>, vector<16x512xf32>
      %reduce_sum3A_64 = arith.constant dense<0.000000e+00> : vector<16xf32>
      %reduce_sum3A_65 = vector.multi_reduction <add>, %select_n3A_63, %reduce_sum3A_64 [1] : vector<16x512xf32> to vector<16xf32>
      %broadcast_in_dim3A_66 = vector.shape_cast %reduce_sum3A_65 : vector<16xf32> to vector<16x1xf32>
      %jit3A_67 = arith.constant 0.000000e+00 : f32
      %broadcast_in_dim3A_68 = vector.broadcast %jit3A_67 : f32 to vector<16x512xf32>
      %select_n3A_69 = arith.select %eq3A_55, %get3A_7, %broadcast_in_dim3A_68 : vector<16x512xi1>, vector<16x512xf32>
      %reduce_sum3A_70 = arith.constant dense<0.000000e+00> : vector<16xf32>
      %reduce_sum3A_71 = vector.multi_reduction <add>, %select_n3A_69, %reduce_sum3A_70 [1] : vector<16x512xf32> to vector<16xf32>
      %broadcast_in_dim3A_72 = vector.shape_cast %reduce_sum3A_71 : vector<16xf32> to vector<16x1xf32>
      scf.yield %min3A, %broadcast_in_dim3A_53, %broadcast_in_dim3A_60, %broadcast_in_dim3A_66, %broadcast_in_dim3A_72 : vector<16x512xf32>, vector<16x1xi32>, vector<16x1xf32>, vector<16x1xf32>, vector<16x1xf32>
    }
    %scan3A_22 = arith.constant 128 : i32
    return
  }
}

module attributes {stable_mosaic.version = 14 : i64} {
  func.func @_sa_kernel(%arg0: i32, %arg1: i32, %arg2: memref<1x1024x7xf32, #tpu.memory_space<vmem>>, %arg3: memref<1x64x32x1xi32, #tpu.memory_space<vmem>>, %arg4: memref<1x64x3xf32, #tpu.memory_space<vmem>>, %arg5: memref<3x64xf32, #tpu.memory_space<vmem>>, %arg6: memref<3x64xf32, #tpu.memory_space<vmem>>, %arg7: memref<1x64xf32, #tpu.memory_space<vmem>>, %arg8: memref<3x8xf32, #tpu.memory_space<vmem>>, %arg9: memref<1x8xf32, #tpu.memory_space<vmem>>, %arg10: memref<8x8xf32, #tpu.memory_space<vmem>>, %arg11: memref<1x8xf32, #tpu.memory_space<vmem>>, %arg12: memref<8x16xf32, #tpu.memory_space<vmem>>, %arg13: memref<1x16xf32, #tpu.memory_space<vmem>>, %arg14: memref<16x64x64xf32, #tpu.memory_space<vmem>>, %arg15: memref<1x64xf32, #tpu.memory_space<vmem>>, %arg16: memref<1x64x64xf32, #tpu.memory_space<vmem>>) attributes {dimension_semantics = [#tpu.dimension_semantics<arbitrary>, #tpu.dimension_semantics<arbitrary>], iteration_bounds = array<i64: 16, 8>, scalar_prefetch = 0 : i64, scratch_operands = 0 : i64, tpu.core_type = #tpu.core_type<tc>, window_params = [{transform_indices = @transform_0, window_bounds = array<i64: 1, 1024, 7>}, {transform_indices = @transform_1, window_bounds = array<i64: 1, 64, 32, 1>}, {transform_indices = @transform_2, window_bounds = array<i64: 1, 64, 3>}, {pipeline_mode = #tpu.pipeline_mode<synchronous>, transform_indices = @transform_3, window_bounds = array<i64: 3, 64>}, {pipeline_mode = #tpu.pipeline_mode<synchronous>, transform_indices = @transform_4, window_bounds = array<i64: 3, 64>}, {pipeline_mode = #tpu.pipeline_mode<synchronous>, transform_indices = @transform_5, window_bounds = array<i64: 1, 64>}, {pipeline_mode = #tpu.pipeline_mode<synchronous>, transform_indices = @transform_6, window_bounds = array<i64: 3, 8>}, {pipeline_mode = #tpu.pipeline_mode<synchronous>, transform_indices = @transform_7, window_bounds = array<i64: 1, 8>}, {pipeline_mode = #tpu.pipeline_mode<synchronous>, transform_indices = @transform_8, window_bounds = array<i64: 8, 8>}, {pipeline_mode = #tpu.pipeline_mode<synchronous>, transform_indices = @transform_9, window_bounds = array<i64: 1, 8>}, {pipeline_mode = #tpu.pipeline_mode<synchronous>, transform_indices = @transform_10, window_bounds = array<i64: 8, 16>}, {pipeline_mode = #tpu.pipeline_mode<synchronous>, transform_indices = @transform_11, window_bounds = array<i64: 1, 16>}, {pipeline_mode = #tpu.pipeline_mode<synchronous>, transform_indices = @transform_12, window_bounds = array<i64: 16, 64, 64>}, {pipeline_mode = #tpu.pipeline_mode<synchronous>, transform_indices = @transform_13, window_bounds = array<i64: 1, 64>}, {transform_indices = @transform_14, window_bounds = array<i64: 1, 64, 64>}]} {
    %get3A = arith.constant 0 : index
    %get3A_0 = arith.constant 0 : index
    %get3A_1 = arith.constant 0 : index
    %get3A_2 = vector.load %arg2[%get3A, %get3A_0, %get3A_1] : memref<1x1024x7xf32, #tpu.memory_space<vmem>>, vector<1x1024x7xf32>
    %squeeze3A = vector.shape_cast %get3A_2 : vector<1x1024x7xf32> to vector<1024x7xf32>
    %get3A_3 = arith.constant 0 : index
    %get3A_4 = arith.constant 0 : index
    %get3A_5 = arith.constant 0 : index
    %get3A_6 = arith.constant 0 : index
    %get3A_7 = vector.load %arg3[%get3A_3, %get3A_4, %get3A_5, %get3A_6] : memref<1x64x32x1xi32, #tpu.memory_space<vmem>>, vector<1x64x32x1xi32>
    %reshape3A = vector.shape_cast %get3A_7 : vector<1x64x32x1xi32> to vector<64x32x1xi32>
    %get3A_8 = arith.constant 0 : index
    %get3A_9 = arith.constant 0 : index
    %get3A_10 = arith.constant 0 : index
    %get3A_11 = vector.load %arg4[%get3A_8, %get3A_9, %get3A_10] : memref<1x64x3xf32, #tpu.memory_space<vmem>>, vector<1x64x3xf32>
    %squeeze3A_12 = vector.shape_cast %get3A_11 : vector<1x64x3xf32> to vector<64x3xf32>
    %iota3A = tpu.iota {dimensions = array<i32: 2>} : vector<64x32x1024xi32>
    %eq3A = vector.broadcast %reshape3A : vector<64x32x1xi32> to vector<64x32x1024xi32>
    %eq3A_13 = arith.cmpi eq, %iota3A, %eq3A : vector<64x32x1024xi32>
    %convert_element_type3A = arith.extui %eq3A_13 : vector<64x32x1024xi1> to vector<64x32x1024xi32>
    %convert_element_type3A_14 = arith.sitofp %convert_element_type3A : vector<64x32x1024xi32> to vector<64x32x1024xf32>
    %reshape3A_15 = vector.shape_cast %convert_element_type3A_14 : vector<64x32x1024xf32> to vector<2048x1024xf32>
    %dot_general3A = arith.constant dense<0.000000e+00> : vector<2048x7xf32>
    %dot_general3A_16 = tpu.matmul %reshape3A_15, %squeeze3A, %dot_general3A {dimension_numbers = #tpu.dot_dimension_numbers<[1], [0], [0], [1], [0, 0, 1, 1], [], []>, transpose_lhs_hint = false} : vector<2048x1024xf32>, vector<1024x7xf32>, vector<2048x7xf32> -> vector<2048x7xf32>
    %slice3A = vector.extract_strided_slice %dot_general3A_16 {offsets = [0, 0], sizes = [2048, 3], strides = [1, 1]} : vector<2048x7xf32> to vector<2048x3xf32>
    %slice3A_17 = vector.extract_strided_slice %dot_general3A_16 {offsets = [0, 3], sizes = [2048, 3], strides = [1, 1]} : vector<2048x7xf32> to vector<2048x3xf32>
    %slice3A_18 = vector.extract_strided_slice %dot_general3A_16 {offsets = [0, 6], sizes = [2048, 1], strides = [1, 1]} : vector<2048x7xf32> to vector<2048x1xf32>
    %broadcast_in_dim3A = vector.shape_cast %squeeze3A_12 : vector<64x3xf32> to vector<64x1x3xf32>
    %broadcast_in_dim3A_19 = vector.shape_cast %broadcast_in_dim3A : vector<64x1x3xf32> to vector<64x1x3xf32>
    %broadcast_in_dim3A_20 = vector.broadcast %broadcast_in_dim3A_19 : vector<64x1x3xf32> to vector<64x32x3xf32>
    %reshape3A_21 = vector.shape_cast %broadcast_in_dim3A_20 : vector<64x32x3xf32> to vector<2048x3xf32>
    %sub3A = arith.subf %slice3A, %reshape3A_21 : vector<2048x3xf32>
    %get3A_22 = arith.constant 0 : index
    %get3A_23 = arith.constant 0 : index
    %get3A_24 = vector.load %arg5[%get3A_22, %get3A_23] : memref<3x64xf32, #tpu.memory_space<vmem>>, vector<3x64xf32>
    %dot_general3A_25 = arith.constant dense<0.000000e+00> : vector<2048x64xf32>
    %dot_general3A_26 = tpu.matmul %sub3A, %get3A_24, %dot_general3A_25 {dimension_numbers = #tpu.dot_dimension_numbers<[1], [0], [0], [1], [0, 0, 1, 1], [], []>, transpose_lhs_hint = false} : vector<2048x3xf32>, vector<3x64xf32>, vector<2048x64xf32> -> vector<2048x64xf32>
    %get3A_27 = arith.constant 0 : index
    %get3A_28 = arith.constant 0 : index
    %get3A_29 = vector.load %arg6[%get3A_27, %get3A_28] : memref<3x64xf32, #tpu.memory_space<vmem>>, vector<3x64xf32>
    %dot_general3A_30 = arith.constant dense<0.000000e+00> : vector<2048x64xf32>
    %dot_general3A_31 = tpu.matmul %slice3A_17, %get3A_29, %dot_general3A_30 {dimension_numbers = #tpu.dot_dimension_numbers<[1], [0], [0], [1], [0, 0, 1, 1], [], []>, transpose_lhs_hint = false} : vector<2048x3xf32>, vector<3x64xf32>, vector<2048x64xf32> -> vector<2048x64xf32>
    %add3A = arith.addf %dot_general3A_26, %dot_general3A_31 : vector<2048x64xf32>
    %get3A_32 = arith.constant 0 : index
    %get3A_33 = arith.constant 0 : index
    %get3A_34 = vector.load %arg7[%get3A_32, %get3A_33] : memref<1x64xf32, #tpu.memory_space<vmem>>, vector<1x64xf32>
    %add3A_35 = vector.broadcast %get3A_34 : vector<1x64xf32> to vector<2048x64xf32>
    %add3A_36 = arith.addf %add3A, %add3A_35 : vector<2048x64xf32>
    %mul3A = arith.constant 0.999994993 : f32
    %mul3A_37 = vector.broadcast %mul3A : f32 to vector<2048x64xf32>
    %mul3A_38 = arith.mulf %add3A_36, %mul3A_37 : vector<2048x64xf32>
    %max3A = arith.constant 0.000000e+00 : f32
    %max3A_39 = vector.broadcast %max3A : f32 to vector<2048x64xf32>
    %max3A_40 = arith.maximumf %mul3A_38, %max3A_39 : vector<2048x64xf32>
    %reshape3A_41 = vector.shape_cast %slice3A_18 : vector<2048x1xf32> to vector<64x32x1xf32>
    %reduce_max3A = arith.constant dense<0xFF800000> : vector<64x1xf32>
    %reduce_max3A_42 = vector.multi_reduction <maximumf>, %reshape3A_41, %reduce_max3A [1] : vector<64x32x1xf32> to vector<64x1xf32>
    %broadcast_in_dim3A_43 = vector.shape_cast %reduce_max3A_42 : vector<64x1xf32> to vector<64x1x1xf32>
    %div3A = vector.broadcast %broadcast_in_dim3A_43 : vector<64x1x1xf32> to vector<64x32x1xf32>
    %div3A_44 = arith.divf %reshape3A_41, %div3A : vector<64x32x1xf32>
    %reshape3A_45 = vector.shape_cast %max3A_40 : vector<2048x64xf32> to vector<64x32x64xf32>
    %mul3A_46 = vector.broadcast %div3A_44 : vector<64x32x1xf32> to vector<64x32x64xf32>
    %mul3A_47 = arith.mulf %reshape3A_45, %mul3A_46 : vector<64x32x64xf32>
    %get3A_48 = arith.constant 0 : index
    %get3A_49 = arith.constant 0 : index
    %get3A_50 = vector.load %arg8[%get3A_48, %get3A_49] : memref<3x8xf32, #tpu.memory_space<vmem>>, vector<3x8xf32>
    %dot_general3A_51 = arith.constant dense<0.000000e+00> : vector<2048x8xf32>
    %dot_general3A_52 = tpu.matmul %sub3A, %get3A_50, %dot_general3A_51 {dimension_numbers = #tpu.dot_dimension_numbers<[1], [0], [0], [1], [0, 0, 1, 1], [], []>, transpose_lhs_hint = false} : vector<2048x3xf32>, vector<3x8xf32>, vector<2048x8xf32> -> vector<2048x8xf32>
    %get3A_53 = arith.constant 0 : index
    %get3A_54 = arith.constant 0 : index
    %get3A_55 = vector.load %arg9[%get3A_53, %get3A_54] : memref<1x8xf32, #tpu.memory_space<vmem>>, vector<1x8xf32>
    %add3A_56 = vector.broadcast %get3A_55 : vector<1x8xf32> to vector<2048x8xf32>
    %add3A_57 = arith.addf %dot_general3A_52, %add3A_56 : vector<2048x8xf32>
    %mul3A_58 = arith.constant 0.999994993 : f32
    %mul3A_59 = vector.broadcast %mul3A_58 : f32 to vector<2048x8xf32>
    %mul3A_60 = arith.mulf %add3A_57, %mul3A_59 : vector<2048x8xf32>
    %max3A_61 = arith.constant 0.000000e+00 : f32
    %max3A_62 = vector.broadcast %max3A_61 : f32 to vector<2048x8xf32>
    %max3A_63 = arith.maximumf %mul3A_60, %max3A_62 : vector<2048x8xf32>
    %get3A_64 = arith.constant 0 : index
    %get3A_65 = arith.constant 0 : index
    %get3A_66 = vector.load %arg10[%get3A_64, %get3A_65] : memref<8x8xf32, #tpu.memory_space<vmem>>, vector<8x8xf32>
    %dot_general3A_67 = arith.constant dense<0.000000e+00> : vector<2048x8xf32>
    %dot_general3A_68 = tpu.matmul %max3A_63, %get3A_66, %dot_general3A_67 {dimension_numbers = #tpu.dot_dimension_numbers<[1], [0], [0], [1], [0, 0, 1, 1], [], []>, transpose_lhs_hint = false} : vector<2048x8xf32>, vector<8x8xf32>, vector<2048x8xf32> -> vector<2048x8xf32>
    %get3A_69 = arith.constant 0 : index
    %get3A_70 = arith.constant 0 : index
    %get3A_71 = vector.load %arg11[%get3A_69, %get3A_70] : memref<1x8xf32, #tpu.memory_space<vmem>>, vector<1x8xf32>
    %add3A_72 = vector.broadcast %get3A_71 : vector<1x8xf32> to vector<2048x8xf32>
    %add3A_73 = arith.addf %dot_general3A_68, %add3A_72 : vector<2048x8xf32>
    %mul3A_74 = arith.constant 0.999994993 : f32
    %mul3A_75 = vector.broadcast %mul3A_74 : f32 to vector<2048x8xf32>
    %mul3A_76 = arith.mulf %add3A_73, %mul3A_75 : vector<2048x8xf32>
    %max3A_77 = arith.constant 0.000000e+00 : f32
    %max3A_78 = vector.broadcast %max3A_77 : f32 to vector<2048x8xf32>
    %max3A_79 = arith.maximumf %mul3A_76, %max3A_78 : vector<2048x8xf32>
    %get3A_80 = arith.constant 0 : index
    %get3A_81 = arith.constant 0 : index
    %get3A_82 = vector.load %arg12[%get3A_80, %get3A_81] : memref<8x16xf32, #tpu.memory_space<vmem>>, vector<8x16xf32>
    %dot_general3A_83 = arith.constant dense<0.000000e+00> : vector<2048x16xf32>
    %dot_general3A_84 = tpu.matmul %max3A_79, %get3A_82, %dot_general3A_83 {dimension_numbers = #tpu.dot_dimension_numbers<[1], [0], [0], [1], [0, 0, 1, 1], [], []>, transpose_lhs_hint = false} : vector<2048x8xf32>, vector<8x16xf32>, vector<2048x16xf32> -> vector<2048x16xf32>
    %get3A_85 = arith.constant 0 : index
    %get3A_86 = arith.constant 0 : index
    %get3A_87 = vector.load %arg13[%get3A_85, %get3A_86] : memref<1x16xf32, #tpu.memory_space<vmem>>, vector<1x16xf32>
    %add3A_88 = vector.broadcast %get3A_87 : vector<1x16xf32> to vector<2048x16xf32>
    %add3A_89 = arith.addf %dot_general3A_84, %add3A_88 : vector<2048x16xf32>
    %mul3A_90 = arith.constant 0.999994993 : f32
    %mul3A_91 = vector.broadcast %mul3A_90 : f32 to vector<2048x16xf32>
    %mul3A_92 = arith.mulf %add3A_89, %mul3A_91 : vector<2048x16xf32>
    %max3A_93 = arith.constant 0.000000e+00 : f32
    %max3A_94 = vector.broadcast %max3A_93 : f32 to vector<2048x16xf32>
    %max3A_95 = arith.maximumf %mul3A_92, %max3A_94 : vector<2048x16xf32>
    %reshape3A_96 = vector.shape_cast %max3A_95 : vector<2048x16xf32> to vector<64x32x16xf32>
    %broadcast_in_dim3A_97 = arith.constant 0.000000e+00 : f32
    %broadcast_in_dim3A_98 = vector.broadcast %broadcast_in_dim3A_97 : f32 to vector<64x64xf32>
    %slice3A_99 = vector.extract_strided_slice %reshape3A_96 {offsets = [0, 0, 0], sizes = [64, 32, 1], strides = [1, 1, 1]} : vector<64x32x16xf32> to vector<64x32x1xf32>
    %mul3A_100 = vector.broadcast %slice3A_99 : vector<64x32x1xf32> to vector<64x32x64xf32>
    %mul3A_101 = arith.mulf %mul3A_47, %mul3A_100 : vector<64x32x64xf32>
    %reduce_sum3A = arith.constant dense<0.000000e+00> : vector<64x64xf32>
    %reduce_sum3A_102 = vector.multi_reduction <add>, %mul3A_101, %reduce_sum3A [1] : vector<64x32x64xf32> to vector<64x64xf32>
    %get3A_103 = arith.constant 0 : index
    %get3A_104 = arith.constant 0 : index
    %get3A_105 = arith.constant 0 : index
    %get3A_106 = vector.load %arg14[%get3A_103, %get3A_104, %get3A_105] : memref<16x64x64xf32, #tpu.memory_space<vmem>>, vector<16x64x64xf32>
    %slice3A_107 = vector.extract_strided_slice %get3A_106 {offsets = [0, 0, 0], sizes = [1, 64, 64], strides = [1, 1, 1]} : vector<16x64x64xf32> to vector<1x64x64xf32>
    %squeeze3A_108 = vector.shape_cast %slice3A_107 : vector<1x64x64xf32> to vector<64x64xf32>
    %dot_general3A_109 = arith.constant dense<0.000000e+00> : vector<64x64xf32>
    %dot_general3A_110 = tpu.matmul %reduce_sum3A_102, %squeeze3A_108, %dot_general3A_109 {dimension_numbers = #tpu.dot_dimension_numbers<[1], [0], [0], [1], [0, 0, 1, 1], [], []>, transpose_lhs_hint = false} : vector<64x64xf32>, vector<64x64xf32>, vector<64x64xf32> -> vector<64x64xf32>
    %add3A_111 = arith.addf %broadcast_in_dim3A_98, %dot_general3A_110 : vector<64x64xf32>
    %slice3A_112 = vector.extract_strided_slice %reshape3A_96 {offsets = [0, 0, 1], sizes = [64, 32, 1], strides = [1, 1, 1]} : vector<64x32x16xf32> to vector<64x32x1xf32>
    %mul3A_113 = vector.broadcast %slice3A_112 : vector<64x32x1xf32> to vector<64x32x64xf32>
    %mul3A_114 = arith.mulf %mul3A_47, %mul3A_113 : vector<64x32x64xf32>
    %reduce_sum3A_115 = arith.constant dense<0.000000e+00> : vector<64x64xf32>
    %reduce_sum3A_116 = vector.multi_reduction <add>, %mul3A_114, %reduce_sum3A_115 [1] : vector<64x32x64xf32> to vector<64x64xf32>
    %get3A_117 = arith.constant 0 : index
    %get3A_118 = arith.constant 0 : index
    %get3A_119 = arith.constant 0 : index
    %get3A_120 = vector.load %arg14[%get3A_117, %get3A_118, %get3A_119] : memref<16x64x64xf32, #tpu.memory_space<vmem>>, vector<16x64x64xf32>
    %slice3A_121 = vector.extract_strided_slice %get3A_120 {offsets = [1, 0, 0], sizes = [1, 64, 64], strides = [1, 1, 1]} : vector<16x64x64xf32> to vector<1x64x64xf32>
    %squeeze3A_122 = vector.shape_cast %slice3A_121 : vector<1x64x64xf32> to vector<64x64xf32>
    %dot_general3A_123 = arith.constant dense<0.000000e+00> : vector<64x64xf32>
    %dot_general3A_124 = tpu.matmul %reduce_sum3A_116, %squeeze3A_122, %dot_general3A_123 {dimension_numbers = #tpu.dot_dimension_numbers<[1], [0], [0], [1], [0, 0, 1, 1], [], []>, transpose_lhs_hint = false} : vector<64x64xf32>, vector<64x64xf32>, vector<64x64xf32> -> vector<64x64xf32>
    %add3A_125 = arith.addf %add3A_111, %dot_general3A_124 : vector<64x64xf32>
    %slice3A_126 = vector.extract_strided_slice %reshape3A_96 {offsets = [0, 0, 2], sizes = [64, 32, 1], strides = [1, 1, 1]} : vector<64x32x16xf32> to vector<64x32x1xf32>
    %mul3A_127 = vector.broadcast %slice3A_126 : vector<64x32x1xf32> to vector<64x32x64xf32>
    %mul3A_128 = arith.mulf %mul3A_47, %mul3A_127 : vector<64x32x64xf32>
    %reduce_sum3A_129 = arith.constant dense<0.000000e+00> : vector<64x64xf32>
    %reduce_sum3A_130 = vector.multi_reduction <add>, %mul3A_128, %reduce_sum3A_129 [1] : vector<64x32x64xf32> to vector<64x64xf32>
    %get3A_131 = arith.constant 0 : index
    %get3A_132 = arith.constant 0 : index
    %get3A_133 = arith.constant 0 : index
    %get3A_134 = vector.load %arg14[%get3A_131, %get3A_132, %get3A_133] : memref<16x64x64xf32, #tpu.memory_space<vmem>>, vector<16x64x64xf32>
    %slice3A_135 = vector.extract_strided_slice %get3A_134 {offsets = [2, 0, 0], sizes = [1, 64, 64], strides = [1, 1, 1]} : vector<16x64x64xf32> to vector<1x64x64xf32>
    %squeeze3A_136 = vector.shape_cast %slice3A_135 : vector<1x64x64xf32> to vector<64x64xf32>
    %dot_general3A_137 = arith.constant dense<0.000000e+00> : vector<64x64xf32>
    %dot_general3A_138 = tpu.matmul %reduce_sum3A_130, %squeeze3A_136, %dot_general3A_137 {dimension_numbers = #tpu.dot_dimension_numbers<[1], [0], [0], [1], [0, 0, 1, 1], [], []>, transpose_lhs_hint = false} : vector<64x64xf32>, vector<64x64xf32>, vector<64x64xf32> -> vector<64x64xf32>
    %add3A_139 = arith.addf %add3A_125, %dot_general3A_138 : vector<64x64xf32>
    %slice3A_140 = vector.extract_strided_slice %reshape3A_96 {offsets = [0, 0, 3], sizes = [64, 32, 1], strides = [1, 1, 1]} : vector<64x32x16xf32> to vector<64x32x1xf32>
    %mul3A_141 = vector.broadcast %slice3A_140 : vector<64x32x1xf32> to vector<64x32x64xf32>
    %mul3A_142 = arith.mulf %mul3A_47, %mul3A_141 : vector<64x32x64xf32>
    %reduce_sum3A_143 = arith.constant dense<0.000000e+00> : vector<64x64xf32>
    %reduce_sum3A_144 = vector.multi_reduction <add>, %mul3A_142, %reduce_sum3A_143 [1] : vector<64x32x64xf32> to vector<64x64xf32>
    %get3A_145 = arith.constant 0 : index
    %get3A_146 = arith.constant 0 : index
    %get3A_147 = arith.constant 0 : index
    %get3A_148 = vector.load %arg14[%get3A_145, %get3A_146, %get3A_147] : memref<16x64x64xf32, #tpu.memory_space<vmem>>, vector<16x64x64xf32>
    %slice3A_149 = vector.extract_strided_slice %get3A_148 {offsets = [3, 0, 0], sizes = [1, 64, 64], strides = [1, 1, 1]} : vector<16x64x64xf32> to vector<1x64x64xf32>
    %squeeze3A_150 = vector.shape_cast %slice3A_149 : vector<1x64x64xf32> to vector<64x64xf32>
    %dot_general3A_151 = arith.constant dense<0.000000e+00> : vector<64x64xf32>
    %dot_general3A_152 = tpu.matmul %reduce_sum3A_144, %squeeze3A_150, %dot_general3A_151 {dimension_numbers = #tpu.dot_dimension_numbers<[1], [0], [0], [1], [0, 0, 1, 1], [], []>, transpose_lhs_hint = false} : vector<64x64xf32>, vector<64x64xf32>, vector<64x64xf32> -> vector<64x64xf32>
    %add3A_153 = arith.addf %add3A_139, %dot_general3A_152 : vector<64x64xf32>
    %slice3A_154 = vector.extract_strided_slice %reshape3A_96 {offsets = [0, 0, 4], sizes = [64, 32, 1], strides = [1, 1, 1]} : vector<64x32x16xf32> to vector<64x32x1xf32>
    %mul3A_155 = vector.broadcast %slice3A_154 : vector<64x32x1xf32> to vector<64x32x64xf32>
    %mul3A_156 = arith.mulf %mul3A_47, %mul3A_155 : vector<64x32x64xf32>
    %reduce_sum3A_157 = arith.constant dense<0.000000e+00> : vector<64x64xf32>
    %reduce_sum3A_158 = vector.multi_reduction <add>, %mul3A_156, %reduce_sum3A_157 [1] : vector<64x32x64xf32> to vector<64x64xf32>
    %get3A_159 = arith.constant 0 : index
    %get3A_160 = arith.constant 0 : index
    %get3A_161 = arith.constant 0 : index
    %get3A_162 = vector.load %arg14[%get3A_159, %get3A_160, %get3A_161] : memref<16x64x64xf32, #tpu.memory_space<vmem>>, vector<16x64x64xf32>
    %slice3A_163 = vector.extract_strided_slice %get3A_162 {offsets = [4, 0, 0], sizes = [1, 64, 64], strides = [1, 1, 1]} : vector<16x64x64xf32> to vector<1x64x64xf32>
    %squeeze3A_164 = vector.shape_cast %slice3A_163 : vector<1x64x64xf32> to vector<64x64xf32>
    %dot_general3A_165 = arith.constant dense<0.000000e+00> : vector<64x64xf32>
    %dot_general3A_166 = tpu.matmul %reduce_sum3A_158, %squeeze3A_164, %dot_general3A_165 {dimension_numbers = #tpu.dot_dimension_numbers<[1], [0], [0], [1], [0, 0, 1, 1], [], []>, transpose_lhs_hint = false} : vector<64x64xf32>, vector<64x64xf32>, vector<64x64xf32> -> vector<64x64xf32>
    %add3A_167 = arith.addf %add3A_153, %dot_general3A_166 : vector<64x64xf32>
    %slice3A_168 = vector.extract_strided_slice %reshape3A_96 {offsets = [0, 0, 5], sizes = [64, 32, 1], strides = [1, 1, 1]} : vector<64x32x16xf32> to vector<64x32x1xf32>
    %mul3A_169 = vector.broadcast %slice3A_168 : vector<64x32x1xf32> to vector<64x32x64xf32>
    %mul3A_170 = arith.mulf %mul3A_47, %mul3A_169 : vector<64x32x64xf32>
    %reduce_sum3A_171 = arith.constant dense<0.000000e+00> : vector<64x64xf32>
    %reduce_sum3A_172 = vector.multi_reduction <add>, %mul3A_170, %reduce_sum3A_171 [1] : vector<64x32x64xf32> to vector<64x64xf32>
    %get3A_173 = arith.constant 0 : index
    %get3A_174 = arith.constant 0 : index
    %get3A_175 = arith.constant 0 : index
    %get3A_176 = vector.load %arg14[%get3A_173, %get3A_174, %get3A_175] : memref<16x64x64xf32, #tpu.memory_space<vmem>>, vector<16x64x64xf32>
    %slice3A_177 = vector.extract_strided_slice %get3A_176 {offsets = [5, 0, 0], sizes = [1, 64, 64], strides = [1, 1, 1]} : vector<16x64x64xf32> to vector<1x64x64xf32>
    %squeeze3A_178 = vector.shape_cast %slice3A_177 : vector<1x64x64xf32> to vector<64x64xf32>
    %dot_general3A_179 = arith.constant dense<0.000000e+00> : vector<64x64xf32>
    %dot_general3A_180 = tpu.matmul %reduce_sum3A_172, %squeeze3A_178, %dot_general3A_179 {dimension_numbers = #tpu.dot_dimension_numbers<[1], [0], [0], [1], [0, 0, 1, 1], [], []>, transpose_lhs_hint = false} : vector<64x64xf32>, vector<64x64xf32>, vector<64x64xf32> -> vector<64x64xf32>
    %add3A_181 = arith.addf %add3A_167, %dot_general3A_180 : vector<64x64xf32>
    %slice3A_182 = vector.extract_strided_slice %reshape3A_96 {offsets = [0, 0, 6], sizes = [64, 32, 1], strides = [1, 1, 1]} : vector<64x32x16xf32> to vector<64x32x1xf32>
    %mul3A_183 = vector.broadcast %slice3A_182 : vector<64x32x1xf32> to vector<64x32x64xf32>
    %mul3A_184 = arith.mulf %mul3A_47, %mul3A_183 : vector<64x32x64xf32>
    %reduce_sum3A_185 = arith.constant dense<0.000000e+00> : vector<64x64xf32>
    %reduce_sum3A_186 = vector.multi_reduction <add>, %mul3A_184, %reduce_sum3A_185 [1] : vector<64x32x64xf32> to vector<64x64xf32>
    %get3A_187 = arith.constant 0 : index
    %get3A_188 = arith.constant 0 : index
    %get3A_189 = arith.constant 0 : index
    %get3A_190 = vector.load %arg14[%get3A_187, %get3A_188, %get3A_189] : memref<16x64x64xf32, #tpu.memory_space<vmem>>, vector<16x64x64xf32>
    %slice3A_191 = vector.extract_strided_slice %get3A_190 {offsets = [6, 0, 0], sizes = [1, 64, 64], strides = [1, 1, 1]} : vector<16x64x64xf32> to vector<1x64x64xf32>
    %squeeze3A_192 = vector.shape_cast %slice3A_191 : vector<1x64x64xf32> to vector<64x64xf32>
    %dot_general3A_193 = arith.constant dense<0.000000e+00> : vector<64x64xf32>
    %dot_general3A_194 = tpu.matmul %reduce_sum3A_186, %squeeze3A_192, %dot_general3A_193 {dimension_numbers = #tpu.dot_dimension_numbers<[1], [0], [0], [1], [0, 0, 1, 1], [], []>, transpose_lhs_hint = false} : vector<64x64xf32>, vector<64x64xf32>, vector<64x64xf32> -> vector<64x64xf32>
    %add3A_195 = arith.addf %add3A_181, %dot_general3A_194 : vector<64x64xf32>
    %slice3A_196 = vector.extract_strided_slice %reshape3A_96 {offsets = [0, 0, 7], sizes = [64, 32, 1], strides = [1, 1, 1]} : vector<64x32x16xf32> to vector<64x32x1xf32>
    %mul3A_197 = vector.broadcast %slice3A_196 : vector<64x32x1xf32> to vector<64x32x64xf32>
    %mul3A_198 = arith.mulf %mul3A_47, %mul3A_197 : vector<64x32x64xf32>
    %reduce_sum3A_199 = arith.constant dense<0.000000e+00> : vector<64x64xf32>
    %reduce_sum3A_200 = vector.multi_reduction <add>, %mul3A_198, %reduce_sum3A_199 [1] : vector<64x32x64xf32> to vector<64x64xf32>
    %get3A_201 = arith.constant 0 : index
    %get3A_202 = arith.constant 0 : index
    %get3A_203 = arith.constant 0 : index
    %get3A_204 = vector.load %arg14[%get3A_201, %get3A_202, %get3A_203] : memref<16x64x64xf32, #tpu.memory_space<vmem>>, vector<16x64x64xf32>
    %slice3A_205 = vector.extract_strided_slice %get3A_204 {offsets = [7, 0, 0], sizes = [1, 64, 64], strides = [1, 1, 1]} : vector<16x64x64xf32> to vector<1x64x64xf32>
    %squeeze3A_206 = vector.shape_cast %slice3A_205 : vector<1x64x64xf32> to vector<64x64xf32>
    %dot_general3A_207 = arith.constant dense<0.000000e+00> : vector<64x64xf32>
    %dot_general3A_208 = tpu.matmul %reduce_sum3A_200, %squeeze3A_206, %dot_general3A_207 {dimension_numbers = #tpu.dot_dimension_numbers<[1], [0], [0], [1], [0, 0, 1, 1], [], []>, transpose_lhs_hint = false} : vector<64x64xf32>, vector<64x64xf32>, vector<64x64xf32> -> vector<64x64xf32>
    %add3A_209 = arith.addf %add3A_195, %dot_general3A_208 : vector<64x64xf32>
    %slice3A_210 = vector.extract_strided_slice %reshape3A_96 {offsets = [0, 0, 8], sizes = [64, 32, 1], strides = [1, 1, 1]} : vector<64x32x16xf32> to vector<64x32x1xf32>
    %mul3A_211 = vector.broadcast %slice3A_210 : vector<64x32x1xf32> to vector<64x32x64xf32>
    %mul3A_212 = arith.mulf %mul3A_47, %mul3A_211 : vector<64x32x64xf32>
    %reduce_sum3A_213 = arith.constant dense<0.000000e+00> : vector<64x64xf32>
    %reduce_sum3A_214 = vector.multi_reduction <add>, %mul3A_212, %reduce_sum3A_213 [1] : vector<64x32x64xf32> to vector<64x64xf32>
    %get3A_215 = arith.constant 0 : index
    %get3A_216 = arith.constant 0 : index
    %get3A_217 = arith.constant 0 : index
    %get3A_218 = vector.load %arg14[%get3A_215, %get3A_216, %get3A_217] : memref<16x64x64xf32, #tpu.memory_space<vmem>>, vector<16x64x64xf32>
    %slice3A_219 = vector.extract_strided_slice %get3A_218 {offsets = [8, 0, 0], sizes = [1, 64, 64], strides = [1, 1, 1]} : vector<16x64x64xf32> to vector<1x64x64xf32>
    %squeeze3A_220 = vector.shape_cast %slice3A_219 : vector<1x64x64xf32> to vector<64x64xf32>
    %dot_general3A_221 = arith.constant dense<0.000000e+00> : vector<64x64xf32>
    %dot_general3A_222 = tpu.matmul %reduce_sum3A_214, %squeeze3A_220, %dot_general3A_221 {dimension_numbers = #tpu.dot_dimension_numbers<[1], [0], [0], [1], [0, 0, 1, 1], [], []>, transpose_lhs_hint = false} : vector<64x64xf32>, vector<64x64xf32>, vector<64x64xf32> -> vector<64x64xf32>
    %add3A_223 = arith.addf %add3A_209, %dot_general3A_222 : vector<64x64xf32>
    %slice3A_224 = vector.extract_strided_slice %reshape3A_96 {offsets = [0, 0, 9], sizes = [64, 32, 1], strides = [1, 1, 1]} : vector<64x32x16xf32> to vector<64x32x1xf32>
    %mul3A_225 = vector.broadcast %slice3A_224 : vector<64x32x1xf32> to vector<64x32x64xf32>
    %mul3A_226 = arith.mulf %mul3A_47, %mul3A_225 : vector<64x32x64xf32>
    %reduce_sum3A_227 = arith.constant dense<0.000000e+00> : vector<64x64xf32>
    %reduce_sum3A_228 = vector.multi_reduction <add>, %mul3A_226, %reduce_sum3A_227 [1] : vector<64x32x64xf32> to vector<64x64xf32>
    %get3A_229 = arith.constant 0 : index
    %get3A_230 = arith.constant 0 : index
    %get3A_231 = arith.constant 0 : index
    %get3A_232 = vector.load %arg14[%get3A_229, %get3A_230, %get3A_231] : memref<16x64x64xf32, #tpu.memory_space<vmem>>, vector<16x64x64xf32>
    %slice3A_233 = vector.extract_strided_slice %get3A_232 {offsets = [9, 0, 0], sizes = [1, 64, 64], strides = [1, 1, 1]} : vector<16x64x64xf32> to vector<1x64x64xf32>
    %squeeze3A_234 = vector.shape_cast %slice3A_233 : vector<1x64x64xf32> to vector<64x64xf32>
    %dot_general3A_235 = arith.constant dense<0.000000e+00> : vector<64x64xf32>
    %dot_general3A_236 = tpu.matmul %reduce_sum3A_228, %squeeze3A_234, %dot_general3A_235 {dimension_numbers = #tpu.dot_dimension_numbers<[1], [0], [0], [1], [0, 0, 1, 1], [], []>, transpose_lhs_hint = false} : vector<64x64xf32>, vector<64x64xf32>, vector<64x64xf32> -> vector<64x64xf32>
    %add3A_237 = arith.addf %add3A_223, %dot_general3A_236 : vector<64x64xf32>
    %slice3A_238 = vector.extract_strided_slice %reshape3A_96 {offsets = [0, 0, 10], sizes = [64, 32, 1], strides = [1, 1, 1]} : vector<64x32x16xf32> to vector<64x32x1xf32>
    %mul3A_239 = vector.broadcast %slice3A_238 : vector<64x32x1xf32> to vector<64x32x64xf32>
    %mul3A_240 = arith.mulf %mul3A_47, %mul3A_239 : vector<64x32x64xf32>
    %reduce_sum3A_241 = arith.constant dense<0.000000e+00> : vector<64x64xf32>
    %reduce_sum3A_242 = vector.multi_reduction <add>, %mul3A_240, %reduce_sum3A_241 [1] : vector<64x32x64xf32> to vector<64x64xf32>
    %get3A_243 = arith.constant 0 : index
    %get3A_244 = arith.constant 0 : index
    %get3A_245 = arith.constant 0 : index
    %get3A_246 = vector.load %arg14[%get3A_243, %get3A_244, %get3A_245] : memref<16x64x64xf32, #tpu.memory_space<vmem>>, vector<16x64x64xf32>
    %slice3A_247 = vector.extract_strided_slice %get3A_246 {offsets = [10, 0, 0], sizes = [1, 64, 64], strides = [1, 1, 1]} : vector<16x64x64xf32> to vector<1x64x64xf32>
    %squeeze3A_248 = vector.shape_cast %slice3A_247 : vector<1x64x64xf32> to vector<64x64xf32>
    %dot_general3A_249 = arith.constant dense<0.000000e+00> : vector<64x64xf32>
    %dot_general3A_250 = tpu.matmul %reduce_sum3A_242, %squeeze3A_248, %dot_general3A_249 {dimension_numbers = #tpu.dot_dimension_numbers<[1], [0], [0], [1], [0, 0, 1, 1], [], []>, transpose_lhs_hint = false} : vector<64x64xf32>, vector<64x64xf32>, vector<64x64xf32> -> vector<64x64xf32>
    %add3A_251 = arith.addf %add3A_237, %dot_general3A_250 : vector<64x64xf32>
    %slice3A_252 = vector.extract_strided_slice %reshape3A_96 {offsets = [0, 0, 11], sizes = [64, 32, 1], strides = [1, 1, 1]} : vector<64x32x16xf32> to vector<64x32x1xf32>
    %mul3A_253 = vector.broadcast %slice3A_252 : vector<64x32x1xf32> to vector<64x32x64xf32>
    %mul3A_254 = arith.mulf %mul3A_47, %mul3A_253 : vector<64x32x64xf32>
    %reduce_sum3A_255 = arith.constant dense<0.000000e+00> : vector<64x64xf32>
    %reduce_sum3A_256 = vector.multi_reduction <add>, %mul3A_254, %reduce_sum3A_255 [1] : vector<64x32x64xf32> to vector<64x64xf32>
    %get3A_257 = arith.constant 0 : index
    %get3A_258 = arith.constant 0 : index
    %get3A_259 = arith.constant 0 : index
    %get3A_260 = vector.load %arg14[%get3A_257, %get3A_258, %get3A_259] : memref<16x64x64xf32, #tpu.memory_space<vmem>>, vector<16x64x64xf32>
    %slice3A_261 = vector.extract_strided_slice %get3A_260 {offsets = [11, 0, 0], sizes = [1, 64, 64], strides = [1, 1, 1]} : vector<16x64x64xf32> to vector<1x64x64xf32>
    %squeeze3A_262 = vector.shape_cast %slice3A_261 : vector<1x64x64xf32> to vector<64x64xf32>
    %dot_general3A_263 = arith.constant dense<0.000000e+00> : vector<64x64xf32>
    %dot_general3A_264 = tpu.matmul %reduce_sum3A_256, %squeeze3A_262, %dot_general3A_263 {dimension_numbers = #tpu.dot_dimension_numbers<[1], [0], [0], [1], [0, 0, 1, 1], [], []>, transpose_lhs_hint = false} : vector<64x64xf32>, vector<64x64xf32>, vector<64x64xf32> -> vector<64x64xf32>
    %add3A_265 = arith.addf %add3A_251, %dot_general3A_264 : vector<64x64xf32>
    %slice3A_266 = vector.extract_strided_slice %reshape3A_96 {offsets = [0, 0, 12], sizes = [64, 32, 1], strides = [1, 1, 1]} : vector<64x32x16xf32> to vector<64x32x1xf32>
    %mul3A_267 = vector.broadcast %slice3A_266 : vector<64x32x1xf32> to vector<64x32x64xf32>
    %mul3A_268 = arith.mulf %mul3A_47, %mul3A_267 : vector<64x32x64xf32>
    %reduce_sum3A_269 = arith.constant dense<0.000000e+00> : vector<64x64xf32>
    %reduce_sum3A_270 = vector.multi_reduction <add>, %mul3A_268, %reduce_sum3A_269 [1] : vector<64x32x64xf32> to vector<64x64xf32>
    %get3A_271 = arith.constant 0 : index
    %get3A_272 = arith.constant 0 : index
    %get3A_273 = arith.constant 0 : index
    %get3A_274 = vector.load %arg14[%get3A_271, %get3A_272, %get3A_273] : memref<16x64x64xf32, #tpu.memory_space<vmem>>, vector<16x64x64xf32>
    %slice3A_275 = vector.extract_strided_slice %get3A_274 {offsets = [12, 0, 0], sizes = [1, 64, 64], strides = [1, 1, 1]} : vector<16x64x64xf32> to vector<1x64x64xf32>
    %squeeze3A_276 = vector.shape_cast %slice3A_275 : vector<1x64x64xf32> to vector<64x64xf32>
    %dot_general3A_277 = arith.constant dense<0.000000e+00> : vector<64x64xf32>
    %dot_general3A_278 = tpu.matmul %reduce_sum3A_270, %squeeze3A_276, %dot_general3A_277 {dimension_numbers = #tpu.dot_dimension_numbers<[1], [0], [0], [1], [0, 0, 1, 1], [], []>, transpose_lhs_hint = false} : vector<64x64xf32>, vector<64x64xf32>, vector<64x64xf32> -> vector<64x64xf32>
    %add3A_279 = arith.addf %add3A_265, %dot_general3A_278 : vector<64x64xf32>
    %slice3A_280 = vector.extract_strided_slice %reshape3A_96 {offsets = [0, 0, 13], sizes = [64, 32, 1], strides = [1, 1, 1]} : vector<64x32x16xf32> to vector<64x32x1xf32>
    %mul3A_281 = vector.broadcast %slice3A_280 : vector<64x32x1xf32> to vector<64x32x64xf32>
    %mul3A_282 = arith.mulf %mul3A_47, %mul3A_281 : vector<64x32x64xf32>
    %reduce_sum3A_283 = arith.constant dense<0.000000e+00> : vector<64x64xf32>
    %reduce_sum3A_284 = vector.multi_reduction <add>, %mul3A_282, %reduce_sum3A_283 [1] : vector<64x32x64xf32> to vector<64x64xf32>
    %get3A_285 = arith.constant 0 : index
    %get3A_286 = arith.constant 0 : index
    %get3A_287 = arith.constant 0 : index
    %get3A_288 = vector.load %arg14[%get3A_285, %get3A_286, %get3A_287] : memref<16x64x64xf32, #tpu.memory_space<vmem>>, vector<16x64x64xf32>
    %slice3A_289 = vector.extract_strided_slice %get3A_288 {offsets = [13, 0, 0], sizes = [1, 64, 64], strides = [1, 1, 1]} : vector<16x64x64xf32> to vector<1x64x64xf32>
    %squeeze3A_290 = vector.shape_cast %slice3A_289 : vector<1x64x64xf32> to vector<64x64xf32>
    %dot_general3A_291 = arith.constant dense<0.000000e+00> : vector<64x64xf32>
    %dot_general3A_292 = tpu.matmul %reduce_sum3A_284, %squeeze3A_290, %dot_general3A_291 {dimension_numbers = #tpu.dot_dimension_numbers<[1], [0], [0], [1], [0, 0, 1, 1], [], []>, transpose_lhs_hint = false} : vector<64x64xf32>, vector<64x64xf32>, vector<64x64xf32> -> vector<64x64xf32>
    %add3A_293 = arith.addf %add3A_279, %dot_general3A_292 : vector<64x64xf32>
    %slice3A_294 = vector.extract_strided_slice %reshape3A_96 {offsets = [0, 0, 14], sizes = [64, 32, 1], strides = [1, 1, 1]} : vector<64x32x16xf32> to vector<64x32x1xf32>
    %mul3A_295 = vector.broadcast %slice3A_294 : vector<64x32x1xf32> to vector<64x32x64xf32>
    %mul3A_296 = arith.mulf %mul3A_47, %mul3A_295 : vector<64x32x64xf32>
    %reduce_sum3A_297 = arith.constant dense<0.000000e+00> : vector<64x64xf32>
    %reduce_sum3A_298 = vector.multi_reduction <add>, %mul3A_296, %reduce_sum3A_297 [1] : vector<64x32x64xf32> to vector<64x64xf32>
    %get3A_299 = arith.constant 0 : index
    %get3A_300 = arith.constant 0 : index
    %get3A_301 = arith.constant 0 : index
    %get3A_302 = vector.load %arg14[%get3A_299, %get3A_300, %get3A_301] : memref<16x64x64xf32, #tpu.memory_space<vmem>>, vector<16x64x64xf32>
    %slice3A_303 = vector.extract_strided_slice %get3A_302 {offsets = [14, 0, 0], sizes = [1, 64, 64], strides = [1, 1, 1]} : vector<16x64x64xf32> to vector<1x64x64xf32>
    %squeeze3A_304 = vector.shape_cast %slice3A_303 : vector<1x64x64xf32> to vector<64x64xf32>
    %dot_general3A_305 = arith.constant dense<0.000000e+00> : vector<64x64xf32>
    %dot_general3A_306 = tpu.matmul %reduce_sum3A_298, %squeeze3A_304, %dot_general3A_305 {dimension_numbers = #tpu.dot_dimension_numbers<[1], [0], [0], [1], [0, 0, 1, 1], [], []>, transpose_lhs_hint = false} : vector<64x64xf32>, vector<64x64xf32>, vector<64x64xf32> -> vector<64x64xf32>
    %add3A_307 = arith.addf %add3A_293, %dot_general3A_306 : vector<64x64xf32>
    %slice3A_308 = vector.extract_strided_slice %reshape3A_96 {offsets = [0, 0, 15], sizes = [64, 32, 1], strides = [1, 1, 1]} : vector<64x32x16xf32> to vector<64x32x1xf32>
    %mul3A_309 = vector.broadcast %slice3A_308 : vector<64x32x1xf32> to vector<64x32x64xf32>
    %mul3A_310 = arith.mulf %mul3A_47, %mul3A_309 : vector<64x32x64xf32>
    %reduce_sum3A_311 = arith.constant dense<0.000000e+00> : vector<64x64xf32>
    %reduce_sum3A_312 = vector.multi_reduction <add>, %mul3A_310, %reduce_sum3A_311 [1] : vector<64x32x64xf32> to vector<64x64xf32>
    %get3A_313 = arith.constant 0 : index
    %get3A_314 = arith.constant 0 : index
    %get3A_315 = arith.constant 0 : index
    %get3A_316 = vector.load %arg14[%get3A_313, %get3A_314, %get3A_315] : memref<16x64x64xf32, #tpu.memory_space<vmem>>, vector<16x64x64xf32>
    %slice3A_317 = vector.extract_strided_slice %get3A_316 {offsets = [15, 0, 0], sizes = [1, 64, 64], strides = [1, 1, 1]} : vector<16x64x64xf32> to vector<1x64x64xf32>
    %squeeze3A_318 = vector.shape_cast %slice3A_317 : vector<1x64x64xf32> to vector<64x64xf32>
    %dot_general3A_319 = arith.constant dense<0.000000e+00> : vector<64x64xf32>
    %dot_general3A_320 = tpu.matmul %reduce_sum3A_312, %squeeze3A_318, %dot_general3A_319 {dimension_numbers = #tpu.dot_dimension_numbers<[1], [0], [0], [1], [0, 0, 1, 1], [], []>, transpose_lhs_hint = false} : vector<64x64xf32>, vector<64x64xf32>, vector<64x64xf32> -> vector<64x64xf32>
    %add3A_321 = arith.addf %add3A_307, %dot_general3A_320 : vector<64x64xf32>
    %get3A_322 = arith.constant 0 : index
    %get3A_323 = arith.constant 0 : index
    %get3A_324 = vector.load %arg15[%get3A_322, %get3A_323] : memref<1x64xf32, #tpu.memory_space<vmem>>, vector<1x64xf32>
    %add3A_325 = vector.broadcast %get3A_324 : vector<1x64xf32> to vector<64x64xf32>
    %add3A_326 = arith.addf %add3A_321, %add3A_325 : vector<64x64xf32>
    %mul3A_327 = arith.constant 0.999994993 : f32
    %mul3A_328 = vector.broadcast %mul3A_327 : f32 to vector<64x64xf32>
    %mul3A_329 = arith.mulf %add3A_326, %mul3A_328 : vector<64x64xf32>
    %max3A_330 = arith.constant 0.000000e+00 : f32
    %max3A_331 = vector.broadcast %max3A_330 : f32 to vector<64x64xf32>
    %max3A_332 = arith.maximumf %mul3A_329, %max3A_331 : vector<64x64xf32>
    %broadcast_in_dim3A_333 = vector.shape_cast %max3A_332 : vector<64x64xf32> to vector<1x64x64xf32>
    %swap3A = arith.constant 0 : index
    %swap3A_334 = arith.constant 0 : index
    %swap3A_335 = arith.constant 0 : index
    %swap3A_336 = vector.load %arg16[%swap3A, %swap3A_334, %swap3A_335] : memref<1x64x64xf32, #tpu.memory_space<vmem>>, vector<1x64x64xf32>
    tpu.vector_store %arg16[%swap3A, %swap3A_334, %swap3A_335], %broadcast_in_dim3A_333 {strides = array<i32>} : memref<1x64x64xf32, #tpu.memory_space<vmem>>, vector<1x64x64xf32>,
    return
  }
  func.func @transform_0(%arg0: i32, %arg1: i32) -> (i32, i32, i32) {
    %c0_i32 = arith.constant 0 : i32
    %c0_i32_0 = arith.constant 0 : i32
    %c0_i32_1 = arith.constant 0 : i32
    return %arg0, %c0_i32, %c0_i32_0 : i32, i32, i32
  }
  func.func @transform_1(%arg0: i32, %arg1: i32) -> (i32, i32, i32, i32) {
    %c0_i32 = arith.constant 0 : i32
    %c0_i32_0 = arith.constant 0 : i32
    %c0_i32_1 = arith.constant 0 : i32
    return %arg0, %arg1, %c0_i32, %c0_i32_0 : i32, i32, i32, i32
  }
  func.func @transform_2(%arg0: i32, %arg1: i32) -> (i32, i32, i32) {
    %c0_i32 = arith.constant 0 : i32
    %c0_i32_0 = arith.constant 0 : i32
    return %arg0, %arg1, %c0_i32 : i32, i32, i32
  }
  func.func @transform_3(%arg0: i32, %arg1: i32) -> (i32, i32) {
    %c0_i32 = arith.constant 0 : i32
    %c0_i32_0 = arith.constant 0 : i32
    %c0_i32_1 = arith.constant 0 : i32
    return %c0_i32, %c0_i32_0 : i32, i32
  }
  func.func @transform_4(%arg0: i32, %arg1: i32) -> (i32, i32) {
    %c0_i32 = arith.constant 0 : i32
    %c0_i32_0 = arith.constant 0 : i32
    %c0_i32_1 = arith.constant 0 : i32
    return %c0_i32, %c0_i32_0 : i32, i32
  }
  func.func @transform_5(%arg0: i32, %arg1: i32) -> (i32, i32) {
    %c0_i32 = arith.constant 0 : i32
    %c0_i32_0 = arith.constant 0 : i32
    %c0_i32_1 = arith.constant 0 : i32
    return %c0_i32, %c0_i32_0 : i32, i32
  }
  func.func @transform_6(%arg0: i32, %arg1: i32) -> (i32, i32) {
    %c0_i32 = arith.constant 0 : i32
    %c0_i32_0 = arith.constant 0 : i32
    %c0_i32_1 = arith.constant 0 : i32
    return %c0_i32, %c0_i32_0 : i32, i32
  }
  func.func @transform_7(%arg0: i32, %arg1: i32) -> (i32, i32) {
    %c0_i32 = arith.constant 0 : i32
    %c0_i32_0 = arith.constant 0 : i32
    %c0_i32_1 = arith.constant 0 : i32
    return %c0_i32, %c0_i32_0 : i32, i32
  }
  func.func @transform_8(%arg0: i32, %arg1: i32) -> (i32, i32) {
    %c0_i32 = arith.constant 0 : i32
    %c0_i32_0 = arith.constant 0 : i32
    %c0_i32_1 = arith.constant 0 : i32
    return %c0_i32, %c0_i32_0 : i32, i32
  }
  func.func @transform_9(%arg0: i32, %arg1: i32) -> (i32, i32) {
    %c0_i32 = arith.constant 0 : i32
    %c0_i32_0 = arith.constant 0 : i32
    %c0_i32_1 = arith.constant 0 : i32
    return %c0_i32, %c0_i32_0 : i32, i32
  }
  func.func @transform_10(%arg0: i32, %arg1: i32) -> (i32, i32) {
    %c0_i32 = arith.constant 0 : i32
    %c0_i32_0 = arith.constant 0 : i32
    %c0_i32_1 = arith.constant 0 : i32
    return %c0_i32, %c0_i32_0 : i32, i32
  }
  func.func @transform_11(%arg0: i32, %arg1: i32) -> (i32, i32) {
    %c0_i32 = arith.constant 0 : i32
    %c0_i32_0 = arith.constant 0 : i32
    %c0_i32_1 = arith.constant 0 : i32
    return %c0_i32, %c0_i32_0 : i32, i32
  }
  func.func @transform_12(%arg0: i32, %arg1: i32) -> (i32, i32, i32) {
    %c0_i32 = arith.constant 0 : i32
    %c0_i32_0 = arith.constant 0 : i32
    %c0_i32_1 = arith.constant 0 : i32
    %c0_i32_2 = arith.constant 0 : i32
    return %c0_i32, %c0_i32_0, %c0_i32_1 : i32, i32, i32
  }
  func.func @transform_13(%arg0: i32, %arg1: i32) -> (i32, i32) {
    %c0_i32 = arith.constant 0 : i32
    %c0_i32_0 = arith.constant 0 : i32
    %c0_i32_1 = arith.constant 0 : i32
    return %c0_i32, %c0_i32_0 : i32, i32
  }
  func.func @transform_14(%arg0: i32, %arg1: i32) -> (i32, i32, i32) {
    %c0_i32 = arith.constant 0 : i32
    %c0_i32_0 = arith.constant 0 : i32
    return %arg0, %arg1, %c0_i32 : i32, i32, i32
  }
}

module attributes {stable_mosaic.version = 14 : i64} {
  func.func @_sa_kernel(%arg0: i32, %arg1: i32, %arg2: memref<1x512x68xf32, #tpu.memory_space<vmem>>, %arg3: memref<1x32x64x1xi32, #tpu.memory_space<vmem>>, %arg4: memref<1x32x3xf32, #tpu.memory_space<vmem>>, %arg5: memref<3x128xf32, #tpu.memory_space<vmem>>, %arg6: memref<64x128xf32, #tpu.memory_space<vmem>>, %arg7: memref<1x128xf32, #tpu.memory_space<vmem>>, %arg8: memref<3x8xf32, #tpu.memory_space<vmem>>, %arg9: memref<1x8xf32, #tpu.memory_space<vmem>>, %arg10: memref<8x8xf32, #tpu.memory_space<vmem>>, %arg11: memref<1x8xf32, #tpu.memory_space<vmem>>, %arg12: memref<8x16xf32, #tpu.memory_space<vmem>>, %arg13: memref<1x16xf32, #tpu.memory_space<vmem>>, %arg14: memref<16x128x128xf32, #tpu.memory_space<vmem>>, %arg15: memref<1x128xf32, #tpu.memory_space<vmem>>, %arg16: memref<1x32x128xf32, #tpu.memory_space<vmem>>) attributes {dimension_semantics = [#tpu.dimension_semantics<arbitrary>, #tpu.dimension_semantics<arbitrary>], iteration_bounds = array<i64: 16, 4>, scalar_prefetch = 0 : i64, scratch_operands = 0 : i64, tpu.core_type = #tpu.core_type<tc>, window_params = [{transform_indices = @transform_0, window_bounds = array<i64: 1, 512, 68>}, {transform_indices = @transform_1, window_bounds = array<i64: 1, 32, 64, 1>}, {transform_indices = @transform_2, window_bounds = array<i64: 1, 32, 3>}, {pipeline_mode = #tpu.pipeline_mode<synchronous>, transform_indices = @transform_3, window_bounds = array<i64: 3, 128>}, {pipeline_mode = #tpu.pipeline_mode<synchronous>, transform_indices = @transform_4, window_bounds = array<i64: 64, 128>}, {pipeline_mode = #tpu.pipeline_mode<synchronous>, transform_indices = @transform_5, window_bounds = array<i64: 1, 128>}, {pipeline_mode = #tpu.pipeline_mode<synchronous>, transform_indices = @transform_6, window_bounds = array<i64: 3, 8>}, {pipeline_mode = #tpu.pipeline_mode<synchronous>, transform_indices = @transform_7, window_bounds = array<i64: 1, 8>}, {pipeline_mode = #tpu.pipeline_mode<synchronous>, transform_indices = @transform_8, window_bounds = array<i64: 8, 8>}, {pipeline_mode = #tpu.pipeline_mode<synchronous>, transform_indices = @transform_9, window_bounds = array<i64: 1, 8>}, {pipeline_mode = #tpu.pipeline_mode<synchronous>, transform_indices = @transform_10, window_bounds = array<i64: 8, 16>}, {pipeline_mode = #tpu.pipeline_mode<synchronous>, transform_indices = @transform_11, window_bounds = array<i64: 1, 16>}, {pipeline_mode = #tpu.pipeline_mode<synchronous>, transform_indices = @transform_12, window_bounds = array<i64: 16, 128, 128>}, {pipeline_mode = #tpu.pipeline_mode<synchronous>, transform_indices = @transform_13, window_bounds = array<i64: 1, 128>}, {transform_indices = @transform_14, window_bounds = array<i64: 1, 32, 128>}]} {
    %get3A = arith.constant 0 : index
    %get3A_0 = arith.constant 0 : index
    %get3A_1 = arith.constant 0 : index
    %get3A_2 = vector.load %arg2[%get3A, %get3A_0, %get3A_1] : memref<1x512x68xf32, #tpu.memory_space<vmem>>, vector<1x512x68xf32>
    %squeeze3A = vector.shape_cast %get3A_2 : vector<1x512x68xf32> to vector<512x68xf32>
    %get3A_3 = arith.constant 0 : index
    %get3A_4 = arith.constant 0 : index
    %get3A_5 = arith.constant 0 : index
    %get3A_6 = arith.constant 0 : index
    %get3A_7 = vector.load %arg3[%get3A_3, %get3A_4, %get3A_5, %get3A_6] : memref<1x32x64x1xi32, #tpu.memory_space<vmem>>, vector<1x32x64x1xi32>
    %reshape3A = vector.shape_cast %get3A_7 : vector<1x32x64x1xi32> to vector<32x64x1xi32>
    %get3A_8 = arith.constant 0 : index
    %get3A_9 = arith.constant 0 : index
    %get3A_10 = arith.constant 0 : index
    %get3A_11 = vector.load %arg4[%get3A_8, %get3A_9, %get3A_10] : memref<1x32x3xf32, #tpu.memory_space<vmem>>, vector<1x32x3xf32>
    %squeeze3A_12 = vector.shape_cast %get3A_11 : vector<1x32x3xf32> to vector<32x3xf32>
    %iota3A = tpu.iota {dimensions = array<i32: 2>} : vector<32x64x512xi32>
    %eq3A = vector.broadcast %reshape3A : vector<32x64x1xi32> to vector<32x64x512xi32>
    %eq3A_13 = arith.cmpi eq, %iota3A, %eq3A : vector<32x64x512xi32>
    %convert_element_type3A = arith.extui %eq3A_13 : vector<32x64x512xi1> to vector<32x64x512xi32>
    %convert_element_type3A_14 = arith.sitofp %convert_element_type3A : vector<32x64x512xi32> to vector<32x64x512xf32>
    %reshape3A_15 = vector.shape_cast %convert_element_type3A_14 : vector<32x64x512xf32> to vector<2048x512xf32>
    %dot_general3A = arith.constant dense<0.000000e+00> : vector<2048x68xf32>
    %dot_general3A_16 = tpu.matmul %reshape3A_15, %squeeze3A, %dot_general3A {dimension_numbers = #tpu.dot_dimension_numbers<[1], [0], [0], [1], [0, 0, 1, 1], [], []>, transpose_lhs_hint = false} : vector<2048x512xf32>, vector<512x68xf32>, vector<2048x68xf32> -> vector<2048x68xf32>
    %slice3A = vector.extract_strided_slice %dot_general3A_16 {offsets = [0, 0], sizes = [2048, 3], strides = [1, 1]} : vector<2048x68xf32> to vector<2048x3xf32>
    %slice3A_17 = vector.extract_strided_slice %dot_general3A_16 {offsets = [0, 3], sizes = [2048, 64], strides = [1, 1]} : vector<2048x68xf32> to vector<2048x64xf32>
    %slice3A_18 = vector.extract_strided_slice %dot_general3A_16 {offsets = [0, 67], sizes = [2048, 1], strides = [1, 1]} : vector<2048x68xf32> to vector<2048x1xf32>
    %broadcast_in_dim3A = vector.shape_cast %squeeze3A_12 : vector<32x3xf32> to vector<32x1x3xf32>
    %broadcast_in_dim3A_19 = vector.shape_cast %broadcast_in_dim3A : vector<32x1x3xf32> to vector<32x1x3xf32>
    %broadcast_in_dim3A_20 = vector.broadcast %broadcast_in_dim3A_19 : vector<32x1x3xf32> to vector<32x64x3xf32>
    %reshape3A_21 = vector.shape_cast %broadcast_in_dim3A_20 : vector<32x64x3xf32> to vector<2048x3xf32>
    %sub3A = arith.subf %slice3A, %reshape3A_21 : vector<2048x3xf32>
    %get3A_22 = arith.constant 0 : index
    %get3A_23 = arith.constant 0 : index
    %get3A_24 = vector.load %arg5[%get3A_22, %get3A_23] : memref<3x128xf32, #tpu.memory_space<vmem>>, vector<3x128xf32>
    %dot_general3A_25 = arith.constant dense<0.000000e+00> : vector<2048x128xf32>
    %dot_general3A_26 = tpu.matmul %sub3A, %get3A_24, %dot_general3A_25 {dimension_numbers = #tpu.dot_dimension_numbers<[1], [0], [0], [1], [0, 0, 1, 1], [], []>, transpose_lhs_hint = false} : vector<2048x3xf32>, vector<3x128xf32>, vector<2048x128xf32> -> vector<2048x128xf32>
    %get3A_27 = arith.constant 0 : index
    %get3A_28 = arith.constant 0 : index
    %get3A_29 = vector.load %arg6[%get3A_27, %get3A_28] : memref<64x128xf32, #tpu.memory_space<vmem>>, vector<64x128xf32>
    %dot_general3A_30 = arith.constant dense<0.000000e+00> : vector<2048x128xf32>
    %dot_general3A_31 = tpu.matmul %slice3A_17, %get3A_29, %dot_general3A_30 {dimension_numbers = #tpu.dot_dimension_numbers<[1], [0], [0], [1], [0, 0, 1, 1], [], []>, transpose_lhs_hint = false} : vector<2048x64xf32>, vector<64x128xf32>, vector<2048x128xf32> -> vector<2048x128xf32>
    %add3A = arith.addf %dot_general3A_26, %dot_general3A_31 : vector<2048x128xf32>
    %get3A_32 = arith.constant 0 : index
    %get3A_33 = arith.constant 0 : index
    %get3A_34 = vector.load %arg7[%get3A_32, %get3A_33] : memref<1x128xf32, #tpu.memory_space<vmem>>, vector<1x128xf32>
    %add3A_35 = vector.broadcast %get3A_34 : vector<1x128xf32> to vector<2048x128xf32>
    %add3A_36 = arith.addf %add3A, %add3A_35 : vector<2048x128xf32>
    %mul3A = arith.constant 0.999994993 : f32
    %mul3A_37 = vector.broadcast %mul3A : f32 to vector<2048x128xf32>
    %mul3A_38 = arith.mulf %add3A_36, %mul3A_37 : vector<2048x128xf32>
    %max3A = arith.constant 0.000000e+00 : f32
    %max3A_39 = vector.broadcast %max3A : f32 to vector<2048x128xf32>
    %max3A_40 = arith.maximumf %mul3A_38, %max3A_39 : vector<2048x128xf32>
    %reshape3A_41 = vector.shape_cast %slice3A_18 : vector<2048x1xf32> to vector<32x64x1xf32>
    %reduce_max3A = arith.constant dense<0xFF800000> : vector<32x1xf32>
    %reduce_max3A_42 = vector.multi_reduction <maximumf>, %reshape3A_41, %reduce_max3A [1] : vector<32x64x1xf32> to vector<32x1xf32>
    %broadcast_in_dim3A_43 = vector.shape_cast %reduce_max3A_42 : vector<32x1xf32> to vector<32x1x1xf32>
    %div3A = vector.broadcast %broadcast_in_dim3A_43 : vector<32x1x1xf32> to vector<32x64x1xf32>
    %div3A_44 = arith.divf %reshape3A_41, %div3A : vector<32x64x1xf32>
    %reshape3A_45 = vector.shape_cast %max3A_40 : vector<2048x128xf32> to vector<32x64x128xf32>
    %mul3A_46 = vector.broadcast %div3A_44 : vector<32x64x1xf32> to vector<32x64x128xf32>
    %mul3A_47 = arith.mulf %reshape3A_45, %mul3A_46 : vector<32x64x128xf32>
    %get3A_48 = arith.constant 0 : index
    %get3A_49 = arith.constant 0 : index
    %get3A_50 = vector.load %arg8[%get3A_48, %get3A_49] : memref<3x8xf32, #tpu.memory_space<vmem>>, vector<3x8xf32>
    %dot_general3A_51 = arith.constant dense<0.000000e+00> : vector<2048x8xf32>
    %dot_general3A_52 = tpu.matmul %sub3A, %get3A_50, %dot_general3A_51 {dimension_numbers = #tpu.dot_dimension_numbers<[1], [0], [0], [1], [0, 0, 1, 1], [], []>, transpose_lhs_hint = false} : vector<2048x3xf32>, vector<3x8xf32>, vector<2048x8xf32> -> vector<2048x8xf32>
    %get3A_53 = arith.constant 0 : index
    %get3A_54 = arith.constant 0 : index
    %get3A_55 = vector.load %arg9[%get3A_53, %get3A_54] : memref<1x8xf32, #tpu.memory_space<vmem>>, vector<1x8xf32>
    %add3A_56 = vector.broadcast %get3A_55 : vector<1x8xf32> to vector<2048x8xf32>
    %add3A_57 = arith.addf %dot_general3A_52, %add3A_56 : vector<2048x8xf32>
    %mul3A_58 = arith.constant 0.999994993 : f32
    %mul3A_59 = vector.broadcast %mul3A_58 : f32 to vector<2048x8xf32>
    %mul3A_60 = arith.mulf %add3A_57, %mul3A_59 : vector<2048x8xf32>
    %max3A_61 = arith.constant 0.000000e+00 : f32
    %max3A_62 = vector.broadcast %max3A_61 : f32 to vector<2048x8xf32>
    %max3A_63 = arith.maximumf %mul3A_60, %max3A_62 : vector<2048x8xf32>
    %get3A_64 = arith.constant 0 : index
    %get3A_65 = arith.constant 0 : index
    %get3A_66 = vector.load %arg10[%get3A_64, %get3A_65] : memref<8x8xf32, #tpu.memory_space<vmem>>, vector<8x8xf32>
    %dot_general3A_67 = arith.constant dense<0.000000e+00> : vector<2048x8xf32>
    %dot_general3A_68 = tpu.matmul %max3A_63, %get3A_66, %dot_general3A_67 {dimension_numbers = #tpu.dot_dimension_numbers<[1], [0], [0], [1], [0, 0, 1, 1], [], []>, transpose_lhs_hint = false} : vector<2048x8xf32>, vector<8x8xf32>, vector<2048x8xf32> -> vector<2048x8xf32>
    %get3A_69 = arith.constant 0 : index
    %get3A_70 = arith.constant 0 : index
    %get3A_71 = vector.load %arg11[%get3A_69, %get3A_70] : memref<1x8xf32, #tpu.memory_space<vmem>>, vector<1x8xf32>
    %add3A_72 = vector.broadcast %get3A_71 : vector<1x8xf32> to vector<2048x8xf32>
    %add3A_73 = arith.addf %dot_general3A_68, %add3A_72 : vector<2048x8xf32>
    %mul3A_74 = arith.constant 0.999994993 : f32
    %mul3A_75 = vector.broadcast %mul3A_74 : f32 to vector<2048x8xf32>
    %mul3A_76 = arith.mulf %add3A_73, %mul3A_75 : vector<2048x8xf32>
    %max3A_77 = arith.constant 0.000000e+00 : f32
    %max3A_78 = vector.broadcast %max3A_77 : f32 to vector<2048x8xf32>
    %max3A_79 = arith.maximumf %mul3A_76, %max3A_78 : vector<2048x8xf32>
    %get3A_80 = arith.constant 0 : index
    %get3A_81 = arith.constant 0 : index
    %get3A_82 = vector.load %arg12[%get3A_80, %get3A_81] : memref<8x16xf32, #tpu.memory_space<vmem>>, vector<8x16xf32>
    %dot_general3A_83 = arith.constant dense<0.000000e+00> : vector<2048x16xf32>
    %dot_general3A_84 = tpu.matmul %max3A_79, %get3A_82, %dot_general3A_83 {dimension_numbers = #tpu.dot_dimension_numbers<[1], [0], [0], [1], [0, 0, 1, 1], [], []>, transpose_lhs_hint = false} : vector<2048x8xf32>, vector<8x16xf32>, vector<2048x16xf32> -> vector<2048x16xf32>
    %get3A_85 = arith.constant 0 : index
    %get3A_86 = arith.constant 0 : index
    %get3A_87 = vector.load %arg13[%get3A_85, %get3A_86] : memref<1x16xf32, #tpu.memory_space<vmem>>, vector<1x16xf32>
    %add3A_88 = vector.broadcast %get3A_87 : vector<1x16xf32> to vector<2048x16xf32>
    %add3A_89 = arith.addf %dot_general3A_84, %add3A_88 : vector<2048x16xf32>
    %mul3A_90 = arith.constant 0.999994993 : f32
    %mul3A_91 = vector.broadcast %mul3A_90 : f32 to vector<2048x16xf32>
    %mul3A_92 = arith.mulf %add3A_89, %mul3A_91 : vector<2048x16xf32>
    %max3A_93 = arith.constant 0.000000e+00 : f32
    %max3A_94 = vector.broadcast %max3A_93 : f32 to vector<2048x16xf32>
    %max3A_95 = arith.maximumf %mul3A_92, %max3A_94 : vector<2048x16xf32>
    %reshape3A_96 = vector.shape_cast %max3A_95 : vector<2048x16xf32> to vector<32x64x16xf32>
    %broadcast_in_dim3A_97 = arith.constant 0.000000e+00 : f32
    %broadcast_in_dim3A_98 = vector.broadcast %broadcast_in_dim3A_97 : f32 to vector<32x128xf32>
    %slice3A_99 = vector.extract_strided_slice %reshape3A_96 {offsets = [0, 0, 0], sizes = [32, 64, 1], strides = [1, 1, 1]} : vector<32x64x16xf32> to vector<32x64x1xf32>
    %mul3A_100 = vector.broadcast %slice3A_99 : vector<32x64x1xf32> to vector<32x64x128xf32>
    %mul3A_101 = arith.mulf %mul3A_47, %mul3A_100 : vector<32x64x128xf32>
    %reduce_sum3A = arith.constant dense<0.000000e+00> : vector<32x128xf32>
    %reduce_sum3A_102 = vector.multi_reduction <add>, %mul3A_101, %reduce_sum3A [1] : vector<32x64x128xf32> to vector<32x128xf32>
    %get3A_103 = arith.constant 0 : index
    %get3A_104 = arith.constant 0 : index
    %get3A_105 = arith.constant 0 : index
    %get3A_106 = vector.load %arg14[%get3A_103, %get3A_104, %get3A_105] : memref<16x128x128xf32, #tpu.memory_space<vmem>>, vector<16x128x128xf32>
    %slice3A_107 = vector.extract_strided_slice %get3A_106 {offsets = [0, 0, 0], sizes = [1, 128, 128], strides = [1, 1, 1]} : vector<16x128x128xf32> to vector<1x128x128xf32>
    %squeeze3A_108 = vector.shape_cast %slice3A_107 : vector<1x128x128xf32> to vector<128x128xf32>
    %dot_general3A_109 = arith.constant dense<0.000000e+00> : vector<32x128xf32>
    %dot_general3A_110 = tpu.matmul %reduce_sum3A_102, %squeeze3A_108, %dot_general3A_109 {dimension_numbers = #tpu.dot_dimension_numbers<[1], [0], [0], [1], [0, 0, 1, 1], [], []>, transpose_lhs_hint = false} : vector<32x128xf32>, vector<128x128xf32>, vector<32x128xf32> -> vector<32x128xf32>
    %add3A_111 = arith.addf %broadcast_in_dim3A_98, %dot_general3A_110 : vector<32x128xf32>
    %slice3A_112 = vector.extract_strided_slice %reshape3A_96 {offsets = [0, 0, 1], sizes = [32, 64, 1], strides = [1, 1, 1]} : vector<32x64x16xf32> to vector<32x64x1xf32>
    %mul3A_113 = vector.broadcast %slice3A_112 : vector<32x64x1xf32> to vector<32x64x128xf32>
    %mul3A_114 = arith.mulf %mul3A_47, %mul3A_113 : vector<32x64x128xf32>
    %reduce_sum3A_115 = arith.constant dense<0.000000e+00> : vector<32x128xf32>
    %reduce_sum3A_116 = vector.multi_reduction <add>, %mul3A_114, %reduce_sum3A_115 [1] : vector<32x64x128xf32> to vector<32x128xf32>
    %get3A_117 = arith.constant 0 : index
    %get3A_118 = arith.constant 0 : index
    %get3A_119 = arith.constant 0 : index
    %get3A_120 = vector.load %arg14[%get3A_117, %get3A_118, %get3A_119] : memref<16x128x128xf32, #tpu.memory_space<vmem>>, vector<16x128x128xf32>
    %slice3A_121 = vector.extract_strided_slice %get3A_120 {offsets = [1, 0, 0], sizes = [1, 128, 128], strides = [1, 1, 1]} : vector<16x128x128xf32> to vector<1x128x128xf32>
    %squeeze3A_122 = vector.shape_cast %slice3A_121 : vector<1x128x128xf32> to vector<128x128xf32>
    %dot_general3A_123 = arith.constant dense<0.000000e+00> : vector<32x128xf32>
    %dot_general3A_124 = tpu.matmul %reduce_sum3A_116, %squeeze3A_122, %dot_general3A_123 {dimension_numbers = #tpu.dot_dimension_numbers<[1], [0], [0], [1], [0, 0, 1, 1], [], []>, transpose_lhs_hint = false} : vector<32x128xf32>, vector<128x128xf32>, vector<32x128xf32> -> vector<32x128xf32>
    %add3A_125 = arith.addf %add3A_111, %dot_general3A_124 : vector<32x128xf32>
    %slice3A_126 = vector.extract_strided_slice %reshape3A_96 {offsets = [0, 0, 2], sizes = [32, 64, 1], strides = [1, 1, 1]} : vector<32x64x16xf32> to vector<32x64x1xf32>
    %mul3A_127 = vector.broadcast %slice3A_126 : vector<32x64x1xf32> to vector<32x64x128xf32>
    %mul3A_128 = arith.mulf %mul3A_47, %mul3A_127 : vector<32x64x128xf32>
    %reduce_sum3A_129 = arith.constant dense<0.000000e+00> : vector<32x128xf32>
    %reduce_sum3A_130 = vector.multi_reduction <add>, %mul3A_128, %reduce_sum3A_129 [1] : vector<32x64x128xf32> to vector<32x128xf32>
    %get3A_131 = arith.constant 0 : index
    %get3A_132 = arith.constant 0 : index
    %get3A_133 = arith.constant 0 : index
    %get3A_134 = vector.load %arg14[%get3A_131, %get3A_132, %get3A_133] : memref<16x128x128xf32, #tpu.memory_space<vmem>>, vector<16x128x128xf32>
    %slice3A_135 = vector.extract_strided_slice %get3A_134 {offsets = [2, 0, 0], sizes = [1, 128, 128], strides = [1, 1, 1]} : vector<16x128x128xf32> to vector<1x128x128xf32>
    %squeeze3A_136 = vector.shape_cast %slice3A_135 : vector<1x128x128xf32> to vector<128x128xf32>
    %dot_general3A_137 = arith.constant dense<0.000000e+00> : vector<32x128xf32>
    %dot_general3A_138 = tpu.matmul %reduce_sum3A_130, %squeeze3A_136, %dot_general3A_137 {dimension_numbers = #tpu.dot_dimension_numbers<[1], [0], [0], [1], [0, 0, 1, 1], [], []>, transpose_lhs_hint = false} : vector<32x128xf32>, vector<128x128xf32>, vector<32x128xf32> -> vector<32x128xf32>
    %add3A_139 = arith.addf %add3A_125, %dot_general3A_138 : vector<32x128xf32>
    %slice3A_140 = vector.extract_strided_slice %reshape3A_96 {offsets = [0, 0, 3], sizes = [32, 64, 1], strides = [1, 1, 1]} : vector<32x64x16xf32> to vector<32x64x1xf32>
    %mul3A_141 = vector.broadcast %slice3A_140 : vector<32x64x1xf32> to vector<32x64x128xf32>
    %mul3A_142 = arith.mulf %mul3A_47, %mul3A_141 : vector<32x64x128xf32>
    %reduce_sum3A_143 = arith.constant dense<0.000000e+00> : vector<32x128xf32>
    %reduce_sum3A_144 = vector.multi_reduction <add>, %mul3A_142, %reduce_sum3A_143 [1] : vector<32x64x128xf32> to vector<32x128xf32>
    %get3A_145 = arith.constant 0 : index
    %get3A_146 = arith.constant 0 : index
    %get3A_147 = arith.constant 0 : index
    %get3A_148 = vector.load %arg14[%get3A_145, %get3A_146, %get3A_147] : memref<16x128x128xf32, #tpu.memory_space<vmem>>, vector<16x128x128xf32>
    %slice3A_149 = vector.extract_strided_slice %get3A_148 {offsets = [3, 0, 0], sizes = [1, 128, 128], strides = [1, 1, 1]} : vector<16x128x128xf32> to vector<1x128x128xf32>
    %squeeze3A_150 = vector.shape_cast %slice3A_149 : vector<1x128x128xf32> to vector<128x128xf32>
    %dot_general3A_151 = arith.constant dense<0.000000e+00> : vector<32x128xf32>
    %dot_general3A_152 = tpu.matmul %reduce_sum3A_144, %squeeze3A_150, %dot_general3A_151 {dimension_numbers = #tpu.dot_dimension_numbers<[1], [0], [0], [1], [0, 0, 1, 1], [], []>, transpose_lhs_hint = false} : vector<32x128xf32>, vector<128x128xf32>, vector<32x128xf32> -> vector<32x128xf32>
    %add3A_153 = arith.addf %add3A_139, %dot_general3A_152 : vector<32x128xf32>
    %slice3A_154 = vector.extract_strided_slice %reshape3A_96 {offsets = [0, 0, 4], sizes = [32, 64, 1], strides = [1, 1, 1]} : vector<32x64x16xf32> to vector<32x64x1xf32>
    %mul3A_155 = vector.broadcast %slice3A_154 : vector<32x64x1xf32> to vector<32x64x128xf32>
    %mul3A_156 = arith.mulf %mul3A_47, %mul3A_155 : vector<32x64x128xf32>
    %reduce_sum3A_157 = arith.constant dense<0.000000e+00> : vector<32x128xf32>
    %reduce_sum3A_158 = vector.multi_reduction <add>, %mul3A_156, %reduce_sum3A_157 [1] : vector<32x64x128xf32> to vector<32x128xf32>
    %get3A_159 = arith.constant 0 : index
    %get3A_160 = arith.constant 0 : index
    %get3A_161 = arith.constant 0 : index
    %get3A_162 = vector.load %arg14[%get3A_159, %get3A_160, %get3A_161] : memref<16x128x128xf32, #tpu.memory_space<vmem>>, vector<16x128x128xf32>
    %slice3A_163 = vector.extract_strided_slice %get3A_162 {offsets = [4, 0, 0], sizes = [1, 128, 128], strides = [1, 1, 1]} : vector<16x128x128xf32> to vector<1x128x128xf32>
    %squeeze3A_164 = vector.shape_cast %slice3A_163 : vector<1x128x128xf32> to vector<128x128xf32>
    %dot_general3A_165 = arith.constant dense<0.000000e+00> : vector<32x128xf32>
    %dot_general3A_166 = tpu.matmul %reduce_sum3A_158, %squeeze3A_164, %dot_general3A_165 {dimension_numbers = #tpu.dot_dimension_numbers<[1], [0], [0], [1], [0, 0, 1, 1], [], []>, transpose_lhs_hint = false} : vector<32x128xf32>, vector<128x128xf32>, vector<32x128xf32> -> vector<32x128xf32>
    %add3A_167 = arith.addf %add3A_153, %dot_general3A_166 : vector<32x128xf32>
    %slice3A_168 = vector.extract_strided_slice %reshape3A_96 {offsets = [0, 0, 5], sizes = [32, 64, 1], strides = [1, 1, 1]} : vector<32x64x16xf32> to vector<32x64x1xf32>
    %mul3A_169 = vector.broadcast %slice3A_168 : vector<32x64x1xf32> to vector<32x64x128xf32>
    %mul3A_170 = arith.mulf %mul3A_47, %mul3A_169 : vector<32x64x128xf32>
    %reduce_sum3A_171 = arith.constant dense<0.000000e+00> : vector<32x128xf32>
    %reduce_sum3A_172 = vector.multi_reduction <add>, %mul3A_170, %reduce_sum3A_171 [1] : vector<32x64x128xf32> to vector<32x128xf32>
    %get3A_173 = arith.constant 0 : index
    %get3A_174 = arith.constant 0 : index
    %get3A_175 = arith.constant 0 : index
    %get3A_176 = vector.load %arg14[%get3A_173, %get3A_174, %get3A_175] : memref<16x128x128xf32, #tpu.memory_space<vmem>>, vector<16x128x128xf32>
    %slice3A_177 = vector.extract_strided_slice %get3A_176 {offsets = [5, 0, 0], sizes = [1, 128, 128], strides = [1, 1, 1]} : vector<16x128x128xf32> to vector<1x128x128xf32>
    %squeeze3A_178 = vector.shape_cast %slice3A_177 : vector<1x128x128xf32> to vector<128x128xf32>
    %dot_general3A_179 = arith.constant dense<0.000000e+00> : vector<32x128xf32>
    %dot_general3A_180 = tpu.matmul %reduce_sum3A_172, %squeeze3A_178, %dot_general3A_179 {dimension_numbers = #tpu.dot_dimension_numbers<[1], [0], [0], [1], [0, 0, 1, 1], [], []>, transpose_lhs_hint = false} : vector<32x128xf32>, vector<128x128xf32>, vector<32x128xf32> -> vector<32x128xf32>
    %add3A_181 = arith.addf %add3A_167, %dot_general3A_180 : vector<32x128xf32>
    %slice3A_182 = vector.extract_strided_slice %reshape3A_96 {offsets = [0, 0, 6], sizes = [32, 64, 1], strides = [1, 1, 1]} : vector<32x64x16xf32> to vector<32x64x1xf32>
    %mul3A_183 = vector.broadcast %slice3A_182 : vector<32x64x1xf32> to vector<32x64x128xf32>
    %mul3A_184 = arith.mulf %mul3A_47, %mul3A_183 : vector<32x64x128xf32>
    %reduce_sum3A_185 = arith.constant dense<0.000000e+00> : vector<32x128xf32>
    %reduce_sum3A_186 = vector.multi_reduction <add>, %mul3A_184, %reduce_sum3A_185 [1] : vector<32x64x128xf32> to vector<32x128xf32>
    %get3A_187 = arith.constant 0 : index
    %get3A_188 = arith.constant 0 : index
    %get3A_189 = arith.constant 0 : index
    %get3A_190 = vector.load %arg14[%get3A_187, %get3A_188, %get3A_189] : memref<16x128x128xf32, #tpu.memory_space<vmem>>, vector<16x128x128xf32>
    %slice3A_191 = vector.extract_strided_slice %get3A_190 {offsets = [6, 0, 0], sizes = [1, 128, 128], strides = [1, 1, 1]} : vector<16x128x128xf32> to vector<1x128x128xf32>
    %squeeze3A_192 = vector.shape_cast %slice3A_191 : vector<1x128x128xf32> to vector<128x128xf32>
    %dot_general3A_193 = arith.constant dense<0.000000e+00> : vector<32x128xf32>
    %dot_general3A_194 = tpu.matmul %reduce_sum3A_186, %squeeze3A_192, %dot_general3A_193 {dimension_numbers = #tpu.dot_dimension_numbers<[1], [0], [0], [1], [0, 0, 1, 1], [], []>, transpose_lhs_hint = false} : vector<32x128xf32>, vector<128x128xf32>, vector<32x128xf32> -> vector<32x128xf32>
    %add3A_195 = arith.addf %add3A_181, %dot_general3A_194 : vector<32x128xf32>
    %slice3A_196 = vector.extract_strided_slice %reshape3A_96 {offsets = [0, 0, 7], sizes = [32, 64, 1], strides = [1, 1, 1]} : vector<32x64x16xf32> to vector<32x64x1xf32>
    %mul3A_197 = vector.broadcast %slice3A_196 : vector<32x64x1xf32> to vector<32x64x128xf32>
    %mul3A_198 = arith.mulf %mul3A_47, %mul3A_197 : vector<32x64x128xf32>
    %reduce_sum3A_199 = arith.constant dense<0.000000e+00> : vector<32x128xf32>
    %reduce_sum3A_200 = vector.multi_reduction <add>, %mul3A_198, %reduce_sum3A_199 [1] : vector<32x64x128xf32> to vector<32x128xf32>
    %get3A_201 = arith.constant 0 : index
    %get3A_202 = arith.constant 0 : index
    %get3A_203 = arith.constant 0 : index
    %get3A_204 = vector.load %arg14[%get3A_201, %get3A_202, %get3A_203] : memref<16x128x128xf32, #tpu.memory_space<vmem>>, vector<16x128x128xf32>
    %slice3A_205 = vector.extract_strided_slice %get3A_204 {offsets = [7, 0, 0], sizes = [1, 128, 128], strides = [1, 1, 1]} : vector<16x128x128xf32> to vector<1x128x128xf32>
    %squeeze3A_206 = vector.shape_cast %slice3A_205 : vector<1x128x128xf32> to vector<128x128xf32>
    %dot_general3A_207 = arith.constant dense<0.000000e+00> : vector<32x128xf32>
    %dot_general3A_208 = tpu.matmul %reduce_sum3A_200, %squeeze3A_206, %dot_general3A_207 {dimension_numbers = #tpu.dot_dimension_numbers<[1], [0], [0], [1], [0, 0, 1, 1], [], []>, transpose_lhs_hint = false} : vector<32x128xf32>, vector<128x128xf32>, vector<32x128xf32> -> vector<32x128xf32>
    %add3A_209 = arith.addf %add3A_195, %dot_general3A_208 : vector<32x128xf32>
    %slice3A_210 = vector.extract_strided_slice %reshape3A_96 {offsets = [0, 0, 8], sizes = [32, 64, 1], strides = [1, 1, 1]} : vector<32x64x16xf32> to vector<32x64x1xf32>
    %mul3A_211 = vector.broadcast %slice3A_210 : vector<32x64x1xf32> to vector<32x64x128xf32>
    %mul3A_212 = arith.mulf %mul3A_47, %mul3A_211 : vector<32x64x128xf32>
    %reduce_sum3A_213 = arith.constant dense<0.000000e+00> : vector<32x128xf32>
    %reduce_sum3A_214 = vector.multi_reduction <add>, %mul3A_212, %reduce_sum3A_213 [1] : vector<32x64x128xf32> to vector<32x128xf32>
    %get3A_215 = arith.constant 0 : index
    %get3A_216 = arith.constant 0 : index
    %get3A_217 = arith.constant 0 : index
    %get3A_218 = vector.load %arg14[%get3A_215, %get3A_216, %get3A_217] : memref<16x128x128xf32, #tpu.memory_space<vmem>>, vector<16x128x128xf32>
    %slice3A_219 = vector.extract_strided_slice %get3A_218 {offsets = [8, 0, 0], sizes = [1, 128, 128], strides = [1, 1, 1]} : vector<16x128x128xf32> to vector<1x128x128xf32>
    %squeeze3A_220 = vector.shape_cast %slice3A_219 : vector<1x128x128xf32> to vector<128x128xf32>
    %dot_general3A_221 = arith.constant dense<0.000000e+00> : vector<32x128xf32>
    %dot_general3A_222 = tpu.matmul %reduce_sum3A_214, %squeeze3A_220, %dot_general3A_221 {dimension_numbers = #tpu.dot_dimension_numbers<[1], [0], [0], [1], [0, 0, 1, 1], [], []>, transpose_lhs_hint = false} : vector<32x128xf32>, vector<128x128xf32>, vector<32x128xf32> -> vector<32x128xf32>
    %add3A_223 = arith.addf %add3A_209, %dot_general3A_222 : vector<32x128xf32>
    %slice3A_224 = vector.extract_strided_slice %reshape3A_96 {offsets = [0, 0, 9], sizes = [32, 64, 1], strides = [1, 1, 1]} : vector<32x64x16xf32> to vector<32x64x1xf32>
    %mul3A_225 = vector.broadcast %slice3A_224 : vector<32x64x1xf32> to vector<32x64x128xf32>
    %mul3A_226 = arith.mulf %mul3A_47, %mul3A_225 : vector<32x64x128xf32>
    %reduce_sum3A_227 = arith.constant dense<0.000000e+00> : vector<32x128xf32>
    %reduce_sum3A_228 = vector.multi_reduction <add>, %mul3A_226, %reduce_sum3A_227 [1] : vector<32x64x128xf32> to vector<32x128xf32>
    %get3A_229 = arith.constant 0 : index
    %get3A_230 = arith.constant 0 : index
    %get3A_231 = arith.constant 0 : index
    %get3A_232 = vector.load %arg14[%get3A_229, %get3A_230, %get3A_231] : memref<16x128x128xf32, #tpu.memory_space<vmem>>, vector<16x128x128xf32>
    %slice3A_233 = vector.extract_strided_slice %get3A_232 {offsets = [9, 0, 0], sizes = [1, 128, 128], strides = [1, 1, 1]} : vector<16x128x128xf32> to vector<1x128x128xf32>
    %squeeze3A_234 = vector.shape_cast %slice3A_233 : vector<1x128x128xf32> to vector<128x128xf32>
    %dot_general3A_235 = arith.constant dense<0.000000e+00> : vector<32x128xf32>
    %dot_general3A_236 = tpu.matmul %reduce_sum3A_228, %squeeze3A_234, %dot_general3A_235 {dimension_numbers = #tpu.dot_dimension_numbers<[1], [0], [0], [1], [0, 0, 1, 1], [], []>, transpose_lhs_hint = false} : vector<32x128xf32>, vector<128x128xf32>, vector<32x128xf32> -> vector<32x128xf32>
    %add3A_237 = arith.addf %add3A_223, %dot_general3A_236 : vector<32x128xf32>
    %slice3A_238 = vector.extract_strided_slice %reshape3A_96 {offsets = [0, 0, 10], sizes = [32, 64, 1], strides = [1, 1, 1]} : vector<32x64x16xf32> to vector<32x64x1xf32>
    %mul3A_239 = vector.broadcast %slice3A_238 : vector<32x64x1xf32> to vector<32x64x128xf32>
    %mul3A_240 = arith.mulf %mul3A_47, %mul3A_239 : vector<32x64x128xf32>
    %reduce_sum3A_241 = arith.constant dense<0.000000e+00> : vector<32x128xf32>
    %reduce_sum3A_242 = vector.multi_reduction <add>, %mul3A_240, %reduce_sum3A_241 [1] : vector<32x64x128xf32> to vector<32x128xf32>
    %get3A_243 = arith.constant 0 : index
    %get3A_244 = arith.constant 0 : index
    %get3A_245 = arith.constant 0 : index
    %get3A_246 = vector.load %arg14[%get3A_243, %get3A_244, %get3A_245] : memref<16x128x128xf32, #tpu.memory_space<vmem>>, vector<16x128x128xf32>
    %slice3A_247 = vector.extract_strided_slice %get3A_246 {offsets = [10, 0, 0], sizes = [1, 128, 128], strides = [1, 1, 1]} : vector<16x128x128xf32> to vector<1x128x128xf32>
    %squeeze3A_248 = vector.shape_cast %slice3A_247 : vector<1x128x128xf32> to vector<128x128xf32>
    %dot_general3A_249 = arith.constant dense<0.000000e+00> : vector<32x128xf32>
    %dot_general3A_250 = tpu.matmul %reduce_sum3A_242, %squeeze3A_248, %dot_general3A_249 {dimension_numbers = #tpu.dot_dimension_numbers<[1], [0], [0], [1], [0, 0, 1, 1], [], []>, transpose_lhs_hint = false} : vector<32x128xf32>, vector<128x128xf32>, vector<32x128xf32> -> vector<32x128xf32>
    %add3A_251 = arith.addf %add3A_237, %dot_general3A_250 : vector<32x128xf32>
    %slice3A_252 = vector.extract_strided_slice %reshape3A_96 {offsets = [0, 0, 11], sizes = [32, 64, 1], strides = [1, 1, 1]} : vector<32x64x16xf32> to vector<32x64x1xf32>
    %mul3A_253 = vector.broadcast %slice3A_252 : vector<32x64x1xf32> to vector<32x64x128xf32>
    %mul3A_254 = arith.mulf %mul3A_47, %mul3A_253 : vector<32x64x128xf32>
    %reduce_sum3A_255 = arith.constant dense<0.000000e+00> : vector<32x128xf32>
    %reduce_sum3A_256 = vector.multi_reduction <add>, %mul3A_254, %reduce_sum3A_255 [1] : vector<32x64x128xf32> to vector<32x128xf32>
    %get3A_257 = arith.constant 0 : index
    %get3A_258 = arith.constant 0 : index
    %get3A_259 = arith.constant 0 : index
    %get3A_260 = vector.load %arg14[%get3A_257, %get3A_258, %get3A_259] : memref<16x128x128xf32, #tpu.memory_space<vmem>>, vector<16x128x128xf32>
    %slice3A_261 = vector.extract_strided_slice %get3A_260 {offsets = [11, 0, 0], sizes = [1, 128, 128], strides = [1, 1, 1]} : vector<16x128x128xf32> to vector<1x128x128xf32>
    %squeeze3A_262 = vector.shape_cast %slice3A_261 : vector<1x128x128xf32> to vector<128x128xf32>
    %dot_general3A_263 = arith.constant dense<0.000000e+00> : vector<32x128xf32>
    %dot_general3A_264 = tpu.matmul %reduce_sum3A_256, %squeeze3A_262, %dot_general3A_263 {dimension_numbers = #tpu.dot_dimension_numbers<[1], [0], [0], [1], [0, 0, 1, 1], [], []>, transpose_lhs_hint = false} : vector<32x128xf32>, vector<128x128xf32>, vector<32x128xf32> -> vector<32x128xf32>
    %add3A_265 = arith.addf %add3A_251, %dot_general3A_264 : vector<32x128xf32>
    %slice3A_266 = vector.extract_strided_slice %reshape3A_96 {offsets = [0, 0, 12], sizes = [32, 64, 1], strides = [1, 1, 1]} : vector<32x64x16xf32> to vector<32x64x1xf32>
    %mul3A_267 = vector.broadcast %slice3A_266 : vector<32x64x1xf32> to vector<32x64x128xf32>
    %mul3A_268 = arith.mulf %mul3A_47, %mul3A_267 : vector<32x64x128xf32>
    %reduce_sum3A_269 = arith.constant dense<0.000000e+00> : vector<32x128xf32>
    %reduce_sum3A_270 = vector.multi_reduction <add>, %mul3A_268, %reduce_sum3A_269 [1] : vector<32x64x128xf32> to vector<32x128xf32>
    %get3A_271 = arith.constant 0 : index
    %get3A_272 = arith.constant 0 : index
    %get3A_273 = arith.constant 0 : index
    %get3A_274 = vector.load %arg14[%get3A_271, %get3A_272, %get3A_273] : memref<16x128x128xf32, #tpu.memory_space<vmem>>, vector<16x128x128xf32>
    %slice3A_275 = vector.extract_strided_slice %get3A_274 {offsets = [12, 0, 0], sizes = [1, 128, 128], strides = [1, 1, 1]} : vector<16x128x128xf32> to vector<1x128x128xf32>
    %squeeze3A_276 = vector.shape_cast %slice3A_275 : vector<1x128x128xf32> to vector<128x128xf32>
    %dot_general3A_277 = arith.constant dense<0.000000e+00> : vector<32x128xf32>
    %dot_general3A_278 = tpu.matmul %reduce_sum3A_270, %squeeze3A_276, %dot_general3A_277 {dimension_numbers = #tpu.dot_dimension_numbers<[1], [0], [0], [1], [0, 0, 1, 1], [], []>, transpose_lhs_hint = false} : vector<32x128xf32>, vector<128x128xf32>, vector<32x128xf32> -> vector<32x128xf32>
    %add3A_279 = arith.addf %add3A_265, %dot_general3A_278 : vector<32x128xf32>
    %slice3A_280 = vector.extract_strided_slice %reshape3A_96 {offsets = [0, 0, 13], sizes = [32, 64, 1], strides = [1, 1, 1]} : vector<32x64x16xf32> to vector<32x64x1xf32>
    %mul3A_281 = vector.broadcast %slice3A_280 : vector<32x64x1xf32> to vector<32x64x128xf32>
    %mul3A_282 = arith.mulf %mul3A_47, %mul3A_281 : vector<32x64x128xf32>
    %reduce_sum3A_283 = arith.constant dense<0.000000e+00> : vector<32x128xf32>
    %reduce_sum3A_284 = vector.multi_reduction <add>, %mul3A_282, %reduce_sum3A_283 [1] : vector<32x64x128xf32> to vector<32x128xf32>
    %get3A_285 = arith.constant 0 : index
    %get3A_286 = arith.constant 0 : index
    %get3A_287 = arith.constant 0 : index
    %get3A_288 = vector.load %arg14[%get3A_285, %get3A_286, %get3A_287] : memref<16x128x128xf32, #tpu.memory_space<vmem>>, vector<16x128x128xf32>
    %slice3A_289 = vector.extract_strided_slice %get3A_288 {offsets = [13, 0, 0], sizes = [1, 128, 128], strides = [1, 1, 1]} : vector<16x128x128xf32> to vector<1x128x128xf32>
    %squeeze3A_290 = vector.shape_cast %slice3A_289 : vector<1x128x128xf32> to vector<128x128xf32>
    %dot_general3A_291 = arith.constant dense<0.000000e+00> : vector<32x128xf32>
    %dot_general3A_292 = tpu.matmul %reduce_sum3A_284, %squeeze3A_290, %dot_general3A_291 {dimension_numbers = #tpu.dot_dimension_numbers<[1], [0], [0], [1], [0, 0, 1, 1], [], []>, transpose_lhs_hint = false} : vector<32x128xf32>, vector<128x128xf32>, vector<32x128xf32> -> vector<32x128xf32>
    %add3A_293 = arith.addf %add3A_279, %dot_general3A_292 : vector<32x128xf32>
    %slice3A_294 = vector.extract_strided_slice %reshape3A_96 {offsets = [0, 0, 14], sizes = [32, 64, 1], strides = [1, 1, 1]} : vector<32x64x16xf32> to vector<32x64x1xf32>
    %mul3A_295 = vector.broadcast %slice3A_294 : vector<32x64x1xf32> to vector<32x64x128xf32>
    %mul3A_296 = arith.mulf %mul3A_47, %mul3A_295 : vector<32x64x128xf32>
    %reduce_sum3A_297 = arith.constant dense<0.000000e+00> : vector<32x128xf32>
    %reduce_sum3A_298 = vector.multi_reduction <add>, %mul3A_296, %reduce_sum3A_297 [1] : vector<32x64x128xf32> to vector<32x128xf32>
    %get3A_299 = arith.constant 0 : index
    %get3A_300 = arith.constant 0 : index
    %get3A_301 = arith.constant 0 : index
    %get3A_302 = vector.load %arg14[%get3A_299, %get3A_300, %get3A_301] : memref<16x128x128xf32, #tpu.memory_space<vmem>>, vector<16x128x128xf32>
    %slice3A_303 = vector.extract_strided_slice %get3A_302 {offsets = [14, 0, 0], sizes = [1, 128, 128], strides = [1, 1, 1]} : vector<16x128x128xf32> to vector<1x128x128xf32>
    %squeeze3A_304 = vector.shape_cast %slice3A_303 : vector<1x128x128xf32> to vector<128x128xf32>
    %dot_general3A_305 = arith.constant dense<0.000000e+00> : vector<32x128xf32>
    %dot_general3A_306 = tpu.matmul %reduce_sum3A_298, %squeeze3A_304, %dot_general3A_305 {dimension_numbers = #tpu.dot_dimension_numbers<[1], [0], [0], [1], [0, 0, 1, 1], [], []>, transpose_lhs_hint = false} : vector<32x128xf32>, vector<128x128xf32>, vector<32x128xf32> -> vector<32x128xf32>
    %add3A_307 = arith.addf %add3A_293, %dot_general3A_306 : vector<32x128xf32>
    %slice3A_308 = vector.extract_strided_slice %reshape3A_96 {offsets = [0, 0, 15], sizes = [32, 64, 1], strides = [1, 1, 1]} : vector<32x64x16xf32> to vector<32x64x1xf32>
    %mul3A_309 = vector.broadcast %slice3A_308 : vector<32x64x1xf32> to vector<32x64x128xf32>
    %mul3A_310 = arith.mulf %mul3A_47, %mul3A_309 : vector<32x64x128xf32>
    %reduce_sum3A_311 = arith.constant dense<0.000000e+00> : vector<32x128xf32>
    %reduce_sum3A_312 = vector.multi_reduction <add>, %mul3A_310, %reduce_sum3A_311 [1] : vector<32x64x128xf32> to vector<32x128xf32>
    %get3A_313 = arith.constant 0 : index
    %get3A_314 = arith.constant 0 : index
    %get3A_315 = arith.constant 0 : index
    %get3A_316 = vector.load %arg14[%get3A_313, %get3A_314, %get3A_315] : memref<16x128x128xf32, #tpu.memory_space<vmem>>, vector<16x128x128xf32>
    %slice3A_317 = vector.extract_strided_slice %get3A_316 {offsets = [15, 0, 0], sizes = [1, 128, 128], strides = [1, 1, 1]} : vector<16x128x128xf32> to vector<1x128x128xf32>
    %squeeze3A_318 = vector.shape_cast %slice3A_317 : vector<1x128x128xf32> to vector<128x128xf32>
    %dot_general3A_319 = arith.constant dense<0.000000e+00> : vector<32x128xf32>
    %dot_general3A_320 = tpu.matmul %reduce_sum3A_312, %squeeze3A_318, %dot_general3A_319 {dimension_numbers = #tpu.dot_dimension_numbers<[1], [0], [0], [1], [0, 0, 1, 1], [], []>, transpose_lhs_hint = false} : vector<32x128xf32>, vector<128x128xf32>, vector<32x128xf32> -> vector<32x128xf32>
    %add3A_321 = arith.addf %add3A_307, %dot_general3A_320 : vector<32x128xf32>
    %get3A_322 = arith.constant 0 : index
    %get3A_323 = arith.constant 0 : index
    %get3A_324 = vector.load %arg15[%get3A_322, %get3A_323] : memref<1x128xf32, #tpu.memory_space<vmem>>, vector<1x128xf32>
    %add3A_325 = vector.broadcast %get3A_324 : vector<1x128xf32> to vector<32x128xf32>
    %add3A_326 = arith.addf %add3A_321, %add3A_325 : vector<32x128xf32>
    %mul3A_327 = arith.constant 0.999994993 : f32
    %mul3A_328 = vector.broadcast %mul3A_327 : f32 to vector<32x128xf32>
    %mul3A_329 = arith.mulf %add3A_326, %mul3A_328 : vector<32x128xf32>
    %max3A_330 = arith.constant 0.000000e+00 : f32
    %max3A_331 = vector.broadcast %max3A_330 : f32 to vector<32x128xf32>
    %max3A_332 = arith.maximumf %mul3A_329, %max3A_331 : vector<32x128xf32>
    %broadcast_in_dim3A_333 = vector.shape_cast %max3A_332 : vector<32x128xf32> to vector<1x32x128xf32>
    %swap3A = arith.constant 0 : index
    %swap3A_334 = arith.constant 0 : index
    %swap3A_335 = arith.constant 0 : index
    %swap3A_336 = vector.load %arg16[%swap3A, %swap3A_334, %swap3A_335] : memref<1x32x128xf32, #tpu.memory_space<vmem>>, vector<1x32x128xf32>
    tpu.vector_store %arg16[%swap3A, %swap3A_334, %swap3A_335], %broadcast_in_dim3A_333 {strides = array<i32>} : memref<1x32x128xf32, #tpu.memory_space<vmem>>, vector<1x32x128xf32>,
    return
  }
  func.func @transform_0(%arg0: i32, %arg1: i32) -> (i32, i32, i32) {
    %c0_i32 = arith.constant 0 : i32
    %c0_i32_0 = arith.constant 0 : i32
    %c0_i32_1 = arith.constant 0 : i32
    return %arg0, %c0_i32, %c0_i32_0 : i32, i32, i32
  }
  func.func @transform_1(%arg0: i32, %arg1: i32) -> (i32, i32, i32, i32) {
    %c0_i32 = arith.constant 0 : i32
    %c0_i32_0 = arith.constant 0 : i32
    %c0_i32_1 = arith.constant 0 : i32
    return %arg0, %arg1, %c0_i32, %c0_i32_0 : i32, i32, i32, i32
  }
  func.func @transform_2(%arg0: i32, %arg1: i32) -> (i32, i32, i32) {
    %c0_i32 = arith.constant 0 : i32
    %c0_i32_0 = arith.constant 0 : i32
    return %arg0, %arg1, %c0_i32 : i32, i32, i32
  }
  func.func @transform_3(%arg0: i32, %arg1: i32) -> (i32, i32) {
    %c0_i32 = arith.constant 0 : i32
    %c0_i32_0 = arith.constant 0 : i32
    %c0_i32_1 = arith.constant 0 : i32
    return %c0_i32, %c0_i32_0 : i32, i32
  }
  func.func @transform_4(%arg0: i32, %arg1: i32) -> (i32, i32) {
    %c0_i32 = arith.constant 0 : i32
    %c0_i32_0 = arith.constant 0 : i32
    %c0_i32_1 = arith.constant 0 : i32
    return %c0_i32, %c0_i32_0 : i32, i32
  }
  func.func @transform_5(%arg0: i32, %arg1: i32) -> (i32, i32) {
    %c0_i32 = arith.constant 0 : i32
    %c0_i32_0 = arith.constant 0 : i32
    %c0_i32_1 = arith.constant 0 : i32
    return %c0_i32, %c0_i32_0 : i32, i32
  }
  func.func @transform_6(%arg0: i32, %arg1: i32) -> (i32, i32) {
    %c0_i32 = arith.constant 0 : i32
    %c0_i32_0 = arith.constant 0 : i32
    %c0_i32_1 = arith.constant 0 : i32
    return %c0_i32, %c0_i32_0 : i32, i32
  }
  func.func @transform_7(%arg0: i32, %arg1: i32) -> (i32, i32) {
    %c0_i32 = arith.constant 0 : i32
    %c0_i32_0 = arith.constant 0 : i32
    %c0_i32_1 = arith.constant 0 : i32
    return %c0_i32, %c0_i32_0 : i32, i32
  }
  func.func @transform_8(%arg0: i32, %arg1: i32) -> (i32, i32) {
    %c0_i32 = arith.constant 0 : i32
    %c0_i32_0 = arith.constant 0 : i32
    %c0_i32_1 = arith.constant 0 : i32
    return %c0_i32, %c0_i32_0 : i32, i32
  }
  func.func @transform_9(%arg0: i32, %arg1: i32) -> (i32, i32) {
    %c0_i32 = arith.constant 0 : i32
    %c0_i32_0 = arith.constant 0 : i32
    %c0_i32_1 = arith.constant 0 : i32
    return %c0_i32, %c0_i32_0 : i32, i32
  }
  func.func @transform_10(%arg0: i32, %arg1: i32) -> (i32, i32) {
    %c0_i32 = arith.constant 0 : i32
    %c0_i32_0 = arith.constant 0 : i32
    %c0_i32_1 = arith.constant 0 : i32
    return %c0_i32, %c0_i32_0 : i32, i32
  }
  func.func @transform_11(%arg0: i32, %arg1: i32) -> (i32, i32) {
    %c0_i32 = arith.constant 0 : i32
    %c0_i32_0 = arith.constant 0 : i32
    %c0_i32_1 = arith.constant 0 : i32
    return %c0_i32, %c0_i32_0 : i32, i32
  }
  func.func @transform_12(%arg0: i32, %arg1: i32) -> (i32, i32, i32) {
    %c0_i32 = arith.constant 0 : i32
    %c0_i32_0 = arith.constant 0 : i32
    %c0_i32_1 = arith.constant 0 : i32
    %c0_i32_2 = arith.constant 0 : i32
    return %c0_i32, %c0_i32_0, %c0_i32_1 : i32, i32, i32
  }
  func.func @transform_13(%arg0: i32, %arg1: i32) -> (i32, i32) {
    %c0_i32 = arith.constant 0 : i32
    %c0_i32_0 = arith.constant 0 : i32
    %c0_i32_1 = arith.constant 0 : i32
    return %c0_i32, %c0_i32_0 : i32, i32
  }
  func.func @transform_14(%arg0: i32, %arg1: i32) -> (i32, i32, i32) {
    %c0_i32 = arith.constant 0 : i32
    %c0_i32_0 = arith.constant 0 : i32
    return %arg0, %arg1, %c0_i32 : i32, i32, i32
  }
}

module attributes {stable_mosaic.version = 14 : i64} {
  func.func @_sa3_kernel(%arg0: i32, %arg1: memref<1x128x3xf32, #tpu.memory_space<vmem>>, %arg2: memref<1x128x1xf32, #tpu.memory_space<vmem>>, %arg3: memref<1x128x128xf32, #tpu.memory_space<vmem>>, %arg4: memref<3x256xf32, #tpu.memory_space<vmem>>, %arg5: memref<128x256xf32, #tpu.memory_space<vmem>>, %arg6: memref<1x256xf32, #tpu.memory_space<vmem>>, %arg7: memref<3x8xf32, #tpu.memory_space<vmem>>, %arg8: memref<1x8xf32, #tpu.memory_space<vmem>>, %arg9: memref<8x8xf32, #tpu.memory_space<vmem>>, %arg10: memref<1x8xf32, #tpu.memory_space<vmem>>, %arg11: memref<8x16xf32, #tpu.memory_space<vmem>>, %arg12: memref<1x16xf32, #tpu.memory_space<vmem>>, %arg13: memref<16x256x256xf32, #tpu.memory_space<vmem>>, %arg14: memref<1x256xf32, #tpu.memory_space<vmem>>, %arg15: memref<1x1x256xf32, #tpu.memory_space<vmem>>) attributes {dimension_semantics = [#tpu.dimension_semantics<arbitrary>], iteration_bounds = array<i64: 16>, scalar_prefetch = 0 : i64, scratch_operands = 0 : i64, tpu.core_type = #tpu.core_type<tc>, window_params = [{transform_indices = @transform_0, window_bounds = array<i64: 1, 128, 3>}, {transform_indices = @transform_1, window_bounds = array<i64: 1, 128, 1>}, {transform_indices = @transform_2, window_bounds = array<i64: 1, 128, 128>}, {pipeline_mode = #tpu.pipeline_mode<synchronous>, transform_indices = @transform_3, window_bounds = array<i64: 3, 256>}, {pipeline_mode = #tpu.pipeline_mode<synchronous>, transform_indices = @transform_4, window_bounds = array<i64: 128, 256>}, {pipeline_mode = #tpu.pipeline_mode<synchronous>, transform_indices = @transform_5, window_bounds = array<i64: 1, 256>}, {pipeline_mode = #tpu.pipeline_mode<synchronous>, transform_indices = @transform_6, window_bounds = array<i64: 3, 8>}, {pipeline_mode = #tpu.pipeline_mode<synchronous>, transform_indices = @transform_7, window_bounds = array<i64: 1, 8>}, {pipeline_mode = #tpu.pipeline_mode<synchronous>, transform_indices = @transform_8, window_bounds = array<i64: 8, 8>}, {pipeline_mode = #tpu.pipeline_mode<synchronous>, transform_indices = @transform_9, window_bounds = array<i64: 1, 8>}, {pipeline_mode = #tpu.pipeline_mode<synchronous>, transform_indices = @transform_10, window_bounds = array<i64: 8, 16>}, {pipeline_mode = #tpu.pipeline_mode<synchronous>, transform_indices = @transform_11, window_bounds = array<i64: 1, 16>}, {pipeline_mode = #tpu.pipeline_mode<synchronous>, transform_indices = @transform_12, window_bounds = array<i64: 16, 256, 256>}, {pipeline_mode = #tpu.pipeline_mode<synchronous>, transform_indices = @transform_13, window_bounds = array<i64: 1, 256>}, {transform_indices = @transform_14, window_bounds = array<i64: 1, 1, 256>}]} {
    %get3A = arith.constant 0 : index
    %get3A_0 = arith.constant 0 : index
    %get3A_1 = arith.constant 0 : index
    %get3A_2 = vector.load %arg1[%get3A, %get3A_0, %get3A_1] : memref<1x128x3xf32, #tpu.memory_space<vmem>>, vector<1x128x3xf32>
    %squeeze3A = vector.shape_cast %get3A_2 : vector<1x128x3xf32> to vector<128x3xf32>
    %get3A_3 = arith.constant 0 : index
    %get3A_4 = arith.constant 0 : index
    %get3A_5 = arith.constant 0 : index
    %get3A_6 = vector.load %arg2[%get3A_3, %get3A_4, %get3A_5] : memref<1x128x1xf32, #tpu.memory_space<vmem>>, vector<1x128x1xf32>
    %squeeze3A_7 = vector.shape_cast %get3A_6 : vector<1x128x1xf32> to vector<128x1xf32>
    %get3A_8 = arith.constant 0 : index
    %get3A_9 = arith.constant 0 : index
    %get3A_10 = arith.constant 0 : index
    %get3A_11 = vector.load %arg3[%get3A_8, %get3A_9, %get3A_10] : memref<1x128x128xf32, #tpu.memory_space<vmem>>, vector<1x128x128xf32>
    %squeeze3A_12 = vector.shape_cast %get3A_11 : vector<1x128x128xf32> to vector<128x128xf32>
    %get3A_13 = arith.constant 0 : index
    %get3A_14 = arith.constant 0 : index
    %get3A_15 = vector.load %arg4[%get3A_13, %get3A_14] : memref<3x256xf32, #tpu.memory_space<vmem>>, vector<3x256xf32>
    %dot_general3A = arith.constant dense<0.000000e+00> : vector<128x256xf32>
    %dot_general3A_16 = tpu.matmul %squeeze3A, %get3A_15, %dot_general3A {dimension_numbers = #tpu.dot_dimension_numbers<[1], [0], [0], [1], [0, 0, 1, 1], [], []>, transpose_lhs_hint = false} : vector<128x3xf32>, vector<3x256xf32>, vector<128x256xf32> -> vector<128x256xf32>
    %get3A_17 = arith.constant 0 : index
    %get3A_18 = arith.constant 0 : index
    %get3A_19 = vector.load %arg5[%get3A_17, %get3A_18] : memref<128x256xf32, #tpu.memory_space<vmem>>, vector<128x256xf32>
    %dot_general3A_20 = arith.constant dense<0.000000e+00> : vector<128x256xf32>
    %dot_general3A_21 = tpu.matmul %squeeze3A_12, %get3A_19, %dot_general3A_20 {dimension_numbers = #tpu.dot_dimension_numbers<[1], [0], [0], [1], [0, 0, 1, 1], [], []>, transpose_lhs_hint = false} : vector<128x128xf32>, vector<128x256xf32>, vector<128x256xf32> -> vector<128x256xf32>
    %add3A = arith.addf %dot_general3A_16, %dot_general3A_21 : vector<128x256xf32>
    %get3A_22 = arith.constant 0 : index
    %get3A_23 = arith.constant 0 : index
    %get3A_24 = vector.load %arg6[%get3A_22, %get3A_23] : memref<1x256xf32, #tpu.memory_space<vmem>>, vector<1x256xf32>
    %add3A_25 = vector.broadcast %get3A_24 : vector<1x256xf32> to vector<128x256xf32>
    %add3A_26 = arith.addf %add3A, %add3A_25 : vector<128x256xf32>
    %mul3A = arith.constant 0.999994993 : f32
    %mul3A_27 = vector.broadcast %mul3A : f32 to vector<128x256xf32>
    %mul3A_28 = arith.mulf %add3A_26, %mul3A_27 : vector<128x256xf32>
    %max3A = arith.constant 0.000000e+00 : f32
    %max3A_29 = vector.broadcast %max3A : f32 to vector<128x256xf32>
    %max3A_30 = arith.maximumf %mul3A_28, %max3A_29 : vector<128x256xf32>
    %reduce_max3A = arith.constant dense<0xFF800000> : vector<1xf32>
    %reduce_max3A_31 = vector.multi_reduction <maximumf>, %squeeze3A_7, %reduce_max3A [0] : vector<128x1xf32> to vector<1xf32>
    %broadcast_in_dim3A = vector.shape_cast %reduce_max3A_31 : vector<1xf32> to vector<1x1xf32>
    %div3A = vector.broadcast %broadcast_in_dim3A : vector<1x1xf32> to vector<128x1xf32>
    %div3A_32 = arith.divf %squeeze3A_7, %div3A : vector<128x1xf32>
    %mul3A_33 = vector.broadcast %div3A_32 : vector<128x1xf32> to vector<128x256xf32>
    %mul3A_34 = arith.mulf %max3A_30, %mul3A_33 : vector<128x256xf32>
    %get3A_35 = arith.constant 0 : index
    %get3A_36 = arith.constant 0 : index
    %get3A_37 = vector.load %arg7[%get3A_35, %get3A_36] : memref<3x8xf32, #tpu.memory_space<vmem>>, vector<3x8xf32>
    %dot_general3A_38 = arith.constant dense<0.000000e+00> : vector<128x8xf32>
    %dot_general3A_39 = tpu.matmul %squeeze3A, %get3A_37, %dot_general3A_38 {dimension_numbers = #tpu.dot_dimension_numbers<[1], [0], [0], [1], [0, 0, 1, 1], [], []>, transpose_lhs_hint = false} : vector<128x3xf32>, vector<3x8xf32>, vector<128x8xf32> -> vector<128x8xf32>
    %get3A_40 = arith.constant 0 : index
    %get3A_41 = arith.constant 0 : index
    %get3A_42 = vector.load %arg8[%get3A_40, %get3A_41] : memref<1x8xf32, #tpu.memory_space<vmem>>, vector<1x8xf32>
    %add3A_43 = vector.broadcast %get3A_42 : vector<1x8xf32> to vector<128x8xf32>
    %add3A_44 = arith.addf %dot_general3A_39, %add3A_43 : vector<128x8xf32>
    %mul3A_45 = arith.constant 0.999994993 : f32
    %mul3A_46 = vector.broadcast %mul3A_45 : f32 to vector<128x8xf32>
    %mul3A_47 = arith.mulf %add3A_44, %mul3A_46 : vector<128x8xf32>
    %max3A_48 = arith.constant 0.000000e+00 : f32
    %max3A_49 = vector.broadcast %max3A_48 : f32 to vector<128x8xf32>
    %max3A_50 = arith.maximumf %mul3A_47, %max3A_49 : vector<128x8xf32>
    %get3A_51 = arith.constant 0 : index
    %get3A_52 = arith.constant 0 : index
    %get3A_53 = vector.load %arg9[%get3A_51, %get3A_52] : memref<8x8xf32, #tpu.memory_space<vmem>>, vector<8x8xf32>
    %dot_general3A_54 = arith.constant dense<0.000000e+00> : vector<128x8xf32>
    %dot_general3A_55 = tpu.matmul %max3A_50, %get3A_53, %dot_general3A_54 {dimension_numbers = #tpu.dot_dimension_numbers<[1], [0], [0], [1], [0, 0, 1, 1], [], []>, transpose_lhs_hint = false} : vector<128x8xf32>, vector<8x8xf32>, vector<128x8xf32> -> vector<128x8xf32>
    %get3A_56 = arith.constant 0 : index
    %get3A_57 = arith.constant 0 : index
    %get3A_58 = vector.load %arg10[%get3A_56, %get3A_57] : memref<1x8xf32, #tpu.memory_space<vmem>>, vector<1x8xf32>
    %add3A_59 = vector.broadcast %get3A_58 : vector<1x8xf32> to vector<128x8xf32>
    %add3A_60 = arith.addf %dot_general3A_55, %add3A_59 : vector<128x8xf32>
    %mul3A_61 = arith.constant 0.999994993 : f32
    %mul3A_62 = vector.broadcast %mul3A_61 : f32 to vector<128x8xf32>
    %mul3A_63 = arith.mulf %add3A_60, %mul3A_62 : vector<128x8xf32>
    %max3A_64 = arith.constant 0.000000e+00 : f32
    %max3A_65 = vector.broadcast %max3A_64 : f32 to vector<128x8xf32>
    %max3A_66 = arith.maximumf %mul3A_63, %max3A_65 : vector<128x8xf32>
    %get3A_67 = arith.constant 0 : index
    %get3A_68 = arith.constant 0 : index
    %get3A_69 = vector.load %arg11[%get3A_67, %get3A_68] : memref<8x16xf32, #tpu.memory_space<vmem>>, vector<8x16xf32>
    %dot_general3A_70 = arith.constant dense<0.000000e+00> : vector<128x16xf32>
    %dot_general3A_71 = tpu.matmul %max3A_66, %get3A_69, %dot_general3A_70 {dimension_numbers = #tpu.dot_dimension_numbers<[1], [0], [0], [1], [0, 0, 1, 1], [], []>, transpose_lhs_hint = false} : vector<128x8xf32>, vector<8x16xf32>, vector<128x16xf32> -> vector<128x16xf32>
    %get3A_72 = arith.constant 0 : index
    %get3A_73 = arith.constant 0 : index
    %get3A_74 = vector.load %arg12[%get3A_72, %get3A_73] : memref<1x16xf32, #tpu.memory_space<vmem>>, vector<1x16xf32>
    %add3A_75 = vector.broadcast %get3A_74 : vector<1x16xf32> to vector<128x16xf32>
    %add3A_76 = arith.addf %dot_general3A_71, %add3A_75 : vector<128x16xf32>
    %mul3A_77 = arith.constant 0.999994993 : f32
    %mul3A_78 = vector.broadcast %mul3A_77 : f32 to vector<128x16xf32>
    %mul3A_79 = arith.mulf %add3A_76, %mul3A_78 : vector<128x16xf32>
    %max3A_80 = arith.constant 0.000000e+00 : f32
    %max3A_81 = vector.broadcast %max3A_80 : f32 to vector<128x16xf32>
    %max3A_82 = arith.maximumf %mul3A_79, %max3A_81 : vector<128x16xf32>
    %broadcast_in_dim3A_83 = arith.constant 0.000000e+00 : f32
    %broadcast_in_dim3A_84 = vector.broadcast %broadcast_in_dim3A_83 : f32 to vector<1x256xf32>
    %slice3A = vector.extract_strided_slice %max3A_82 {offsets = [0, 0], sizes = [128, 1], strides = [1, 1]} : vector<128x16xf32> to vector<128x1xf32>
    %mul3A_85 = vector.broadcast %slice3A : vector<128x1xf32> to vector<128x256xf32>
    %mul3A_86 = arith.mulf %mul3A_34, %mul3A_85 : vector<128x256xf32>
    %reduce_sum3A = arith.constant dense<0.000000e+00> : vector<256xf32>
    %reduce_sum3A_87 = vector.multi_reduction <add>, %mul3A_86, %reduce_sum3A [0] : vector<128x256xf32> to vector<256xf32>
    %broadcast_in_dim3A_88 = vector.shape_cast %reduce_sum3A_87 : vector<256xf32> to vector<1x256xf32>
    %get3A_89 = arith.constant 0 : index
    %get3A_90 = arith.constant 0 : index
    %get3A_91 = arith.constant 0 : index
    %get3A_92 = vector.load %arg13[%get3A_89, %get3A_90, %get3A_91] : memref<16x256x256xf32, #tpu.memory_space<vmem>>, vector<16x256x256xf32>
    %slice3A_93 = vector.extract_strided_slice %get3A_92 {offsets = [0, 0, 0], sizes = [1, 256, 256], strides = [1, 1, 1]} : vector<16x256x256xf32> to vector<1x256x256xf32>
    %squeeze3A_94 = vector.shape_cast %slice3A_93 : vector<1x256x256xf32> to vector<256x256xf32>
    %dot_general3A_95 = arith.constant dense<0.000000e+00> : vector<1x256xf32>
    %dot_general3A_96 = tpu.matmul %broadcast_in_dim3A_88, %squeeze3A_94, %dot_general3A_95 {dimension_numbers = #tpu.dot_dimension_numbers<[1], [0], [0], [1], [0, 0, 1, 1], [], []>, transpose_lhs_hint = false} : vector<1x256xf32>, vector<256x256xf32>, vector<1x256xf32> -> vector<1x256xf32>
    %add3A_97 = arith.addf %broadcast_in_dim3A_84, %dot_general3A_96 : vector<1x256xf32>
    %slice3A_98 = vector.extract_strided_slice %max3A_82 {offsets = [0, 1], sizes = [128, 1], strides = [1, 1]} : vector<128x16xf32> to vector<128x1xf32>
    %mul3A_99 = vector.broadcast %slice3A_98 : vector<128x1xf32> to vector<128x256xf32>
    %mul3A_100 = arith.mulf %mul3A_34, %mul3A_99 : vector<128x256xf32>
    %reduce_sum3A_101 = arith.constant dense<0.000000e+00> : vector<256xf32>
    %reduce_sum3A_102 = vector.multi_reduction <add>, %mul3A_100, %reduce_sum3A_101 [0] : vector<128x256xf32> to vector<256xf32>
    %broadcast_in_dim3A_103 = vector.shape_cast %reduce_sum3A_102 : vector<256xf32> to vector<1x256xf32>
    %get3A_104 = arith.constant 0 : index
    %get3A_105 = arith.constant 0 : index
    %get3A_106 = arith.constant 0 : index
    %get3A_107 = vector.load %arg13[%get3A_104, %get3A_105, %get3A_106] : memref<16x256x256xf32, #tpu.memory_space<vmem>>, vector<16x256x256xf32>
    %slice3A_108 = vector.extract_strided_slice %get3A_107 {offsets = [1, 0, 0], sizes = [1, 256, 256], strides = [1, 1, 1]} : vector<16x256x256xf32> to vector<1x256x256xf32>
    %squeeze3A_109 = vector.shape_cast %slice3A_108 : vector<1x256x256xf32> to vector<256x256xf32>
    %dot_general3A_110 = arith.constant dense<0.000000e+00> : vector<1x256xf32>
    %dot_general3A_111 = tpu.matmul %broadcast_in_dim3A_103, %squeeze3A_109, %dot_general3A_110 {dimension_numbers = #tpu.dot_dimension_numbers<[1], [0], [0], [1], [0, 0, 1, 1], [], []>, transpose_lhs_hint = false} : vector<1x256xf32>, vector<256x256xf32>, vector<1x256xf32> -> vector<1x256xf32>
    %add3A_112 = arith.addf %add3A_97, %dot_general3A_111 : vector<1x256xf32>
    %slice3A_113 = vector.extract_strided_slice %max3A_82 {offsets = [0, 2], sizes = [128, 1], strides = [1, 1]} : vector<128x16xf32> to vector<128x1xf32>
    %mul3A_114 = vector.broadcast %slice3A_113 : vector<128x1xf32> to vector<128x256xf32>
    %mul3A_115 = arith.mulf %mul3A_34, %mul3A_114 : vector<128x256xf32>
    %reduce_sum3A_116 = arith.constant dense<0.000000e+00> : vector<256xf32>
    %reduce_sum3A_117 = vector.multi_reduction <add>, %mul3A_115, %reduce_sum3A_116 [0] : vector<128x256xf32> to vector<256xf32>
    %broadcast_in_dim3A_118 = vector.shape_cast %reduce_sum3A_117 : vector<256xf32> to vector<1x256xf32>
    %get3A_119 = arith.constant 0 : index
    %get3A_120 = arith.constant 0 : index
    %get3A_121 = arith.constant 0 : index
    %get3A_122 = vector.load %arg13[%get3A_119, %get3A_120, %get3A_121] : memref<16x256x256xf32, #tpu.memory_space<vmem>>, vector<16x256x256xf32>
    %slice3A_123 = vector.extract_strided_slice %get3A_122 {offsets = [2, 0, 0], sizes = [1, 256, 256], strides = [1, 1, 1]} : vector<16x256x256xf32> to vector<1x256x256xf32>
    %squeeze3A_124 = vector.shape_cast %slice3A_123 : vector<1x256x256xf32> to vector<256x256xf32>
    %dot_general3A_125 = arith.constant dense<0.000000e+00> : vector<1x256xf32>
    %dot_general3A_126 = tpu.matmul %broadcast_in_dim3A_118, %squeeze3A_124, %dot_general3A_125 {dimension_numbers = #tpu.dot_dimension_numbers<[1], [0], [0], [1], [0, 0, 1, 1], [], []>, transpose_lhs_hint = false} : vector<1x256xf32>, vector<256x256xf32>, vector<1x256xf32> -> vector<1x256xf32>
    %add3A_127 = arith.addf %add3A_112, %dot_general3A_126 : vector<1x256xf32>
    %slice3A_128 = vector.extract_strided_slice %max3A_82 {offsets = [0, 3], sizes = [128, 1], strides = [1, 1]} : vector<128x16xf32> to vector<128x1xf32>
    %mul3A_129 = vector.broadcast %slice3A_128 : vector<128x1xf32> to vector<128x256xf32>
    %mul3A_130 = arith.mulf %mul3A_34, %mul3A_129 : vector<128x256xf32>
    %reduce_sum3A_131 = arith.constant dense<0.000000e+00> : vector<256xf32>
    %reduce_sum3A_132 = vector.multi_reduction <add>, %mul3A_130, %reduce_sum3A_131 [0] : vector<128x256xf32> to vector<256xf32>
    %broadcast_in_dim3A_133 = vector.shape_cast %reduce_sum3A_132 : vector<256xf32> to vector<1x256xf32>
    %get3A_134 = arith.constant 0 : index
    %get3A_135 = arith.constant 0 : index
    %get3A_136 = arith.constant 0 : index
    %get3A_137 = vector.load %arg13[%get3A_134, %get3A_135, %get3A_136] : memref<16x256x256xf32, #tpu.memory_space<vmem>>, vector<16x256x256xf32>
    %slice3A_138 = vector.extract_strided_slice %get3A_137 {offsets = [3, 0, 0], sizes = [1, 256, 256], strides = [1, 1, 1]} : vector<16x256x256xf32> to vector<1x256x256xf32>
    %squeeze3A_139 = vector.shape_cast %slice3A_138 : vector<1x256x256xf32> to vector<256x256xf32>
    %dot_general3A_140 = arith.constant dense<0.000000e+00> : vector<1x256xf32>
    %dot_general3A_141 = tpu.matmul %broadcast_in_dim3A_133, %squeeze3A_139, %dot_general3A_140 {dimension_numbers = #tpu.dot_dimension_numbers<[1], [0], [0], [1], [0, 0, 1, 1], [], []>, transpose_lhs_hint = false} : vector<1x256xf32>, vector<256x256xf32>, vector<1x256xf32> -> vector<1x256xf32>
    %add3A_142 = arith.addf %add3A_127, %dot_general3A_141 : vector<1x256xf32>
    %slice3A_143 = vector.extract_strided_slice %max3A_82 {offsets = [0, 4], sizes = [128, 1], strides = [1, 1]} : vector<128x16xf32> to vector<128x1xf32>
    %mul3A_144 = vector.broadcast %slice3A_143 : vector<128x1xf32> to vector<128x256xf32>
    %mul3A_145 = arith.mulf %mul3A_34, %mul3A_144 : vector<128x256xf32>
    %reduce_sum3A_146 = arith.constant dense<0.000000e+00> : vector<256xf32>
    %reduce_sum3A_147 = vector.multi_reduction <add>, %mul3A_145, %reduce_sum3A_146 [0] : vector<128x256xf32> to vector<256xf32>
    %broadcast_in_dim3A_148 = vector.shape_cast %reduce_sum3A_147 : vector<256xf32> to vector<1x256xf32>
    %get3A_149 = arith.constant 0 : index
    %get3A_150 = arith.constant 0 : index
    %get3A_151 = arith.constant 0 : index
    %get3A_152 = vector.load %arg13[%get3A_149, %get3A_150, %get3A_151] : memref<16x256x256xf32, #tpu.memory_space<vmem>>, vector<16x256x256xf32>
    %slice3A_153 = vector.extract_strided_slice %get3A_152 {offsets = [4, 0, 0], sizes = [1, 256, 256], strides = [1, 1, 1]} : vector<16x256x256xf32> to vector<1x256x256xf32>
    %squeeze3A_154 = vector.shape_cast %slice3A_153 : vector<1x256x256xf32> to vector<256x256xf32>
    %dot_general3A_155 = arith.constant dense<0.000000e+00> : vector<1x256xf32>
    %dot_general3A_156 = tpu.matmul %broadcast_in_dim3A_148, %squeeze3A_154, %dot_general3A_155 {dimension_numbers = #tpu.dot_dimension_numbers<[1], [0], [0], [1], [0, 0, 1, 1], [], []>, transpose_lhs_hint = false} : vector<1x256xf32>, vector<256x256xf32>, vector<1x256xf32> -> vector<1x256xf32>
    %add3A_157 = arith.addf %add3A_142, %dot_general3A_156 : vector<1x256xf32>
    %slice3A_158 = vector.extract_strided_slice %max3A_82 {offsets = [0, 5], sizes = [128, 1], strides = [1, 1]} : vector<128x16xf32> to vector<128x1xf32>
    %mul3A_159 = vector.broadcast %slice3A_158 : vector<128x1xf32> to vector<128x256xf32>
    %mul3A_160 = arith.mulf %mul3A_34, %mul3A_159 : vector<128x256xf32>
    %reduce_sum3A_161 = arith.constant dense<0.000000e+00> : vector<256xf32>
    %reduce_sum3A_162 = vector.multi_reduction <add>, %mul3A_160, %reduce_sum3A_161 [0] : vector<128x256xf32> to vector<256xf32>
    %broadcast_in_dim3A_163 = vector.shape_cast %reduce_sum3A_162 : vector<256xf32> to vector<1x256xf32>
    %get3A_164 = arith.constant 0 : index
    %get3A_165 = arith.constant 0 : index
    %get3A_166 = arith.constant 0 : index
    %get3A_167 = vector.load %arg13[%get3A_164, %get3A_165, %get3A_166] : memref<16x256x256xf32, #tpu.memory_space<vmem>>, vector<16x256x256xf32>
    %slice3A_168 = vector.extract_strided_slice %get3A_167 {offsets = [5, 0, 0], sizes = [1, 256, 256], strides = [1, 1, 1]} : vector<16x256x256xf32> to vector<1x256x256xf32>
    %squeeze3A_169 = vector.shape_cast %slice3A_168 : vector<1x256x256xf32> to vector<256x256xf32>
    %dot_general3A_170 = arith.constant dense<0.000000e+00> : vector<1x256xf32>
    %dot_general3A_171 = tpu.matmul %broadcast_in_dim3A_163, %squeeze3A_169, %dot_general3A_170 {dimension_numbers = #tpu.dot_dimension_numbers<[1], [0], [0], [1], [0, 0, 1, 1], [], []>, transpose_lhs_hint = false} : vector<1x256xf32>, vector<256x256xf32>, vector<1x256xf32> -> vector<1x256xf32>
    %add3A_172 = arith.addf %add3A_157, %dot_general3A_171 : vector<1x256xf32>
    %slice3A_173 = vector.extract_strided_slice %max3A_82 {offsets = [0, 6], sizes = [128, 1], strides = [1, 1]} : vector<128x16xf32> to vector<128x1xf32>
    %mul3A_174 = vector.broadcast %slice3A_173 : vector<128x1xf32> to vector<128x256xf32>
    %mul3A_175 = arith.mulf %mul3A_34, %mul3A_174 : vector<128x256xf32>
    %reduce_sum3A_176 = arith.constant dense<0.000000e+00> : vector<256xf32>
    %reduce_sum3A_177 = vector.multi_reduction <add>, %mul3A_175, %reduce_sum3A_176 [0] : vector<128x256xf32> to vector<256xf32>
    %broadcast_in_dim3A_178 = vector.shape_cast %reduce_sum3A_177 : vector<256xf32> to vector<1x256xf32>
    %get3A_179 = arith.constant 0 : index
    %get3A_180 = arith.constant 0 : index
    %get3A_181 = arith.constant 0 : index
    %get3A_182 = vector.load %arg13[%get3A_179, %get3A_180, %get3A_181] : memref<16x256x256xf32, #tpu.memory_space<vmem>>, vector<16x256x256xf32>
    %slice3A_183 = vector.extract_strided_slice %get3A_182 {offsets = [6, 0, 0], sizes = [1, 256, 256], strides = [1, 1, 1]} : vector<16x256x256xf32> to vector<1x256x256xf32>
    %squeeze3A_184 = vector.shape_cast %slice3A_183 : vector<1x256x256xf32> to vector<256x256xf32>
    %dot_general3A_185 = arith.constant dense<0.000000e+00> : vector<1x256xf32>
    %dot_general3A_186 = tpu.matmul %broadcast_in_dim3A_178, %squeeze3A_184, %dot_general3A_185 {dimension_numbers = #tpu.dot_dimension_numbers<[1], [0], [0], [1], [0, 0, 1, 1], [], []>, transpose_lhs_hint = false} : vector<1x256xf32>, vector<256x256xf32>, vector<1x256xf32> -> vector<1x256xf32>
    %add3A_187 = arith.addf %add3A_172, %dot_general3A_186 : vector<1x256xf32>
    %slice3A_188 = vector.extract_strided_slice %max3A_82 {offsets = [0, 7], sizes = [128, 1], strides = [1, 1]} : vector<128x16xf32> to vector<128x1xf32>
    %mul3A_189 = vector.broadcast %slice3A_188 : vector<128x1xf32> to vector<128x256xf32>
    %mul3A_190 = arith.mulf %mul3A_34, %mul3A_189 : vector<128x256xf32>
    %reduce_sum3A_191 = arith.constant dense<0.000000e+00> : vector<256xf32>
    %reduce_sum3A_192 = vector.multi_reduction <add>, %mul3A_190, %reduce_sum3A_191 [0] : vector<128x256xf32> to vector<256xf32>
    %broadcast_in_dim3A_193 = vector.shape_cast %reduce_sum3A_192 : vector<256xf32> to vector<1x256xf32>
    %get3A_194 = arith.constant 0 : index
    %get3A_195 = arith.constant 0 : index
    %get3A_196 = arith.constant 0 : index
    %get3A_197 = vector.load %arg13[%get3A_194, %get3A_195, %get3A_196] : memref<16x256x256xf32, #tpu.memory_space<vmem>>, vector<16x256x256xf32>
    %slice3A_198 = vector.extract_strided_slice %get3A_197 {offsets = [7, 0, 0], sizes = [1, 256, 256], strides = [1, 1, 1]} : vector<16x256x256xf32> to vector<1x256x256xf32>
    %squeeze3A_199 = vector.shape_cast %slice3A_198 : vector<1x256x256xf32> to vector<256x256xf32>
    %dot_general3A_200 = arith.constant dense<0.000000e+00> : vector<1x256xf32>
    %dot_general3A_201 = tpu.matmul %broadcast_in_dim3A_193, %squeeze3A_199, %dot_general3A_200 {dimension_numbers = #tpu.dot_dimension_numbers<[1], [0], [0], [1], [0, 0, 1, 1], [], []>, transpose_lhs_hint = false} : vector<1x256xf32>, vector<256x256xf32>, vector<1x256xf32> -> vector<1x256xf32>
    %add3A_202 = arith.addf %add3A_187, %dot_general3A_201 : vector<1x256xf32>
    %slice3A_203 = vector.extract_strided_slice %max3A_82 {offsets = [0, 8], sizes = [128, 1], strides = [1, 1]} : vector<128x16xf32> to vector<128x1xf32>
    %mul3A_204 = vector.broadcast %slice3A_203 : vector<128x1xf32> to vector<128x256xf32>
    %mul3A_205 = arith.mulf %mul3A_34, %mul3A_204 : vector<128x256xf32>
    %reduce_sum3A_206 = arith.constant dense<0.000000e+00> : vector<256xf32>
    %reduce_sum3A_207 = vector.multi_reduction <add>, %mul3A_205, %reduce_sum3A_206 [0] : vector<128x256xf32> to vector<256xf32>
    %broadcast_in_dim3A_208 = vector.shape_cast %reduce_sum3A_207 : vector<256xf32> to vector<1x256xf32>
    %get3A_209 = arith.constant 0 : index
    %get3A_210 = arith.constant 0 : index
    %get3A_211 = arith.constant 0 : index
    %get3A_212 = vector.load %arg13[%get3A_209, %get3A_210, %get3A_211] : memref<16x256x256xf32, #tpu.memory_space<vmem>>, vector<16x256x256xf32>
    %slice3A_213 = vector.extract_strided_slice %get3A_212 {offsets = [8, 0, 0], sizes = [1, 256, 256], strides = [1, 1, 1]} : vector<16x256x256xf32> to vector<1x256x256xf32>
    %squeeze3A_214 = vector.shape_cast %slice3A_213 : vector<1x256x256xf32> to vector<256x256xf32>
    %dot_general3A_215 = arith.constant dense<0.000000e+00> : vector<1x256xf32>
    %dot_general3A_216 = tpu.matmul %broadcast_in_dim3A_208, %squeeze3A_214, %dot_general3A_215 {dimension_numbers = #tpu.dot_dimension_numbers<[1], [0], [0], [1], [0, 0, 1, 1], [], []>, transpose_lhs_hint = false} : vector<1x256xf32>, vector<256x256xf32>, vector<1x256xf32> -> vector<1x256xf32>
    %add3A_217 = arith.addf %add3A_202, %dot_general3A_216 : vector<1x256xf32>
    %slice3A_218 = vector.extract_strided_slice %max3A_82 {offsets = [0, 9], sizes = [128, 1], strides = [1, 1]} : vector<128x16xf32> to vector<128x1xf32>
    %mul3A_219 = vector.broadcast %slice3A_218 : vector<128x1xf32> to vector<128x256xf32>
    %mul3A_220 = arith.mulf %mul3A_34, %mul3A_219 : vector<128x256xf32>
    %reduce_sum3A_221 = arith.constant dense<0.000000e+00> : vector<256xf32>
    %reduce_sum3A_222 = vector.multi_reduction <add>, %mul3A_220, %reduce_sum3A_221 [0] : vector<128x256xf32> to vector<256xf32>
    %broadcast_in_dim3A_223 = vector.shape_cast %reduce_sum3A_222 : vector<256xf32> to vector<1x256xf32>
    %get3A_224 = arith.constant 0 : index
    %get3A_225 = arith.constant 0 : index
    %get3A_226 = arith.constant 0 : index
    %get3A_227 = vector.load %arg13[%get3A_224, %get3A_225, %get3A_226] : memref<16x256x256xf32, #tpu.memory_space<vmem>>, vector<16x256x256xf32>
    %slice3A_228 = vector.extract_strided_slice %get3A_227 {offsets = [9, 0, 0], sizes = [1, 256, 256], strides = [1, 1, 1]} : vector<16x256x256xf32> to vector<1x256x256xf32>
    %squeeze3A_229 = vector.shape_cast %slice3A_228 : vector<1x256x256xf32> to vector<256x256xf32>
    %dot_general3A_230 = arith.constant dense<0.000000e+00> : vector<1x256xf32>
    %dot_general3A_231 = tpu.matmul %broadcast_in_dim3A_223, %squeeze3A_229, %dot_general3A_230 {dimension_numbers = #tpu.dot_dimension_numbers<[1], [0], [0], [1], [0, 0, 1, 1], [], []>, transpose_lhs_hint = false} : vector<1x256xf32>, vector<256x256xf32>, vector<1x256xf32> -> vector<1x256xf32>
    %add3A_232 = arith.addf %add3A_217, %dot_general3A_231 : vector<1x256xf32>
    %slice3A_233 = vector.extract_strided_slice %max3A_82 {offsets = [0, 10], sizes = [128, 1], strides = [1, 1]} : vector<128x16xf32> to vector<128x1xf32>
    %mul3A_234 = vector.broadcast %slice3A_233 : vector<128x1xf32> to vector<128x256xf32>
    %mul3A_235 = arith.mulf %mul3A_34, %mul3A_234 : vector<128x256xf32>
    %reduce_sum3A_236 = arith.constant dense<0.000000e+00> : vector<256xf32>
    %reduce_sum3A_237 = vector.multi_reduction <add>, %mul3A_235, %reduce_sum3A_236 [0] : vector<128x256xf32> to vector<256xf32>
    %broadcast_in_dim3A_238 = vector.shape_cast %reduce_sum3A_237 : vector<256xf32> to vector<1x256xf32>
    %get3A_239 = arith.constant 0 : index
    %get3A_240 = arith.constant 0 : index
    %get3A_241 = arith.constant 0 : index
    %get3A_242 = vector.load %arg13[%get3A_239, %get3A_240, %get3A_241] : memref<16x256x256xf32, #tpu.memory_space<vmem>>, vector<16x256x256xf32>
    %slice3A_243 = vector.extract_strided_slice %get3A_242 {offsets = [10, 0, 0], sizes = [1, 256, 256], strides = [1, 1, 1]} : vector<16x256x256xf32> to vector<1x256x256xf32>
    %squeeze3A_244 = vector.shape_cast %slice3A_243 : vector<1x256x256xf32> to vector<256x256xf32>
    %dot_general3A_245 = arith.constant dense<0.000000e+00> : vector<1x256xf32>
    %dot_general3A_246 = tpu.matmul %broadcast_in_dim3A_238, %squeeze3A_244, %dot_general3A_245 {dimension_numbers = #tpu.dot_dimension_numbers<[1], [0], [0], [1], [0, 0, 1, 1], [], []>, transpose_lhs_hint = false} : vector<1x256xf32>, vector<256x256xf32>, vector<1x256xf32> -> vector<1x256xf32>
    %add3A_247 = arith.addf %add3A_232, %dot_general3A_246 : vector<1x256xf32>
    %slice3A_248 = vector.extract_strided_slice %max3A_82 {offsets = [0, 11], sizes = [128, 1], strides = [1, 1]} : vector<128x16xf32> to vector<128x1xf32>
    %mul3A_249 = vector.broadcast %slice3A_248 : vector<128x1xf32> to vector<128x256xf32>
    %mul3A_250 = arith.mulf %mul3A_34, %mul3A_249 : vector<128x256xf32>
    %reduce_sum3A_251 = arith.constant dense<0.000000e+00> : vector<256xf32>
    %reduce_sum3A_252 = vector.multi_reduction <add>, %mul3A_250, %reduce_sum3A_251 [0] : vector<128x256xf32> to vector<256xf32>
    %broadcast_in_dim3A_253 = vector.shape_cast %reduce_sum3A_252 : vector<256xf32> to vector<1x256xf32>
    %get3A_254 = arith.constant 0 : index
    %get3A_255 = arith.constant 0 : index
    %get3A_256 = arith.constant 0 : index
    %get3A_257 = vector.load %arg13[%get3A_254, %get3A_255, %get3A_256] : memref<16x256x256xf32, #tpu.memory_space<vmem>>, vector<16x256x256xf32>
    %slice3A_258 = vector.extract_strided_slice %get3A_257 {offsets = [11, 0, 0], sizes = [1, 256, 256], strides = [1, 1, 1]} : vector<16x256x256xf32> to vector<1x256x256xf32>
    %squeeze3A_259 = vector.shape_cast %slice3A_258 : vector<1x256x256xf32> to vector<256x256xf32>
    %dot_general3A_260 = arith.constant dense<0.000000e+00> : vector<1x256xf32>
    %dot_general3A_261 = tpu.matmul %broadcast_in_dim3A_253, %squeeze3A_259, %dot_general3A_260 {dimension_numbers = #tpu.dot_dimension_numbers<[1], [0], [0], [1], [0, 0, 1, 1], [], []>, transpose_lhs_hint = false} : vector<1x256xf32>, vector<256x256xf32>, vector<1x256xf32> -> vector<1x256xf32>
    %add3A_262 = arith.addf %add3A_247, %dot_general3A_261 : vector<1x256xf32>
    %slice3A_263 = vector.extract_strided_slice %max3A_82 {offsets = [0, 12], sizes = [128, 1], strides = [1, 1]} : vector<128x16xf32> to vector<128x1xf32>
    %mul3A_264 = vector.broadcast %slice3A_263 : vector<128x1xf32> to vector<128x256xf32>
    %mul3A_265 = arith.mulf %mul3A_34, %mul3A_264 : vector<128x256xf32>
    %reduce_sum3A_266 = arith.constant dense<0.000000e+00> : vector<256xf32>
    %reduce_sum3A_267 = vector.multi_reduction <add>, %mul3A_265, %reduce_sum3A_266 [0] : vector<128x256xf32> to vector<256xf32>
    %broadcast_in_dim3A_268 = vector.shape_cast %reduce_sum3A_267 : vector<256xf32> to vector<1x256xf32>
    %get3A_269 = arith.constant 0 : index
    %get3A_270 = arith.constant 0 : index
    %get3A_271 = arith.constant 0 : index
    %get3A_272 = vector.load %arg13[%get3A_269, %get3A_270, %get3A_271] : memref<16x256x256xf32, #tpu.memory_space<vmem>>, vector<16x256x256xf32>
    %slice3A_273 = vector.extract_strided_slice %get3A_272 {offsets = [12, 0, 0], sizes = [1, 256, 256], strides = [1, 1, 1]} : vector<16x256x256xf32> to vector<1x256x256xf32>
    %squeeze3A_274 = vector.shape_cast %slice3A_273 : vector<1x256x256xf32> to vector<256x256xf32>
    %dot_general3A_275 = arith.constant dense<0.000000e+00> : vector<1x256xf32>
    %dot_general3A_276 = tpu.matmul %broadcast_in_dim3A_268, %squeeze3A_274, %dot_general3A_275 {dimension_numbers = #tpu.dot_dimension_numbers<[1], [0], [0], [1], [0, 0, 1, 1], [], []>, transpose_lhs_hint = false} : vector<1x256xf32>, vector<256x256xf32>, vector<1x256xf32> -> vector<1x256xf32>
    %add3A_277 = arith.addf %add3A_262, %dot_general3A_276 : vector<1x256xf32>
    %slice3A_278 = vector.extract_strided_slice %max3A_82 {offsets = [0, 13], sizes = [128, 1], strides = [1, 1]} : vector<128x16xf32> to vector<128x1xf32>
    %mul3A_279 = vector.broadcast %slice3A_278 : vector<128x1xf32> to vector<128x256xf32>
    %mul3A_280 = arith.mulf %mul3A_34, %mul3A_279 : vector<128x256xf32>
    %reduce_sum3A_281 = arith.constant dense<0.000000e+00> : vector<256xf32>
    %reduce_sum3A_282 = vector.multi_reduction <add>, %mul3A_280, %reduce_sum3A_281 [0] : vector<128x256xf32> to vector<256xf32>
    %broadcast_in_dim3A_283 = vector.shape_cast %reduce_sum3A_282 : vector<256xf32> to vector<1x256xf32>
    %get3A_284 = arith.constant 0 : index
    %get3A_285 = arith.constant 0 : index
    %get3A_286 = arith.constant 0 : index
    %get3A_287 = vector.load %arg13[%get3A_284, %get3A_285, %get3A_286] : memref<16x256x256xf32, #tpu.memory_space<vmem>>, vector<16x256x256xf32>
    %slice3A_288 = vector.extract_strided_slice %get3A_287 {offsets = [13, 0, 0], sizes = [1, 256, 256], strides = [1, 1, 1]} : vector<16x256x256xf32> to vector<1x256x256xf32>
    %squeeze3A_289 = vector.shape_cast %slice3A_288 : vector<1x256x256xf32> to vector<256x256xf32>
    %dot_general3A_290 = arith.constant dense<0.000000e+00> : vector<1x256xf32>
    %dot_general3A_291 = tpu.matmul %broadcast_in_dim3A_283, %squeeze3A_289, %dot_general3A_290 {dimension_numbers = #tpu.dot_dimension_numbers<[1], [0], [0], [1], [0, 0, 1, 1], [], []>, transpose_lhs_hint = false} : vector<1x256xf32>, vector<256x256xf32>, vector<1x256xf32> -> vector<1x256xf32>
    %add3A_292 = arith.addf %add3A_277, %dot_general3A_291 : vector<1x256xf32>
    %slice3A_293 = vector.extract_strided_slice %max3A_82 {offsets = [0, 14], sizes = [128, 1], strides = [1, 1]} : vector<128x16xf32> to vector<128x1xf32>
    %mul3A_294 = vector.broadcast %slice3A_293 : vector<128x1xf32> to vector<128x256xf32>
    %mul3A_295 = arith.mulf %mul3A_34, %mul3A_294 : vector<128x256xf32>
    %reduce_sum3A_296 = arith.constant dense<0.000000e+00> : vector<256xf32>
    %reduce_sum3A_297 = vector.multi_reduction <add>, %mul3A_295, %reduce_sum3A_296 [0] : vector<128x256xf32> to vector<256xf32>
    %broadcast_in_dim3A_298 = vector.shape_cast %reduce_sum3A_297 : vector<256xf32> to vector<1x256xf32>
    %get3A_299 = arith.constant 0 : index
    %get3A_300 = arith.constant 0 : index
    %get3A_301 = arith.constant 0 : index
    %get3A_302 = vector.load %arg13[%get3A_299, %get3A_300, %get3A_301] : memref<16x256x256xf32, #tpu.memory_space<vmem>>, vector<16x256x256xf32>
    %slice3A_303 = vector.extract_strided_slice %get3A_302 {offsets = [14, 0, 0], sizes = [1, 256, 256], strides = [1, 1, 1]} : vector<16x256x256xf32> to vector<1x256x256xf32>
    %squeeze3A_304 = vector.shape_cast %slice3A_303 : vector<1x256x256xf32> to vector<256x256xf32>
    %dot_general3A_305 = arith.constant dense<0.000000e+00> : vector<1x256xf32>
    %dot_general3A_306 = tpu.matmul %broadcast_in_dim3A_298, %squeeze3A_304, %dot_general3A_305 {dimension_numbers = #tpu.dot_dimension_numbers<[1], [0], [0], [1], [0, 0, 1, 1], [], []>, transpose_lhs_hint = false} : vector<1x256xf32>, vector<256x256xf32>, vector<1x256xf32> -> vector<1x256xf32>
    %add3A_307 = arith.addf %add3A_292, %dot_general3A_306 : vector<1x256xf32>
    %slice3A_308 = vector.extract_strided_slice %max3A_82 {offsets = [0, 15], sizes = [128, 1], strides = [1, 1]} : vector<128x16xf32> to vector<128x1xf32>
    %mul3A_309 = vector.broadcast %slice3A_308 : vector<128x1xf32> to vector<128x256xf32>
    %mul3A_310 = arith.mulf %mul3A_34, %mul3A_309 : vector<128x256xf32>
    %reduce_sum3A_311 = arith.constant dense<0.000000e+00> : vector<256xf32>
    %reduce_sum3A_312 = vector.multi_reduction <add>, %mul3A_310, %reduce_sum3A_311 [0] : vector<128x256xf32> to vector<256xf32>
    %broadcast_in_dim3A_313 = vector.shape_cast %reduce_sum3A_312 : vector<256xf32> to vector<1x256xf32>
    %get3A_314 = arith.constant 0 : index
    %get3A_315 = arith.constant 0 : index
    %get3A_316 = arith.constant 0 : index
    %get3A_317 = vector.load %arg13[%get3A_314, %get3A_315, %get3A_316] : memref<16x256x256xf32, #tpu.memory_space<vmem>>, vector<16x256x256xf32>
    %slice3A_318 = vector.extract_strided_slice %get3A_317 {offsets = [15, 0, 0], sizes = [1, 256, 256], strides = [1, 1, 1]} : vector<16x256x256xf32> to vector<1x256x256xf32>
    %squeeze3A_319 = vector.shape_cast %slice3A_318 : vector<1x256x256xf32> to vector<256x256xf32>
    %dot_general3A_320 = arith.constant dense<0.000000e+00> : vector<1x256xf32>
    %dot_general3A_321 = tpu.matmul %broadcast_in_dim3A_313, %squeeze3A_319, %dot_general3A_320 {dimension_numbers = #tpu.dot_dimension_numbers<[1], [0], [0], [1], [0, 0, 1, 1], [], []>, transpose_lhs_hint = false} : vector<1x256xf32>, vector<256x256xf32>, vector<1x256xf32> -> vector<1x256xf32>
    %add3A_322 = arith.addf %add3A_307, %dot_general3A_321 : vector<1x256xf32>
    %get3A_323 = arith.constant 0 : index
    %get3A_324 = arith.constant 0 : index
    %get3A_325 = vector.load %arg14[%get3A_323, %get3A_324] : memref<1x256xf32, #tpu.memory_space<vmem>>, vector<1x256xf32>
    %add3A_326 = arith.addf %add3A_322, %get3A_325 : vector<1x256xf32>
    %mul3A_327 = arith.constant 0.999994993 : f32
    %mul3A_328 = vector.broadcast %mul3A_327 : f32 to vector<1x256xf32>
    %mul3A_329 = arith.mulf %add3A_326, %mul3A_328 : vector<1x256xf32>
    %max3A_330 = arith.constant 0.000000e+00 : f32
    %max3A_331 = vector.broadcast %max3A_330 : f32 to vector<1x256xf32>
    %max3A_332 = arith.maximumf %mul3A_329, %max3A_331 : vector<1x256xf32>
    %broadcast_in_dim3A_333 = vector.shape_cast %max3A_332 : vector<1x256xf32> to vector<1x1x256xf32>
    %swap3A = arith.constant 0 : index
    %swap3A_334 = arith.constant 0 : index
    %swap3A_335 = arith.constant 0 : index
    %swap3A_336 = vector.load %arg15[%swap3A, %swap3A_334, %swap3A_335] : memref<1x1x256xf32, #tpu.memory_space<vmem>>, vector<1x1x256xf32>
    tpu.vector_store %arg15[%swap3A, %swap3A_334, %swap3A_335], %broadcast_in_dim3A_333 {strides = array<i32>} : memref<1x1x256xf32, #tpu.memory_space<vmem>>, vector<1x1x256xf32>,
    return
  }
  func.func @transform_0(%arg0: i32) -> (i32, i32, i32) {
    %c0_i32 = arith.constant 0 : i32
    %c0_i32_0 = arith.constant 0 : i32
    %c0_i32_1 = arith.constant 0 : i32
    return %arg0, %c0_i32, %c0_i32_0 : i32, i32, i32
  }
  func.func @transform_1(%arg0: i32) -> (i32, i32, i32) {
    %c0_i32 = arith.constant 0 : i32
    %c0_i32_0 = arith.constant 0 : i32
    %c0_i32_1 = arith.constant 0 : i32
    return %arg0, %c0_i32, %c0_i32_0 : i32, i32, i32
  }
  func.func @transform_2(%arg0: i32) -> (i32, i32, i32) {
    %c0_i32 = arith.constant 0 : i32
    %c0_i32_0 = arith.constant 0 : i32
    %c0_i32_1 = arith.constant 0 : i32
    return %arg0, %c0_i32, %c0_i32_0 : i32, i32, i32
  }
  func.func @transform_3(%arg0: i32) -> (i32, i32) {
    %c0_i32 = arith.constant 0 : i32
    %c0_i32_0 = arith.constant 0 : i32
    %c0_i32_1 = arith.constant 0 : i32
    return %c0_i32, %c0_i32_0 : i32, i32
  }
  func.func @transform_4(%arg0: i32) -> (i32, i32) {
    %c0_i32 = arith.constant 0 : i32
    %c0_i32_0 = arith.constant 0 : i32
    %c0_i32_1 = arith.constant 0 : i32
    return %c0_i32, %c0_i32_0 : i32, i32
  }
  func.func @transform_5(%arg0: i32) -> (i32, i32) {
    %c0_i32 = arith.constant 0 : i32
    %c0_i32_0 = arith.constant 0 : i32
    %c0_i32_1 = arith.constant 0 : i32
    return %c0_i32, %c0_i32_0 : i32, i32
  }
  func.func @transform_6(%arg0: i32) -> (i32, i32) {
    %c0_i32 = arith.constant 0 : i32
    %c0_i32_0 = arith.constant 0 : i32
    %c0_i32_1 = arith.constant 0 : i32
    return %c0_i32, %c0_i32_0 : i32, i32
  }
  func.func @transform_7(%arg0: i32) -> (i32, i32) {
    %c0_i32 = arith.constant 0 : i32
    %c0_i32_0 = arith.constant 0 : i32
    %c0_i32_1 = arith.constant 0 : i32
    return %c0_i32, %c0_i32_0 : i32, i32
  }
  func.func @transform_8(%arg0: i32) -> (i32, i32) {
    %c0_i32 = arith.constant 0 : i32
    %c0_i32_0 = arith.constant 0 : i32
    %c0_i32_1 = arith.constant 0 : i32
    return %c0_i32, %c0_i32_0 : i32, i32
  }
  func.func @transform_9(%arg0: i32) -> (i32, i32) {
    %c0_i32 = arith.constant 0 : i32
    %c0_i32_0 = arith.constant 0 : i32
    %c0_i32_1 = arith.constant 0 : i32
    return %c0_i32, %c0_i32_0 : i32, i32
  }
  func.func @transform_10(%arg0: i32) -> (i32, i32) {
    %c0_i32 = arith.constant 0 : i32
    %c0_i32_0 = arith.constant 0 : i32
    %c0_i32_1 = arith.constant 0 : i32
    return %c0_i32, %c0_i32_0 : i32, i32
  }
  func.func @transform_11(%arg0: i32) -> (i32, i32) {
    %c0_i32 = arith.constant 0 : i32
    %c0_i32_0 = arith.constant 0 : i32
    %c0_i32_1 = arith.constant 0 : i32
    return %c0_i32, %c0_i32_0 : i32, i32
  }
  func.func @transform_12(%arg0: i32) -> (i32, i32, i32) {
    %c0_i32 = arith.constant 0 : i32
    %c0_i32_0 = arith.constant 0 : i32
    %c0_i32_1 = arith.constant 0 : i32
    %c0_i32_2 = arith.constant 0 : i32
    return %c0_i32, %c0_i32_0, %c0_i32_1 : i32, i32, i32
  }
  func.func @transform_13(%arg0: i32) -> (i32, i32) {
    %c0_i32 = arith.constant 0 : i32
    %c0_i32_0 = arith.constant 0 : i32
    %c0_i32_1 = arith.constant 0 : i32
    return %c0_i32, %c0_i32_0 : i32, i32
  }
  func.func @transform_14(%arg0: i32) -> (i32, i32, i32) {
    %c0_i32 = arith.constant 0 : i32
    %c0_i32_0 = arith.constant 0 : i32
    %c0_i32_1 = arith.constant 0 : i32
    return %arg0, %c0_i32, %c0_i32_0 : i32, i32, i32
  }
}

module attributes {stable_mosaic.version = 14 : i64} {
  func.func @_head_kernel(%arg0: memref<16x512xf32, #tpu.memory_space<vmem>>, %arg1: memref<256x512xf32, #tpu.memory_space<vmem>>, %arg2: memref<256xf32, #tpu.memory_space<vmem>>, %arg3: memref<256xf32, #tpu.memory_space<vmem>>, %arg4: memref<256xf32, #tpu.memory_space<vmem>>, %arg5: memref<2x256xf32, #tpu.memory_space<vmem>>, %arg6: memref<2xf32, #tpu.memory_space<vmem>>, %arg7: memref<16x2x1024xf32, #tpu.memory_space<vmem>>) attributes {dimension_semantics = [], scalar_prefetch = 0 : i64, scratch_operands = 0 : i64, tpu.core_type = #tpu.core_type<tc>} {
    %get3A = arith.constant 0 : index
    %get3A_0 = arith.constant 0 : index
    %get3A_1 = vector.load %arg0[%get3A, %get3A_0] : memref<16x512xf32, #tpu.memory_space<vmem>>, vector<16x512xf32>
    %get3A_2 = arith.constant 0 : index
    %get3A_3 = arith.constant 0 : index
    %get3A_4 = vector.load %arg1[%get3A_2, %get3A_3] : memref<256x512xf32, #tpu.memory_space<vmem>>, vector<256x512xf32>
    %transpose3A = tpu.transpose %get3A_4, [1, 0] : vector<256x512xf32> -> vector<512x256xf32>
    %dot_general3A = arith.constant dense<0.000000e+00> : vector<16x256xf32>
    %dot_general3A_5 = tpu.matmul %get3A_1, %transpose3A, %dot_general3A {dimension_numbers = #tpu.dot_dimension_numbers<[1], [0], [0], [1], [0, 0, 1, 1], [], []>, transpose_lhs_hint = false} : vector<16x512xf32>, vector<512x256xf32>, vector<16x256xf32> -> vector<16x256xf32>
    %get3A_6 = arith.constant 0 : index
    %get3A_7 = vector.load %arg2[%get3A_6] : memref<256xf32, #tpu.memory_space<vmem>>, vector<256xf32>
    %broadcast_in_dim3A = vector.shape_cast %get3A_7 : vector<256xf32> to vector<1x256xf32>
    %add3A = vector.broadcast %broadcast_in_dim3A : vector<1x256xf32> to vector<16x256xf32>
    %add3A_8 = arith.addf %dot_general3A_5, %add3A : vector<16x256xf32>
    %reduce_sum3A = arith.constant dense<0.000000e+00> : vector<16xf32>
    %reduce_sum3A_9 = vector.multi_reduction <add>, %add3A_8, %reduce_sum3A [1] : vector<16x256xf32> to vector<16xf32>
    %broadcast_in_dim3A_10 = vector.shape_cast %reduce_sum3A_9 : vector<16xf32> to vector<16x1xf32>
    %div3A = arith.constant 2.560000e+02 : f32
    %div3A_11 = vector.broadcast %div3A : f32 to vector<16x1xf32>
    %div3A_12 = arith.divf %broadcast_in_dim3A_10, %div3A_11 : vector<16x1xf32>
    %sub3A = vector.broadcast %div3A_12 : vector<16x1xf32> to vector<16x256xf32>
    %sub3A_13 = arith.subf %add3A_8, %sub3A : vector<16x256xf32>
    %integer_pow3A = arith.mulf %sub3A_13, %sub3A_13 : vector<16x256xf32>
    %reduce_sum3A_14 = arith.constant dense<0.000000e+00> : vector<16xf32>
    %reduce_sum3A_15 = vector.multi_reduction <add>, %integer_pow3A, %reduce_sum3A_14 [1] : vector<16x256xf32> to vector<16xf32>
    %broadcast_in_dim3A_16 = vector.shape_cast %reduce_sum3A_15 : vector<16xf32> to vector<16x1xf32>
    %div3A_17 = arith.constant 2.560000e+02 : f32
    %div3A_18 = vector.broadcast %div3A_17 : f32 to vector<16x1xf32>
    %div3A_19 = arith.divf %broadcast_in_dim3A_16, %div3A_18 : vector<16x1xf32>
    %sub3A_20 = vector.broadcast %div3A_12 : vector<16x1xf32> to vector<16x256xf32>
    %sub3A_21 = arith.subf %add3A_8, %sub3A_20 : vector<16x256xf32>
    %add3A_22 = arith.constant 9.99999974E-6 : f32
    %add3A_23 = vector.broadcast %add3A_22 : f32 to vector<16x1xf32>
    %add3A_24 = arith.addf %div3A_19, %add3A_23 : vector<16x1xf32>
    %sqrt3A = math.sqrt %add3A_24 : vector<16x1xf32>
    %div3A_25 = vector.broadcast %sqrt3A : vector<16x1xf32> to vector<16x256xf32>
    %div3A_26 = arith.divf %sub3A_21, %div3A_25 : vector<16x256xf32>
    %get3A_27 = arith.constant 0 : index
    %get3A_28 = vector.load %arg3[%get3A_27] : memref<256xf32, #tpu.memory_space<vmem>>, vector<256xf32>
    %broadcast_in_dim3A_29 = vector.shape_cast %get3A_28 : vector<256xf32> to vector<1x256xf32>
    %mul3A = vector.broadcast %broadcast_in_dim3A_29 : vector<1x256xf32> to vector<16x256xf32>
    %mul3A_30 = arith.mulf %div3A_26, %mul3A : vector<16x256xf32>
    %get3A_31 = arith.constant 0 : index
    %get3A_32 = vector.load %arg4[%get3A_31] : memref<256xf32, #tpu.memory_space<vmem>>, vector<256xf32>
    %broadcast_in_dim3A_33 = vector.shape_cast %get3A_32 : vector<256xf32> to vector<1x256xf32>
    %add3A_34 = vector.broadcast %broadcast_in_dim3A_33 : vector<1x256xf32> to vector<16x256xf32>
    %add3A_35 = arith.addf %mul3A_30, %add3A_34 : vector<16x256xf32>
    %max3A = arith.constant 0.000000e+00 : f32
    %max3A_36 = vector.broadcast %max3A : f32 to vector<16x256xf32>
    %max3A_37 = arith.maximumf %add3A_35, %max3A_36 : vector<16x256xf32>
    %get3A_38 = arith.constant 0 : index
    %get3A_39 = arith.constant 0 : index
    %get3A_40 = vector.load %arg5[%get3A_38, %get3A_39] : memref<2x256xf32, #tpu.memory_space<vmem>>, vector<2x256xf32>
    %transpose3A_41 = tpu.transpose %get3A_40, [1, 0] : vector<2x256xf32> -> vector<256x2xf32>
    %dot_general3A_42 = arith.constant dense<0.000000e+00> : vector<16x2xf32>
    %dot_general3A_43 = tpu.matmul %max3A_37, %transpose3A_41, %dot_general3A_42 {dimension_numbers = #tpu.dot_dimension_numbers<[1], [0], [0], [1], [0, 0, 1, 1], [], []>, transpose_lhs_hint = false} : vector<16x256xf32>, vector<256x2xf32>, vector<16x2xf32> -> vector<16x2xf32>
    %get3A_44 = arith.constant 0 : index
    %get3A_45 = vector.load %arg6[%get3A_44] : memref<2xf32, #tpu.memory_space<vmem>>, vector<2xf32>
    %broadcast_in_dim3A_46 = vector.shape_cast %get3A_45 : vector<2xf32> to vector<1x2xf32>
    %add3A_47 = vector.broadcast %broadcast_in_dim3A_46 : vector<1x2xf32> to vector<16x2xf32>
    %add3A_48 = arith.addf %dot_general3A_43, %add3A_47 : vector<16x2xf32>
    %reduce_max3A = arith.constant dense<0xFF800000> : vector<16xf32>
    %reduce_max3A_49 = vector.multi_reduction <maximumf>, %add3A_48, %reduce_max3A [1] : vector<16x2xf32> to vector<16xf32>
    %max3A_50 = arith.constant 0xFF800000 : f32
    %max3A_51 = vector.broadcast %max3A_50 : f32 to vector<16xf32>
    %max3A_52 = arith.maximumf %max3A_51, %reduce_max3A_49 : vector<16xf32>
    %broadcast_in_dim3A_53 = vector.shape_cast %max3A_52 : vector<16xf32> to vector<16x1xf32>
    %is_finite3A = tpu.weird %broadcast_in_dim3A_53 : vector<16x1xf32> -> vector<16x1xi1>
    %is_finite3A_54 = arith.constant dense<true> : vector<16x1xi1>
    %is_finite3A_55 = arith.xori %is_finite3A, %is_finite3A_54 : vector<16x1xi1>
    %broadcast_in_dim3A_56 = arith.constant 0.000000e+00 : f32
    %broadcast_in_dim3A_57 = vector.broadcast %broadcast_in_dim3A_56 : f32 to vector<16x1xf32>
    %select_n3A = arith.select %is_finite3A_55, %broadcast_in_dim3A_53, %broadcast_in_dim3A_57 : vector<16x1xi1>, vector<16x1xf32>
    %sub3A_58 = vector.broadcast %select_n3A : vector<16x1xf32> to vector<16x2xf32>
    %sub3A_59 = arith.subf %add3A_48, %sub3A_58 : vector<16x2xf32>
    %exp3A = math.exp %sub3A_59 : vector<16x2xf32>
    %reduce_sum3A_60 = arith.constant dense<0.000000e+00> : vector<16xf32>
    %reduce_sum3A_61 = vector.multi_reduction <add>, %exp3A, %reduce_sum3A_60 [1] : vector<16x2xf32> to vector<16xf32>
    %broadcast_in_dim3A_62 = vector.shape_cast %reduce_sum3A_61 : vector<16xf32> to vector<16x1xf32>
    %abs3A = math.absf %broadcast_in_dim3A_62 : vector<16x1xf32>
    %log3A = math.log %abs3A : vector<16x1xf32>
    %add3A_63 = arith.addf %log3A, %select_n3A : vector<16x1xf32>
    %sub3A_64 = vector.broadcast %add3A_63 : vector<16x1xf32> to vector<16x2xf32>
    %sub3A_65 = arith.subf %add3A_48, %sub3A_64 : vector<16x2xf32>
    %broadcast_in_dim3A_66 = vector.shape_cast %sub3A_65 : vector<16x2xf32> to vector<16x2x1xf32>
    %broadcast_in_dim3A_67 = vector.shape_cast %broadcast_in_dim3A_66 : vector<16x2x1xf32> to vector<16x2x1xf32>
    %broadcast_in_dim3A_68 = vector.broadcast %broadcast_in_dim3A_67 : vector<16x2x1xf32> to vector<16x2x1024xf32>
    %swap3A = arith.constant 0 : index
    %swap3A_69 = arith.constant 0 : index
    %swap3A_70 = arith.constant 0 : index
    %swap3A_71 = vector.load %arg7[%swap3A, %swap3A_69, %swap3A_70] : memref<16x2x1024xf32, #tpu.memory_space<vmem>>, vector<16x2x1024xf32>
    tpu.vector_store %arg7[%swap3A, %swap3A_69, %swap3A_70], %broadcast_in_dim3A_68 {strides = array<i32>} : memref<16x2x1024xf32, #tpu.memory_space<vmem>>, vector<16x2x1024xf32>,
    return
  }
}

</mosaic_0001>

<sc_bundles>
// kernel: gather_offload_async_start.1
scs
__scs_entry_jumppad:
0x0: {  	(pc) =	sbr.rel $0x88, $3  }
0x1: {  	(tag) =	ssettag $0x0;
	lr =	simm.s32 $0x1  }
0x2: {  	[smem:$0x3F7B] =	sst lr;
	_ =	strace $0xD0000000  }
0x3: {  	_ = 	snop  }
0x4: {  	_ = 	snop  }
0x5: {  	_ = 	snop  }
0x6: {  	_ = 	snop  }
0x7: {  	_ = 	snop  }
__scs_overlays_trampoline_lowered:
0x8: {  	[smem:$0x3F8A] =	sst s0  }
0x9: {  	[smem:$0x3F8B] =	sst s1  }
0xa: {  	[smem:$0x3F8C] =	sst s2  }
0xb: {  	[smem:$0x3F8D] =	sst s3  }
0xc: {  	[smem:$0x3F8E] =	sst s4  }
0xd: {  	[smem:$0x3F8F] =	sst s5  }
0xe: {  	[smem:$0x3F90] =	sst s6  }
0xf: {  	[smem:$0x3F91] =	sst s7  }
0x10: {  	[smem:$0x3F92] =	sst s8  }
0x11: {  	[smem:$0x3F93] =	sst s9;
	s0 =	simm.s32 @!p0 $0x0  }
0x12: {  	s1 =	sld [smem:$0x3F79];
	s0 =	simm.s32 @p0 $0x1  }
0x13: {  	[smem:$0x3F94] =	sst s0;
	s0 =	simm.s32 @!p1 $0x0  }
0x14: {  	s2 =	sld [smem:$0x3F78];
	s0 =	simm.s32 @p1 $0x1  }
0x15: {  	[smem:$0x3F95] =	sst s0;
	s0 =	simm.s32 @!p2 $0x0  }
0x16: {  	s3 =	sld [smem:$0x3FDB];
	s0 =	simm.s32 @p2 $0x1  }
0x17: {  	s4 =	simm.s32 $0x1BF5;
	[smem:$0x3F97] =	sst s0  }
0x18: {  	s0 =	sld [smem:$0x3F7A];
	_ =	swait.ge [sflag:s4], $0x0  }
0x19: {  	s7 =	sld [smem:$0x3F7B]  }
0x1a: {  	s8 =	sadd.s32 $0xFFFFE003, lr  }
0x1b: {  	s9 =	sadd.s32 $0xFFFFFEF7, lr;
	s5 =	simm.s32 $0xFFFFFFFF;
	p2 =	slt.u32 s8, $0xFFFFF086  }
0x1c: {  	p1 =	slt.u32 s9, $0xF7A;
	s5 =	simm.s32 @!p2 $0x0  }
0x1d: {  	s5 =	simm.s32 @p1 $0x1;
	p0 =	seq.s32 s7, s2  }
0x1e: {  	s7 =	smul.u32 @!p0 $0xF7A, s2;
	p2 =	seq.s32 @!p0 s5, $0x0  }
0x1f: {  	s9 =	smul.u32 $0xF7A, s1;
	s8 =	simm.s32 @!p0 $0x1BF5;
	p2 =	por !p2, p0  }
0x20: {  	[sflag:s8] =	ssyncset.s32 @!p0 $0xFFFFF086;
	s6 =	sadd.s32 @!p0 s3, s7;
	s7 =	simm.s32 @!p0 $0x108  }
0x21: {  	s3 =	sadd.s32 s3, s9;
	s6 =	sadd.s32 @!p0 $0x88, s6;
	s7 =	simm.s32 @p2 $0x1082  }
0x22: {  	[simem:s7], [sflag:s8] =	dma.local @!p0 [hbm:s6], $0xF7A  }
0x23: {  	s9 =	sor.u32 $0xD0000000, s2;
	s6 =	simm.s32 $0x108;
	_ =	swait.ge @!p0 [sflag:s8], $0x0  }
0x24: {  	s3 =	sadd.s32 $0x88, s3;
	s6 =	simm.s32 @!p1 $0x1082;
	[sflag:s4] =	ssyncset.s32 $0xFFFFF086  }
0x25: {  	[simem:s6], [sflag:s4] =	dma.local [hbm:s3], $0xF7A  }
0x26: {  	[smem:$0x3F7B] =	sst s1;
	(tag) =	ssettag s2;
	_ =	strace s9  }
0x27: {  	s1 =	sld [smem:$0x3F8B]  }
0x28: {  	s2 =	sld [smem:$0x3F8C]  }
0x29: {  	s4 =	sld [smem:$0x3F8E]  }
0x2a: {  	p0 =	seq.s32 s5, $0x0;
	s5 =	sld [smem:$0x3F8F]  }
0x2b: {  	s6 =	sld [smem:$0x3F90]  }
0x2c: {  	s7 =	sld [smem:$0x3F91]  }
0x2d: {  	s3 =	simm.s32 $0x108;
	s8 =	sld [smem:$0x3F92]  }
0x2e: {  	s3 =	simm.s32 @!p0 $0x1082;
	s9 =	sld [smem:$0x3F93]  }
0x2f: {  	lr =	sadd.s32 s0, s3;
	s0 =	sld [smem:$0x3F8A]  }
0x30: {  	s3 =	sld [smem:$0x3F8D]  }
0x31: {  	[smem:$0x3F96] =	sst s10  }
0x32: {  	s10 =	sld [smem:$0x3F94];
	_ =	sdelay $0x3  }
0x33: {  	p0 =	seq.s32 s10, $0x1;
	s10 =	sld [smem:$0x3F96];
	_ =	sdelay $0x3  }
0x34: {  	[smem:$0x3F96] =	sst s10  }
0x35: {  	s10 =	sld [smem:$0x3F95];
	_ =	sdelay $0x3  }
0x36: {  	p1 =	seq.s32 s10, $0x1;
	s10 =	sld [smem:$0x3F96];
	_ =	sdelay $0x3  }
0x37: {  	[smem:$0x3F96] =	sst s10  }
0x38: {  	s10 =	sld [smem:$0x3F97]  }
0x39: {  	_ = 	snop;
	(pc) =	sbr.ind lr, $3  }
0x3a: {  	_ = 	snop  }
0x3b: {  	_ = 	snop  }
0x3c: {  	p2 =	seq.s32 s10, $0x1;
	s10 =	sld [smem:$0x3F96]  }
0x3d: {  	_ =	shalt  }
0x3e: {  	_ =	shalt  }
0x3f: {  	_ =	shalt  }
0x40: {  	_ =	shalt  }
0x41: {  	_ =	shalt  }
0x42: {  	_ =	shalt  }
0x43: {  	_ =	shalt  }
0x44: {  	_ =	shalt  }
0x45: {  	_ =	shalt  }
0x46: {  	_ =	shalt  }
0x47: {  	_ =	shalt  }
0x48: {  	_ =	shalt  }
0x49: {  	_ =	shalt  }
0x4a: {  	_ =	shalt  }
0x4b: {  	_ =	shalt  }
0x4c: {  	_ =	shalt  }
0x4d: {  	_ =	shalt  }
0x4e: {  	_ =	shalt  }
0x4f: {  	_ =	shalt  }
0x50: {  	_ =	shalt  }
0x51: {  	_ =	shalt  }
0x52: {  	_ =	shalt  }
0x53: {  	_ =	shalt  }
0x54: {  	_ =	shalt  }
0x55: {  	_ =	shalt  }
0x56: {  	_ =	shalt  }
0x57: {  	_ =	shalt  }
0x58: {  	_ =	shalt  }
0x59: {  	_ =	shalt  }
0x5a: {  	_ =	shalt  }
0x5b: {  	_ =	shalt  }
0x5c: {  	_ =	shalt  }
0x5d: {  	_ =	shalt  }
0x5e: {  	_ =	shalt  }
0x5f: {  	_ =	shalt  }
0x60: {  	_ =	shalt  }
0x61: {  	_ =	shalt  }
0x62: {  	_ =	shalt  }
0x63: {  	_ =	shalt  }
0x64: {  	_ =	shalt  }
0x65: {  	_ =	shalt  }
0x66: {  	_ =	shalt  }
0x67: {  	_ =	shalt  }
0x68: {  	_ =	shalt  }
0x69: {  	_ =	shalt  }
0x6a: {  	_ =	shalt  }
0x6b: {  	_ =	shalt  }
0x6c: {  	_ =	shalt  }
0x6d: {  	_ =	shalt  }
0x6e: {  	_ =	shalt  }
0x6f: {  	_ =	shalt  }
0x70: {  	_ =	shalt  }
0x71: {  	_ =	shalt  }
0x72: {  	_ =	shalt  }
0x73: {  	_ =	shalt  }
0x74: {  	_ =	shalt  }
0x75: {  	_ =	shalt  }
0x76: {  	_ =	shalt  }
0x77: {  	_ =	shalt  }
0x78: {  	_ =	shalt  }
0x79: {  	_ =	shalt  }
0x7a: {  	_ =	shalt  }
0x7b: {  	_ =	shalt  }
0x7c: {  	_ =	shalt  }
0x7d: {  	_ =	shalt  }
0x7e: {  	_ =	shalt  }
0x7f: {  	_ =	shalt  }
0x80: {  	_ =	shalt  }
0x81: {  	_ =	shalt  }
0x82: {  	_ =	shalt  }
0x83: {  	_ =	shalt  }
0x84: {  	_ =	shalt  }
0x85: {  	_ =	shalt  }
0x86: {  	_ =	shalt  }
0x87: {  	_ =	shalt  }
.Lfunc_end0:
.L_simem_size_0:
called_computation.3_lowered:
.L_overlay_start_0:
0x88: {  	s2 =	sld [smem:$0x3FD9]  }
0x89: {  	s3 =	sld [smem:$0x3FFE];
	_ =	sdelay $0x1  }
0x8a: {  	s1 =	srdreg.scid  }
0x8b: {  	s0 =	sand.u32 $0x1, s1  }
0x8c: {  	s17 =	sshll.u32 s0, $0xA;
	s2 =	sadd.s32 s3, s2  }
0x8d: {  	s2 =	sadd.s32 s2, s17  }
0x8e: {  	[smem:$0x3FA2] =	sst s2  }
0x8f: {  	_ = 	snop  }
0x90: {  	(tm) =	ssettm $0x1  }
0x91: {  	s18 =	sld [smem:$0x3FFB];
	_ =	sdelay $0x3  }
0x92: {  	_ =	strace s18  }
0x93: {  	s2 =	sld [smem:$0x3FFC];
	_ =	sdelay $0x3  }
0x94: {  	_ =	strace s2  }
0x95: {  	s2 =	sld [smem:$0x3FFD];
	_ =	sdelay $0x3  }
0x96: {  	_ =	strace s2  }
0x97: {  	_ =	strace $0x8FFFFFFF  }
0x98: {  	s19 =	sld [smem:$0x3FDB];
	_ =	sdelay $0x1  }
0x99: {  	s20 =	simm.s32 $_scs_section_size  }
0x9a: {  	s4 =	simm.s32 $_size__tile_overlayer_lowered;
	s5 =	simm.s32 $_tile_overlayer_lowered  }
0x9b: {  	s6 =	simm.s32 $0x1BFF;
	s21 =	sshll.u32 s5, $0x1;
	s3 =	sadd.s32 s20, s19  }
0x9c: {  	s22 =	simm.s32 $0x0;
	s4 =	sshll.u32 s4, $0x1;
	s5 =	sadd.s32 s21, s3  }
0x9d: {  	[timem:s22], [sflag:s6] =	dma.local [hbm:s5], s4  }
0x9e: {  	_ =	swait.ge [sflag:s6], s4  }
0x9f: {  	s4 =	ssub.s32 $0x0, s4;
	[sflag:s6] =	ssyncset.done $0x0  }
0xa0: {  	[sflag:s6] =	ssyncadd.s32 s4;
	_ =	sdelay $0x1  }
0xa1: {  	s23 =	simm.s32 $0x1B8B  }
0xa2: {  	_ =	swait.ge [sflag:s23], $0x1  }
0xa3: {  	[sflag:s23] =	ssyncset.done $0x0  }
0xa4: {  	[sflag:s23] =	ssyncadd.s32 $0xFFFFFFFF  }
0xa5: {  	s4 =	sld [smem:$0x0]  }
0xa6: {  	s5 =	sand.u32 $0xFFFFFFFE, s1  }
0xa7: {  	p0 =	sne.s32 s1, s5  }
0xa8: {  	s5 =	sshll.u32 @p0 s5, $0xE  }
0xa9: {  	s5 =	sadd.s32 @p0 $0x11B8D, s5;
	s6 =	sshll.u32 @p0 s4, $0x11  }
0xaa: {  	s5 =	sor.u32 @p0 s6, s5  }
0xab: {  	[sflag:s5] =	ssyncadd.remote.s32 @p0 $0x1;
	_ =	sdelay $0x1  }
0xac: {  	s5 =	simm.s32 @p0 $0x1B8D  }
0xad: {  	_ =	swait.eq @p0 [sflag:s5], $0x1  }
0xae: {  	[sflag:s5] =	ssyncadd.s32 @p0 $0xFFFFFFFF  }
0xaf: {  	s6 =	sshll.u32 @!p0 s1, $0xE  }
0xb0: {  	s6 =	sor.u32 @!p0 $0x4000, s6;
	s5 =	simm.s32 @!p0 $0x1B8D  }
0xb1: {  	s4 =	sshll.u32 @!p0 s4, $0x11;
	s6 =	sadd.s32 @!p0 $0x11B8D, s6;
	_ =	swait.eq @!p0 [sflag:s5], $0x1  }
0xb2: {  	s4 =	sor.u32 @!p0 s4, s6;
	[sflag:s5] =	ssyncadd.s32 @!p0 $0xFFFFFFFF  }
0xb3: {  	s25 =	simm.s32 $0x1B8E;
	s24 =	sld [smem:$0x3FFE];
	[sflag:s4] =	ssyncadd.remote.s32 @!p0 $0x1  }
0xb4: {  	s26 =	simm.s32 $execute0_lowered;
	[smem:$0x3FD2] =	sst s25  }
0xb5: {  	s5 =	sshll.u32 s26, $0x1;
	_ =	strace $0x8000004F;
	[dreg:$0x1] =	wrdreg $0xFFFFFFFF  }
0xb6: {  	s28 =	simm.s32 $_size_execute0_lowered;
	s3 =	sadd.s32 s3, s5;
	[dreg:$0x0] =	wrdreg $0x0  }
0xb7: {  	s5 =	sshll.u32 s28, $0x1;
	[dreg:$0x2] =	wrdreg s3  }
0xb8: {  	[dreg:$0x3] =	wrdreg s5  }
0xb9: {  	[dreg:$0x4] =	wrdreg $0xC0  }
0xba: {  	_ =	task [dreg:s22], $0x5FFFF  }
0xbb: {  	[dreg:$0x1] =	wrdreg $0xFFFFFFFF  }
0xbc: {  	[dreg:$0x0] =	wrdreg $0x60  }
0xbd: {  	[dreg:$0x2] =	wrdreg s24  }
0xbe: {  	[dreg:$0x3] =	wrdreg $0xB  }
0xbf: {  	_ =	task.clear_ibuf [dreg:s22], $0x4FFFF;
	_ =	strace $0x9000004F  }
0xc0: {  	s29 =	simm.s32 $0xB;
	_ =	strace $0x80000051  }
0xc1: {  	_ =	swait.ge [sflag:s29], $0x1  }
0xc2: {  	[sflag:s29] =	ssyncadd.s32 $0xFFFFFFFF  }
0xc3: {  	_ =	strace $0x90000051  }
0xc4: {  	_ =	sfence  }
0xc5: {  	s30 =	sld [smem:$0x0];
	_ =	sdelay $0x2  }
0xc6: {  	s31 =	sshll.u32 s1, $0xD;
	s1 =	sshrl.u32 s1, $0x2  }
0xc7: {  	s4 =	sand.u32 $0x4000, s31;
	s1 =	sadd.s32 s1, s30  }
0xc8: {  	s0 =	sor.u32 s4, s0;
	s1 =	sshll.u32 s1, $0x11  }
0xc9: {  	s0 =	sor.u32 s1, s0  }
0xca: {  	s0 =	sadd.s32 $0x8F2B, s0  }
0xcb: {  	[sflag:s0] =	ssyncadd.remote.s32 $0x1  }
0xcc: {  	_ =	sfence.sel $0xFFFF  }
0xcd: {  	[dreg:$0x0] =	wrdreg $0xFFFFFFFF;
	(pc) =	sbr.abs _section_cstart, $3  }
0xce: {  	[dreg:$0x1] =	wrdreg $0xFFFFFFFF  }
0xcf: {  	_ =	task.clear_ibuf [dreg:s22], $0x2FFFF;
	_ =	strace $0x9FFFFFFF  }
0xd0: {  	(tm) =	ssettm $0x7FFFFFFF  }
0xd1: {  	_ =	shalt  }
tec
execute0_lowered:
.L_overlay_start_1:
0x0: {  	(tag) =	ssettag $0x1  }
0x1: {  	s2 =	rddreg [dreg:$0x0]  }
0x2: {  	s0 =	rddreg [dreg:$0x1]  }
0x3: {  	s1 =	srdreg.scid;
	_ =	strace $0x80000050;
	s4 =	simm.s32 $0x1  }
0x4: {  	s9 =	simm.s32 $0x3;
	s12 =	simm.s32 $0x0;
	s5 =	sshll.u32 s1, $0x4  }
.Ltmp0:
0x5: {  	s1 =	stileid.u32;
	s5 =	sand.u32 $0x10, s5;
	(pc) =	sbr.rel .LBB2_1-.Ltmp0, $4  }
0x6: {  	s10 =	simm.s32 $0x0;
	s3 =	sadd.s32 $0x14E000, s2;
	s6 =	sor.u32 s1, s5  }
0x7: {  	[sflag:s4] =	ssyncpa.u1 $0x0;
	s5 =	simm.s32 $0x2;
	s6 =	sshll.u32 s6, $0x6  }
0x8: {  	s7 =	sadd.s32 $0x28000, s2;
	[sflag:s5] =	ssyncpa.u1 $0x0;
	s8 =	sadd.s32 $0x40, s6  }
0x9: {  	vm0 =	vmmov $0xff;
	vm1 =	vcmask $0x3F20;
	[sflag:s9] =	ssyncpa.u1 $0x0;
	s9 =	simm.s32 $0x40;
	s11 =	smov.u32 s6  }
.LBB2_9:
0xa: {  	p0 =	seq.s32 s10, $0x2  }
.Ltmp1:
0xb: {  	_ = 	snop;
	(pc) =	sbr.rel @p0 .LBB2_11-.Ltmp1, $1  }
0xc: {  	_ =	sdelay $0x3  }
.LBB2_10:
0xd: {  	s12 =	sadd.s32 $0x40, s11  }
0xe: {  	s13 =	smov.u32 s6;
	p0 =	slt.s32 s12, s8  }
0xf: {  	s13 =	smov.u32 @p0 s12  }
0x10: {  	s10 =	sadd.s32 $0x1, s10;
	s12 =	smov.u32 s11;
	s11 =	smov.u32 s13  }
.LBB2_1:
0x11: {  	p0 =	sne.s32 s10, $0x0  }
.Ltmp2:
0x12: {  	_ = 	snop;
	(pc) =	sbr.rel @!p0 .LBB2_2-.Ltmp2, $1  }
0x13: {  	_ =	sdelay $0x3  }
0x14: {  	s13 =	sand.u32 $0x1, s10  }
0x15: {  	p0 =	seq.s32 s13, $0x0  }
.Ltmp3:
0x16: {  	_ = 	snop;
	(pc) =	sbr.rel @p0 .LBB2_9-.Ltmp3, $1  }
0x17: {  	_ =	sdelay $0x3  }
0x18: {  	_ =	swait.ge [sflag:s5], $0x40  }
0x19: {  	[sflag:s5] =	ssyncset.done $0x0  }
0x1a: {  	s13 =	simm.s32 $0x0;
	[sflag:s5] =	ssyncadd.s32 $0xFFFFFFC0  }
0x1b: {  	v0 =	vld.msk [tilespmem:s13+$0x40 ss:$0x1], $0xffff;
	_ =	sdelay $0x4  }
0x1c: {  	v1 =	vshll.u32 v0, $0x3  }
0x1d: {  	vm2 =	veq.s32 v0, $0x80000000;
	v0 =	vshll.u32 v0, $0x10;
	v1 =	vand.u32 $0xFF80, v1  }
0x1e: {  	v0 =	vand.u32 $0xF0000, v0;
	v1 =	vsel vm2, $0xFFFFFF80, v1  }
0x1f: {  	v0 =	vsel vm2, $0xFFFF0000, v0;
	v2 =	vand.u32 $0xFFFFFC00, v1  }
0x20: {  	v1 =	vand.u32 $0x380, v1;
	v0 =	vadd.s32 v0, v2  }
0x21: {  	v0 =	vor.u32 v1, v0  }
0x22: {  	v0 =	vshrl.u32 v0, $0x3;
	_ =	sdelay $0x3  }
0x23: {  	s13 =	simm.s32 $0x2080  }
0x24: {  	[tilespmem:s13], [sflag:$0x1] =	stream.indirect_vreg.gather [hbm:s2], $0x80, v0, vm0, $0x38;
	[tilespmem:$0x4080] =	vst v63  }
0x25: {  	s14 =	simm.s32 $0x2480;
	s31 =	simm.s32 $0x10  }
0x26: {  	[tilespmem:s14], [sflag:$0x1] =	stream.indirect_vreg.gather [hbm:s2], $0x80, v0, vm1, $0x38;
	[tilespmem:$0x4080] =	vst v63  }
0x27: {  	s14 =	simm.s32 $0x80;
	v0 =	vld.msk [tilespmem:s31+$0x40 ss:$0x1], $0xffff  }
.LBB2_5:
0x28: {  	p0 =	sne.s32 s14, $0xC0;
	_ =	sdelay $0x4  }
0x29: {  	v1 =	vshll.u32 v0, $0x3  }
0x2a: {  	vm2 =	veq.s32 v0, $0x80000000;
	v0 =	vshll.u32 v0, $0x10;
	v1 =	vand.u32 $0xFF80, v1  }
0x2b: {  	v0 =	vand.u32 $0xF0000, v0;
	v1 =	vsel vm2, $0xFFFFFF80, v1  }
0x2c: {  	v0 =	vsel vm2, $0xFFFF0000, v0;
	v2 =	vand.u32 $0xFFFFFC00, v1  }
0x2d: {  	v1 =	vand.u32 $0x380, v1;
	v0 =	vadd.s32 v0, v2  }
0x2e: {  	v0 =	vor.u32 v1, v0  }
0x2f: {  	v0 =	vshrl.u32 v0, $0x3;
	_ =	sdelay $0x3  }
.Ltmp4:
0x30: {  	s13 =	sadd.s32 $0x800, s13;
	(pc) =	sbr.rel @p0 .LBB2_5-.Ltmp4, $4  }
0x31: {  	[tilespmem:s13], [sflag:$0x1] =	stream.indirect_vreg.gather [hbm:s2], $0x80, v0, vm0, $0x38;
	[tilespmem:$0x4080] =	vst v63  }
0x32: {  	s15 =	sshra.s32 s14, $0x2;
	s16 =	sadd.s32 $0x400, s13  }
0x33: {  	[tilespmem:s16], [sflag:$0x1] =	stream.indirect_vreg.gather [hbm:s2], $0x80, v0, vm1, $0x38;
	[tilespmem:$0x4080] =	vst v63  }
0x34: {  	s14 =	sadd.s32 $0x40, s14;
	v0 =	vld.msk [tilespmem:s15+$0x40 ss:$0x1], $0xffff  }
0x35: {  	_ =	sdelay $0x3  }
0x36: {  	v1 =	vshll.u32 v0, $0x3  }
0x37: {  	vm2 =	veq.s32 v0, $0x80000000;
	v63 =	vshll.u32 v0, $0x10;
	v1 =	vand.u32 $0xFF80, v1  }
0x38: {  	v0 =	vand.u32 $0xF0000, v63;
	v1 =	vsel vm2, $0xFFFFFF80, v1  }
0x39: {  	v0 =	vsel vm2, $0xFFFF0000, v0;
	v2 =	vand.u32 $0xFFFFFC00, v1  }
0x3a: {  	v1 =	vand.u32 $0x380, v1;
	v0 =	vadd.s32 v0, v2  }
0x3b: {  	v0 =	vor.u32 v1, v0  }
0x3c: {  	v0 =	vshrl.u32 v0, $0x3;
	_ =	sdelay $0x3  }
0x3d: {  	s13 =	sadd.s32 $0x800, s13  }
0x3e: {  	[tilespmem:s13], [sflag:$0x1] =	stream.indirect_vreg.gather [hbm:s2], $0x80, v0, vm0, $0x38;
	[tilespmem:$0x4080] =	vst v63  }
0x3f: {  	s13 =	sadd.s32 $0x400, s13  }
0x40: {  	[tilespmem:s13], [sflag:$0x1] =	stream.indirect_vreg.gather [hbm:s2], $0x80, v0, vm1, $0x38;
	[tilespmem:$0x4080] =	vst v63  }
0x41: {  	s12 =	sshll.u32 s12, $0x4;
	s14 =	simm.s32 $0x80;
	_ =	swait.ge [sflag:s4], $0x2000  }
0x42: {  	s15 =	simm.s32 $0x2480;
	s12 =	sadd.s32 s12, s7;
	[sflag:s4] =	ssyncset.done $0x0  }
0x43: {  	s16 =	sadd.s32 $0x0, s12;
	s13 =	simm.s32 $0x2080;
	[sflag:s4] =	ssyncadd.s32 $0xFFFFE000  }
.LBB2_7:
0x44: {  	[hbm:s16] =	stream.linear.scatter [tilespmem:s13], [sflag:$0x3], $0x400, $0x38;
	[tilespmem:$0x4080] =	vst v63  }
0x45: {  	s16 =	smov.u32 s14;
	s13 =	smov.u32 s15;
	p0 =	sne.s32 s14, $0x380  }
.Ltmp5:
0x46: {  	s14 =	sadd.s32 $0x80, s14;
	(pc) =	sbr.rel @p0 .LBB2_7-.Ltmp5, $2  }
0x47: {  	_ =	sdelay $0x2  }
0x48: {  	s15 =	sadd.s32 $0x400, s15;
	s16 =	sadd.s32 s16, s12  }
.Ltmp6:
0x49: {  	(pc) =	sbr.rel .LBB2_9-.Ltmp6, $2  }
0x4a: {  	_ =	sdelay $0x2  }
0x4b: {  	[hbm:s16] =	stream.linear.scatter [tilespmem:s13], [sflag:$0x3], $0x400, $0x38;
	[tilespmem:$0x4080] =	vst v63  }
.LBB2_2:
.Ltmp7:
0x4c: {  	(pc) =	sbr.rel .LBB2_10-.Ltmp7, $4  }
0x4d: {  	_ = 	snop  }
0x4e: {  	s12 =	sshrl.u32 s11, $0x3  }
0x4f: {  	s13 =	sand.u32 $0x7, s11;
	s12 =	sadd.s32 s3, s12  }
0x50: {  	[tilespmem:s9], [sflag:$0x2] =	stream.linear.gather [hbm4b:s12+s13], $0x40, $0x38;
	[tilespmem:$0x4080] =	vst v63  }
.LBB2_11:
0x51: {  	s2 =	simm.s32 $0x3  }
0x52: {  	_ =	swait.ge [sflag:s2], $0x2000  }
0x53: {  	[sflag:s2] =	ssyncset.done $0x0  }
0x54: {  	[sflag:s2] =	ssyncadd.s32 $0xFFFFE000  }
0x55: {  	_ =	sfence.sel $0x180000  }
0x56: {  	s3 =	simm.s32 $0x2;
	[bflag:$0x0] =	sbarrier.arrive $0xFFFF  }
0x57: {  	[sflag:s3] =	ssyncpa.u1 $0x1  }
0x58: {  	s31 =	simm.s32 $0x1;
	[sflag:s2] =	ssyncpa.u1 $0x1  }
0x59: {  	[sflag:s31] =	ssyncpa.u1 $0x1  }
0x5a: {  	p0 =	sne.s32 s1, $0x0;
	_ =	strace $0x90000050  }
0x5b: {  	s0 =	sadd.s32 @!p0 $0x100000, s0;
	[bflag:$0x2] =	sbarrier.arrive $0xFFFF  }
0x5c: {  	[sflag:s0] =	ssyncadd.tile.s32 @!p0 $0x1;
	_ =	shalt  }
.Lfunc_end2:
_tile_overlayer_lowered:
.L_overlay_start_2:
0x5d: {  	(tag) =	ssettag $0x2  }
0x5e: {  	s0 =	rddreg [dreg:$0x0];
	s2 =	stileid.u32  }
0x5f: {  	s1 =	rddreg [dreg:$0x1];
	p0 =	sne.s32 s2, $0x0  }
0x60: {  	s3 =	rddreg [dreg:$0x2];
	[bflag:$0x3] =	sbarrier.arrive $0xFFFF;
	s2 =	simm.s32 @!p0 $0x1C01  }
0x61: {  	[timem:s3], [sflag:s2] =	dma.local @!p0 [hbm:s0], s1  }
0x62: {  	s0 =	simm.s32 @!p0 $0x1  }
0x63: {  	_ =	swait.ge @!p0 [sflag:s0], s1  }
0x64: {  	s1 =	ssub.s32 @!p0 $0x0, s1;
	[sflag:s0] =	ssyncset.done @!p0 $0x0  }
0x65: {  	[sflag:s0] =	ssyncadd.s32 @!p0 s1  }
0x66: {  	[bflag:$0x3] =	sbarrier.arrive $0xFFFF  }
0x67: {  	_ =	shalt  }

// kernel: gather_offload_async_start.2
scs
__scs_entry_jumppad:
0x0: {  	(pc) =	sbr.rel $0x88, $3  }
0x1: {  	(tag) =	ssettag $0x0;
	lr =	simm.s32 $0x1  }
0x2: {  	[smem:$0x3F7B] =	sst lr;
	_ =	strace $0xD0000000  }
0x3: {  	_ = 	snop  }
0x4: {  	_ = 	snop  }
0x5: {  	_ = 	snop  }
0x6: {  	_ = 	snop  }
0x7: {  	_ = 	snop  }
__scs_overlays_trampoline_lowered:
0x8: {  	[smem:$0x3F8A] =	sst s0  }
0x9: {  	[smem:$0x3F8B] =	sst s1  }
0xa: {  	[smem:$0x3F8C] =	sst s2  }
0xb: {  	[smem:$0x3F8D] =	sst s3  }
0xc: {  	[smem:$0x3F8E] =	sst s4  }
0xd: {  	[smem:$0x3F8F] =	sst s5  }
0xe: {  	[smem:$0x3F90] =	sst s6  }
0xf: {  	[smem:$0x3F91] =	sst s7  }
0x10: {  	[smem:$0x3F92] =	sst s8  }
0x11: {  	[smem:$0x3F93] =	sst s9;
	s0 =	simm.s32 @!p0 $0x0  }
0x12: {  	s1 =	sld [smem:$0x3F79];
	s0 =	simm.s32 @p0 $0x1  }
0x13: {  	[smem:$0x3F94] =	sst s0;
	s0 =	simm.s32 @!p1 $0x0  }
0x14: {  	s2 =	sld [smem:$0x3F78];
	s0 =	simm.s32 @p1 $0x1  }
0x15: {  	[smem:$0x3F95] =	sst s0;
	s0 =	simm.s32 @!p2 $0x0  }
0x16: {  	s3 =	sld [smem:$0x3FDB];
	s0 =	simm.s32 @p2 $0x1  }
0x17: {  	s4 =	simm.s32 $0x1BF5;
	[smem:$0x3F97] =	sst s0  }
0x18: {  	s0 =	sld [smem:$0x3F7A];
	_ =	swait.ge [sflag:s4], $0x0  }
0x19: {  	s7 =	sld [smem:$0x3F7B]  }
0x1a: {  	s8 =	sadd.s32 $0xFFFFE003, lr  }
0x1b: {  	s9 =	sadd.s32 $0xFFFFFEF7, lr;
	s5 =	simm.s32 $0xFFFFFFFF;
	p2 =	slt.u32 s8, $0xFFFFF086  }
0x1c: {  	p1 =	slt.u32 s9, $0xF7A;
	s5 =	simm.s32 @!p2 $0x0  }
0x1d: {  	s5 =	simm.s32 @p1 $0x1;
	p0 =	seq.s32 s7, s2  }
0x1e: {  	s7 =	smul.u32 @!p0 $0xF7A, s2;
	p2 =	seq.s32 @!p0 s5, $0x0  }
0x1f: {  	s9 =	smul.u32 $0xF7A, s1;
	s8 =	simm.s32 @!p0 $0x1BF5;
	p2 =	por !p2, p0  }
0x20: {  	[sflag:s8] =	ssyncset.s32 @!p0 $0xFFFFF086;
	s6 =	sadd.s32 @!p0 s3, s7;
	s7 =	simm.s32 @!p0 $0x108  }
0x21: {  	s3 =	sadd.s32 s3, s9;
	s6 =	sadd.s32 @!p0 $0x88, s6;
	s7 =	simm.s32 @p2 $0x1082  }
0x22: {  	[simem:s7], [sflag:s8] =	dma.local @!p0 [hbm:s6], $0xF7A  }
0x23: {  	s9 =	sor.u32 $0xD0000000, s2;
	s6 =	simm.s32 $0x108;
	_ =	swait.ge @!p0 [sflag:s8], $0x0  }
0x24: {  	s3 =	sadd.s32 $0x88, s3;
	s6 =	simm.s32 @!p1 $0x1082;
	[sflag:s4] =	ssyncset.s32 $0xFFFFF086  }
0x25: {  	[simem:s6], [sflag:s4] =	dma.local [hbm:s3], $0xF7A  }
0x26: {  	[smem:$0x3F7B] =	sst s1;
	(tag) =	ssettag s2;
	_ =	strace s9  }
0x27: {  	s1 =	sld [smem:$0x3F8B]  }
0x28: {  	s2 =	sld [smem:$0x3F8C]  }
0x29: {  	s4 =	sld [smem:$0x3F8E]  }
0x2a: {  	p0 =	seq.s32 s5, $0x0;
	s5 =	sld [smem:$0x3F8F]  }
0x2b: {  	s6 =	sld [smem:$0x3F90]  }
0x2c: {  	s7 =	sld [smem:$0x3F91]  }
0x2d: {  	s3 =	simm.s32 $0x108;
	s8 =	sld [smem:$0x3F92]  }
0x2e: {  	s3 =	simm.s32 @!p0 $0x1082;
	s9 =	sld [smem:$0x3F93]  }
0x2f: {  	lr =	sadd.s32 s0, s3;
	s0 =	sld [smem:$0x3F8A]  }
0x30: {  	s3 =	sld [smem:$0x3F8D]  }
0x31: {  	[smem:$0x3F96] =	sst s10  }
0x32: {  	s10 =	sld [smem:$0x3F94];
	_ =	sdelay $0x3  }
0x33: {  	p0 =	seq.s32 s10, $0x1;
	s10 =	sld [smem:$0x3F96];
	_ =	sdelay $0x3  }
0x34: {  	[smem:$0x3F96] =	sst s10  }
0x35: {  	s10 =	sld [smem:$0x3F95];
	_ =	sdelay $0x3  }
0x36: {  	p1 =	seq.s32 s10, $0x1;
	s10 =	sld [smem:$0x3F96];
	_ =	sdelay $0x3  }
0x37: {  	[smem:$0x3F96] =	sst s10  }
0x38: {  	s10 =	sld [smem:$0x3F97]  }
0x39: {  	_ = 	snop;
	(pc) =	sbr.ind lr, $3  }
0x3a: {  	_ = 	snop  }
0x3b: {  	_ = 	snop  }
0x3c: {  	p2 =	seq.s32 s10, $0x1;
	s10 =	sld [smem:$0x3F96]  }
0x3d: {  	_ =	shalt  }
0x3e: {  	_ =	shalt  }
0x3f: {  	_ =	shalt  }
0x40: {  	_ =	shalt  }
0x41: {  	_ =	shalt  }
0x42: {  	_ =	shalt  }
0x43: {  	_ =	shalt  }
0x44: {  	_ =	shalt  }
0x45: {  	_ =	shalt  }
0x46: {  	_ =	shalt  }
0x47: {  	_ =	shalt  }
0x48: {  	_ =	shalt  }
0x49: {  	_ =	shalt  }
0x4a: {  	_ =	shalt  }
0x4b: {  	_ =	shalt  }
0x4c: {  	_ =	shalt  }
0x4d: {  	_ =	shalt  }
0x4e: {  	_ =	shalt  }
0x4f: {  	_ =	shalt  }
0x50: {  	_ =	shalt  }
0x51: {  	_ =	shalt  }
0x52: {  	_ =	shalt  }
0x53: {  	_ =	shalt  }
0x54: {  	_ =	shalt  }
0x55: {  	_ =	shalt  }
0x56: {  	_ =	shalt  }
0x57: {  	_ =	shalt  }
0x58: {  	_ =	shalt  }
0x59: {  	_ =	shalt  }
0x5a: {  	_ =	shalt  }
0x5b: {  	_ =	shalt  }
0x5c: {  	_ =	shalt  }
0x5d: {  	_ =	shalt  }
0x5e: {  	_ =	shalt  }
0x5f: {  	_ =	shalt  }
0x60: {  	_ =	shalt  }
0x61: {  	_ =	shalt  }
0x62: {  	_ =	shalt  }
0x63: {  	_ =	shalt  }
0x64: {  	_ =	shalt  }
0x65: {  	_ =	shalt  }
0x66: {  	_ =	shalt  }
0x67: {  	_ =	shalt  }
0x68: {  	_ =	shalt  }
0x69: {  	_ =	shalt  }
0x6a: {  	_ =	shalt  }
0x6b: {  	_ =	shalt  }
0x6c: {  	_ =	shalt  }
0x6d: {  	_ =	shalt  }
0x6e: {  	_ =	shalt  }
0x6f: {  	_ =	shalt  }
0x70: {  	_ =	shalt  }
0x71: {  	_ =	shalt  }
0x72: {  	_ =	shalt  }
0x73: {  	_ =	shalt  }
0x74: {  	_ =	shalt  }
0x75: {  	_ =	shalt  }
0x76: {  	_ =	shalt  }
0x77: {  	_ =	shalt  }
0x78: {  	_ =	shalt  }
0x79: {  	_ =	shalt  }
0x7a: {  	_ =	shalt  }
0x7b: {  	_ =	shalt  }
0x7c: {  	_ =	shalt  }
0x7d: {  	_ =	shalt  }
0x7e: {  	_ =	shalt  }
0x7f: {  	_ =	shalt  }
0x80: {  	_ =	shalt  }
0x81: {  	_ =	shalt  }
0x82: {  	_ =	shalt  }
0x83: {  	_ =	shalt  }
0x84: {  	_ =	shalt  }
0x85: {  	_ =	shalt  }
0x86: {  	_ =	shalt  }
0x87: {  	_ =	shalt  }
.Lfunc_end0:
.L_simem_size_0:
called_computation.4_lowered:
.L_overlay_start_0:
0x88: {  	s2 =	sld [smem:$0x3FD9]  }
0x89: {  	s3 =	sld [smem:$0x3FFE];
	_ =	sdelay $0x1  }
0x8a: {  	s1 =	srdreg.scid  }
0x8b: {  	s0 =	sand.u32 $0x1, s1  }
0x8c: {  	s16 =	sshll.u32 s0, $0xA;
	s2 =	sadd.s32 s3, s2  }
0x8d: {  	s2 =	sadd.s32 s2, s16  }
0x8e: {  	[smem:$0x3FA2] =	sst s2  }
0x8f: {  	_ = 	snop  }
0x90: {  	(tm) =	ssettm $0x1  }
0x91: {  	s17 =	sld [smem:$0x3FFB];
	_ =	sdelay $0x3  }
0x92: {  	_ =	strace s17  }
0x93: {  	s2 =	sld [smem:$0x3FFC];
	_ =	sdelay $0x3  }
0x94: {  	_ =	strace s2  }
0x95: {  	s2 =	sld [smem:$0x3FFD];
	_ =	sdelay $0x3  }
0x96: {  	_ =	strace s2  }
0x97: {  	_ =	strace $0x8FFFFFFF  }
0x98: {  	s18 =	sld [smem:$0x3FDB];
	_ =	sdelay $0x1  }
0x99: {  	s19 =	simm.s32 $_scs_section_size  }
0x9a: {  	s4 =	simm.s32 $_size__tile_overlayer_lowered;
	s5 =	simm.s32 $_tile_overlayer_lowered  }
0x9b: {  	s22 =	simm.s32 $0x1BFF;
	s21 =	sshll.u32 s5, $0x1;
	s2 =	sadd.s32 s19, s18  }
0x9c: {  	s6 =	simm.s32 $0x0;
	s20 =	sshll.u32 s4, $0x1;
	s4 =	sadd.s32 s21, s2  }
0x9d: {  	[timem:s6], [sflag:s22] =	dma.local [hbm:s4], s20  }
0x9e: {  	_ =	swait.ge [sflag:s22], s20  }
0x9f: {  	s3 =	ssub.s32 $0x0, s20;
	[sflag:s22] =	ssyncset.done $0x0  }
0xa0: {  	[sflag:s22] =	ssyncadd.s32 s3;
	_ =	sdelay $0x1  }
0xa1: {  	s23 =	simm.s32 $0x1B8B  }
0xa2: {  	_ =	swait.ge [sflag:s23], $0x1  }
0xa3: {  	[sflag:s23] =	ssyncset.done $0x0  }
0xa4: {  	s25 =	simm.s32 $0x1B8E;
	s24 =	sld [smem:$0x3FFE];
	[sflag:s23] =	ssyncadd.s32 $0xFFFFFFFF  }
0xa5: {  	s26 =	simm.s32 $execute0_lowered;
	[smem:$0x3FD2] =	sst s25  }
0xa6: {  	s4 =	sshll.u32 s26, $0x1;
	_ =	strace $0x80000046;
	[dreg:$0x1] =	wrdreg $0xFFFFFFFF  }
0xa7: {  	s28 =	simm.s32 $_size_execute0_lowered;
	s2 =	sadd.s32 s2, s4;
	[dreg:$0x0] =	wrdreg $0x0  }
0xa8: {  	s4 =	sshll.u32 s28, $0x1;
	[dreg:$0x2] =	wrdreg s2  }
0xa9: {  	[dreg:$0x3] =	wrdreg s4  }
0xaa: {  	[dreg:$0x4] =	wrdreg $0xC0  }
0xab: {  	_ =	task [dreg:s6], $0x5FFFF  }
0xac: {  	[dreg:$0x1] =	wrdreg $0xFFFFFFFF  }
0xad: {  	[dreg:$0x0] =	wrdreg $0x60  }
0xae: {  	[dreg:$0x2] =	wrdreg s24  }
0xaf: {  	[dreg:$0x3] =	wrdreg $0x9  }
0xb0: {  	_ =	task.clear_ibuf [dreg:s6], $0x4FFFF;
	_ =	strace $0x90000046  }
0xb1: {  	s29 =	simm.s32 $0x9;
	_ =	strace $0x80000048  }
0xb2: {  	_ =	swait.ge [sflag:s29], $0x1  }
0xb3: {  	[sflag:s29] =	ssyncadd.s32 $0xFFFFFFFF  }
0xb4: {  	_ =	strace $0x90000048  }
0xb5: {  	_ =	sfence  }
0xb6: {  	s30 =	sld [smem:$0x0];
	_ =	sdelay $0x2  }
0xb7: {  	s31 =	sshll.u32 s1, $0xD;
	s1 =	sshrl.u32 s1, $0x2  }
0xb8: {  	s3 =	sand.u32 $0x4000, s31;
	s1 =	sadd.s32 s1, s30  }
0xb9: {  	s0 =	sor.u32 s3, s0;
	s1 =	sshll.u32 s1, $0x11  }
0xba: {  	s0 =	sor.u32 s1, s0  }
0xbb: {  	s0 =	sadd.s32 $0x8F2B, s0  }
0xbc: {  	[sflag:s0] =	ssyncadd.remote.s32 $0x1  }
0xbd: {  	_ =	sfence.sel $0xFFFF  }
0xbe: {  	[dreg:$0x0] =	wrdreg $0xFFFFFFFF;
	(pc) =	sbr.abs _section_cstart, $3  }
0xbf: {  	[dreg:$0x1] =	wrdreg $0xFFFFFFFF  }
0xc0: {  	_ =	task.clear_ibuf [dreg:s6], $0x2FFFF;
	_ =	strace $0x9FFFFFFF  }
0xc1: {  	(tm) =	ssettm $0x7FFFFFFF  }
tec
execute0_lowered:
.L_overlay_start_1:
0x0: {  	(tag) =	ssettag $0x1  }
0x1: {  	s2 =	rddreg [dreg:$0x0]  }
0x2: {  	s0 =	rddreg [dreg:$0x1]  }
0x3: {  	s1 =	srdreg.scid;
	_ =	strace $0x80000047;
	s4 =	simm.s32 $0x1  }
0x4: {  	s9 =	simm.s32 $0x3;
	s12 =	simm.s32 $0x0;
	s5 =	sshll.u32 s1, $0x4  }
.Ltmp0:
0x5: {  	s1 =	stileid.u32;
	s5 =	sand.u32 $0x10, s5;
	(pc) =	sbr.rel .LBB2_1-.Ltmp0, $4  }
0x6: {  	s10 =	simm.s32 $0x0;
	s3 =	sadd.s32 $0x40000, s2;
	s6 =	sor.u32 s1, s5  }
0x7: {  	[sflag:s4] =	ssyncpa.u1 $0x0;
	s5 =	simm.s32 $0x2;
	s6 =	sshll.u32 s6, $0x8  }
0x8: {  	s7 =	sadd.s32 $0x100C00, s2;
	[sflag:s5] =	ssyncpa.u1 $0x0;
	s8 =	sadd.s32 $0x100, s6  }
0x9: {  	vm0 =	vmmov $0xff;
	vm1 =	vcmask $0x3F20;
	[sflag:s9] =	ssyncpa.u1 $0x0;
	s9 =	simm.s32 $0x100;
	s11 =	smov.u32 s6  }
.LBB2_9:
0xa: {  	p0 =	seq.s32 s10, $0x2  }
.Ltmp1:
0xb: {  	_ = 	snop;
	(pc) =	sbr.rel @p0 .LBB2_11-.Ltmp1, $1  }
0xc: {  	_ =	sdelay $0x3  }
.LBB2_10:
0xd: {  	s12 =	sadd.s32 $0x100, s11  }
0xe: {  	s13 =	smov.u32 s6;
	p0 =	slt.s32 s12, s8  }
0xf: {  	s13 =	smov.u32 @p0 s12  }
0x10: {  	s10 =	sadd.s32 $0x1, s10;
	s12 =	smov.u32 s11;
	s11 =	smov.u32 s13  }
.LBB2_1:
0x11: {  	p0 =	sne.s32 s10, $0x0  }
.Ltmp2:
0x12: {  	_ = 	snop;
	(pc) =	sbr.rel @!p0 .LBB2_2-.Ltmp2, $1  }
0x13: {  	_ =	sdelay $0x3  }
0x14: {  	s13 =	sand.u32 $0x1, s10  }
0x15: {  	p0 =	seq.s32 s13, $0x0  }
.Ltmp3:
0x16: {  	_ = 	snop;
	(pc) =	sbr.rel @p0 .LBB2_9-.Ltmp3, $1  }
0x17: {  	_ =	sdelay $0x3  }
0x18: {  	_ =	swait.ge [sflag:s5], $0x100  }
0x19: {  	[sflag:s5] =	ssyncset.done $0x0  }
0x1a: {  	s13 =	simm.s32 $0x0;
	[sflag:s5] =	ssyncadd.s32 $0xFFFFFF00  }
0x1b: {  	v0 =	vld.msk [tilespmem:s13+$0x100 ss:$0x1], $0xffff;
	_ =	sdelay $0x4  }
0x1c: {  	v1 =	vshll.u32 v0, $0x3  }
0x1d: {  	vm2 =	veq.s32 v0, $0x80000000;
	v0 =	vshll.u32 v0, $0x11;
	v1 =	vand.u32 $0x1FF80, v1  }
0x1e: {  	v0 =	vand.u32 $0x1E0000, v0;
	v1 =	vsel vm2, $0xFFFFFF80, v1  }
0x1f: {  	v0 =	vsel vm2, $0xFFFE0000, v0;
	v2 =	vand.u32 $0xFFFFFC00, v1  }
0x20: {  	v1 =	vand.u32 $0x380, v1;
	v0 =	vadd.s32 v0, v2  }
0x21: {  	v0 =	vor.u32 v1, v0  }
0x22: {  	v0 =	vshrl.u32 v0, $0x3;
	_ =	sdelay $0x3  }
0x23: {  	s13 =	simm.s32 $0x8200  }
0x24: {  	[tilespmem:s13], [sflag:$0x1] =	stream.indirect_vreg.gather [hbm:s2], $0x80, v0, vm0, $0x38;
	[tilespmem:$0x10200] =	vst v63  }
0x25: {  	s14 =	simm.s32 $0x8600;
	s31 =	simm.s32 $0x10  }
0x26: {  	[tilespmem:s14], [sflag:$0x1] =	stream.indirect_vreg.gather [hbm:s2], $0x80, v0, vm1, $0x38;
	[tilespmem:$0x10200] =	vst v63  }
0x27: {  	s14 =	simm.s32 $0x80;
	v0 =	vld.msk [tilespmem:s31+$0x100 ss:$0x1], $0xffff  }
.LBB2_5:
0x28: {  	p0 =	sne.s32 s14, $0x3C0;
	_ =	sdelay $0x4  }
0x29: {  	v1 =	vshll.u32 v0, $0x3  }
0x2a: {  	vm2 =	veq.s32 v0, $0x80000000;
	v0 =	vshll.u32 v0, $0x11;
	v1 =	vand.u32 $0x1FF80, v1  }
0x2b: {  	v0 =	vand.u32 $0x1E0000, v0;
	v1 =	vsel vm2, $0xFFFFFF80, v1  }
0x2c: {  	v0 =	vsel vm2, $0xFFFE0000, v0;
	v2 =	vand.u32 $0xFFFFFC00, v1  }
0x2d: {  	v1 =	vand.u32 $0x380, v1;
	v0 =	vadd.s32 v0, v2  }
0x2e: {  	v0 =	vor.u32 v1, v0  }
0x2f: {  	v0 =	vshrl.u32 v0, $0x3;
	_ =	sdelay $0x3  }
.Ltmp4:
0x30: {  	s13 =	sadd.s32 $0x800, s13;
	(pc) =	sbr.rel @p0 .LBB2_5-.Ltmp4, $4  }
0x31: {  	[tilespmem:s13], [sflag:$0x1] =	stream.indirect_vreg.gather [hbm:s2], $0x80, v0, vm0, $0x38;
	[tilespmem:$0x10200] =	vst v63  }
0x32: {  	s15 =	sshra.s32 s14, $0x2;
	s16 =	sadd.s32 $0x400, s13  }
0x33: {  	[tilespmem:s16], [sflag:$0x1] =	stream.indirect_vreg.gather [hbm:s2], $0x80, v0, vm1, $0x38;
	[tilespmem:$0x10200] =	vst v63  }
0x34: {  	s14 =	sadd.s32 $0x40, s14;
	v0 =	vld.msk [tilespmem:s15+$0x100 ss:$0x1], $0xffff  }
0x35: {  	_ =	sdelay $0x3  }
0x36: {  	v1 =	vshll.u32 v0, $0x3  }
0x37: {  	vm2 =	veq.s32 v0, $0x80000000;
	v63 =	vshll.u32 v0, $0x11;
	v1 =	vand.u32 $0x1FF80, v1  }
0x38: {  	v0 =	vand.u32 $0x1E0000, v63;
	v1 =	vsel vm2, $0xFFFFFF80, v1  }
0x39: {  	v0 =	vsel vm2, $0xFFFE0000, v0;
	v2 =	vand.u32 $0xFFFFFC00, v1  }
0x3a: {  	v1 =	vand.u32 $0x380, v1;
	v0 =	vadd.s32 v0, v2  }
0x3b: {  	v0 =	vor.u32 v1, v0  }
0x3c: {  	v0 =	vshrl.u32 v0, $0x3;
	_ =	sdelay $0x3  }
0x3d: {  	s13 =	sadd.s32 $0x800, s13  }
0x3e: {  	[tilespmem:s13], [sflag:$0x1] =	stream.indirect_vreg.gather [hbm:s2], $0x80, v0, vm0, $0x38;
	[tilespmem:$0x10200] =	vst v63  }
0x3f: {  	s13 =	sadd.s32 $0x400, s13  }
0x40: {  	[tilespmem:s13], [sflag:$0x1] =	stream.indirect_vreg.gather [hbm:s2], $0x80, v0, vm1, $0x38;
	[tilespmem:$0x10200] =	vst v63  }
0x41: {  	s12 =	sshll.u32 s12, $0x4;
	s14 =	simm.s32 $0x80;
	_ =	swait.ge [sflag:s4], $0x8000  }
0x42: {  	s15 =	simm.s32 $0x8600;
	s12 =	sadd.s32 s12, s7;
	[sflag:s4] =	ssyncset.done $0x0  }
0x43: {  	s16 =	sadd.s32 $0x0, s12;
	s13 =	simm.s32 $0x8200;
	[sflag:s4] =	ssyncadd.s32 $0xFFFF8000  }
.LBB2_7:
0x44: {  	[hbm:s16] =	stream.linear.scatter [tilespmem:s13], [sflag:$0x3], $0x400, $0x38;
	[tilespmem:$0x10200] =	vst v63  }
0x45: {  	s16 =	smov.u32 s14;
	s13 =	smov.u32 s15;
	p0 =	sne.s32 s14, $0xF80  }
.Ltmp5:
0x46: {  	s14 =	sadd.s32 $0x80, s14;
	(pc) =	sbr.rel @p0 .LBB2_7-.Ltmp5, $2  }
0x47: {  	_ =	sdelay $0x2  }
0x48: {  	s15 =	sadd.s32 $0x400, s15;
	s16 =	sadd.s32 s16, s12  }
.Ltmp6:
0x49: {  	(pc) =	sbr.rel .LBB2_9-.Ltmp6, $2  }
0x4a: {  	_ =	sdelay $0x2  }
0x4b: {  	[hbm:s16] =	stream.linear.scatter [tilespmem:s13], [sflag:$0x3], $0x400, $0x38;
	[tilespmem:$0x10200] =	vst v63  }
.LBB2_2:
.Ltmp7:
0x4c: {  	(pc) =	sbr.rel .LBB2_10-.Ltmp7, $4  }
0x4d: {  	_ = 	snop  }
0x4e: {  	s12 =	sshrl.u32 s11, $0x3  }
0x4f: {  	s13 =	sand.u32 $0x7, s11;
	s12 =	sadd.s32 s3, s12  }
0x50: {  	[tilespmem:s9], [sflag:$0x2] =	stream.linear.gather [hbm4b:s12+s13], $0x100, $0x38;
	[tilespmem:$0x10200] =	vst v63  }
.LBB2_11:
0x51: {  	s2 =	simm.s32 $0x3  }
0x52: {  	_ =	swait.ge [sflag:s2], $0x8000  }
0x53: {  	[sflag:s2] =	ssyncset.done $0x0  }
0x54: {  	[sflag:s2] =	ssyncadd.s32 $0xFFFF8000  }
0x55: {  	_ =	sfence.sel $0x180000  }
0x56: {  	s3 =	simm.s32 $0x2;
	[bflag:$0x0] =	sbarrier.arrive $0xFFFF  }
0x57: {  	[sflag:s3] =	ssyncpa.u1 $0x1  }
0x58: {  	s31 =	simm.s32 $0x1;
	[sflag:s2] =	ssyncpa.u1 $0x1  }
0x59: {  	[sflag:s31] =	ssyncpa.u1 $0x1  }
0x5a: {  	p0 =	sne.s32 s1, $0x0;
	_ =	strace $0x90000047  }
0x5b: {  	s0 =	sadd.s32 @!p0 $0x100000, s0;
	[bflag:$0x2] =	sbarrier.arrive $0xFFFF  }
0x5c: {  	[sflag:s0] =	ssyncadd.tile.s32 @!p0 $0x1;
	_ =	shalt  }
.Lfunc_end2:
_tile_overlayer_lowered:
.L_overlay_start_2:
0x5d: {  	(tag) =	ssettag $0x2  }
0x5e: {  	s0 =	rddreg [dreg:$0x0];
	s2 =	stileid.u32  }
0x5f: {  	s1 =	rddreg [dreg:$0x1];
	p0 =	sne.s32 s2, $0x0  }
0x60: {  	s3 =	rddreg [dreg:$0x2];
	[bflag:$0x3] =	sbarrier.arrive $0xFFFF;
	s2 =	simm.s32 @!p0 $0x1C01  }
0x61: {  	[timem:s3], [sflag:s2] =	dma.local @!p0 [hbm:s0], s1  }
0x62: {  	s0 =	simm.s32 @!p0 $0x1  }
0x63: {  	_ =	swait.ge @!p0 [sflag:s0], s1  }
0x64: {  	s1 =	ssub.s32 @!p0 $0x0, s1;
	[sflag:s0] =	ssyncset.done @!p0 $0x0  }
0x65: {  	[sflag:s0] =	ssyncadd.s32 @!p0 s1  }
0x66: {  	[bflag:$0x3] =	sbarrier.arrive $0xFFFF  }
0x67: {  	_ =	shalt  }

// kernel: gather_offload_async_start.3
scs
__scs_entry_jumppad:
0x0: {  	(pc) =	sbr.rel $0x88, $3  }
0x1: {  	(tag) =	ssettag $0x0;
	lr =	simm.s32 $0x1  }
0x2: {  	[smem:$0x3F7B] =	sst lr;
	_ =	strace $0xD0000000  }
0x3: {  	_ = 	snop  }
0x4: {  	_ = 	snop  }
0x5: {  	_ = 	snop  }
0x6: {  	_ = 	snop  }
0x7: {  	_ = 	snop  }
__scs_overlays_trampoline_lowered:
0x8: {  	[smem:$0x3F8A] =	sst s0  }
0x9: {  	[smem:$0x3F8B] =	sst s1  }
0xa: {  	[smem:$0x3F8C] =	sst s2  }
0xb: {  	[smem:$0x3F8D] =	sst s3  }
0xc: {  	[smem:$0x3F8E] =	sst s4  }
0xd: {  	[smem:$0x3F8F] =	sst s5  }
0xe: {  	[smem:$0x3F90] =	sst s6  }
0xf: {  	[smem:$0x3F91] =	sst s7  }
0x10: {  	[smem:$0x3F92] =	sst s8  }
0x11: {  	[smem:$0x3F93] =	sst s9;
	s0 =	simm.s32 @!p0 $0x0  }
0x12: {  	s1 =	sld [smem:$0x3F79];
	s0 =	simm.s32 @p0 $0x1  }
0x13: {  	[smem:$0x3F94] =	sst s0;
	s0 =	simm.s32 @!p1 $0x0  }
0x14: {  	s2 =	sld [smem:$0x3F78];
	s0 =	simm.s32 @p1 $0x1  }
0x15: {  	[smem:$0x3F95] =	sst s0;
	s0 =	simm.s32 @!p2 $0x0  }
0x16: {  	s3 =	sld [smem:$0x3FDB];
	s0 =	simm.s32 @p2 $0x1  }
0x17: {  	s4 =	simm.s32 $0x1BF5;
	[smem:$0x3F97] =	sst s0  }
0x18: {  	s0 =	sld [smem:$0x3F7A];
	_ =	swait.ge [sflag:s4], $0x0  }
0x19: {  	s7 =	sld [smem:$0x3F7B]  }
0x1a: {  	s8 =	sadd.s32 $0xFFFFE003, lr  }
0x1b: {  	s9 =	sadd.s32 $0xFFFFFEF7, lr;
	s5 =	simm.s32 $0xFFFFFFFF;
	p2 =	slt.u32 s8, $0xFFFFF086  }
0x1c: {  	p1 =	slt.u32 s9, $0xF7A;
	s5 =	simm.s32 @!p2 $0x0  }
0x1d: {  	s5 =	simm.s32 @p1 $0x1;
	p0 =	seq.s32 s7, s2  }
0x1e: {  	s7 =	smul.u32 @!p0 $0xF7A, s2;
	p2 =	seq.s32 @!p0 s5, $0x0  }
0x1f: {  	s9 =	smul.u32 $0xF7A, s1;
	s8 =	simm.s32 @!p0 $0x1BF5;
	p2 =	por !p2, p0  }
0x20: {  	[sflag:s8] =	ssyncset.s32 @!p0 $0xFFFFF086;
	s6 =	sadd.s32 @!p0 s3, s7;
	s7 =	simm.s32 @!p0 $0x108  }
0x21: {  	s3 =	sadd.s32 s3, s9;
	s6 =	sadd.s32 @!p0 $0x88, s6;
	s7 =	simm.s32 @p2 $0x1082  }
0x22: {  	[simem:s7], [sflag:s8] =	dma.local @!p0 [hbm:s6], $0xF7A  }
0x23: {  	s9 =	sor.u32 $0xD0000000, s2;
	s6 =	simm.s32 $0x108;
	_ =	swait.ge @!p0 [sflag:s8], $0x0  }
0x24: {  	s3 =	sadd.s32 $0x88, s3;
	s6 =	simm.s32 @!p1 $0x1082;
	[sflag:s4] =	ssyncset.s32 $0xFFFFF086  }
0x25: {  	[simem:s6], [sflag:s4] =	dma.local [hbm:s3], $0xF7A  }
0x26: {  	[smem:$0x3F7B] =	sst s1;
	(tag) =	ssettag s2;
	_ =	strace s9  }
0x27: {  	s1 =	sld [smem:$0x3F8B]  }
0x28: {  	s2 =	sld [smem:$0x3F8C]  }
0x29: {  	s4 =	sld [smem:$0x3F8E]  }
0x2a: {  	p0 =	seq.s32 s5, $0x0;
	s5 =	sld [smem:$0x3F8F]  }
0x2b: {  	s6 =	sld [smem:$0x3F90]  }
0x2c: {  	s7 =	sld [smem:$0x3F91]  }
0x2d: {  	s3 =	simm.s32 $0x108;
	s8 =	sld [smem:$0x3F92]  }
0x2e: {  	s3 =	simm.s32 @!p0 $0x1082;
	s9 =	sld [smem:$0x3F93]  }
0x2f: {  	lr =	sadd.s32 s0, s3;
	s0 =	sld [smem:$0x3F8A]  }
0x30: {  	s3 =	sld [smem:$0x3F8D]  }
0x31: {  	[smem:$0x3F96] =	sst s10  }
0x32: {  	s10 =	sld [smem:$0x3F94];
	_ =	sdelay $0x3  }
0x33: {  	p0 =	seq.s32 s10, $0x1;
	s10 =	sld [smem:$0x3F96];
	_ =	sdelay $0x3  }
0x34: {  	[smem:$0x3F96] =	sst s10  }
0x35: {  	s10 =	sld [smem:$0x3F95];
	_ =	sdelay $0x3  }
0x36: {  	p1 =	seq.s32 s10, $0x1;
	s10 =	sld [smem:$0x3F96];
	_ =	sdelay $0x3  }
0x37: {  	[smem:$0x3F96] =	sst s10  }
0x38: {  	s10 =	sld [smem:$0x3F97]  }
0x39: {  	_ = 	snop;
	(pc) =	sbr.ind lr, $3  }
0x3a: {  	_ = 	snop  }
0x3b: {  	_ = 	snop  }
0x3c: {  	p2 =	seq.s32 s10, $0x1;
	s10 =	sld [smem:$0x3F96]  }
0x3d: {  	_ =	shalt  }
0x3e: {  	_ =	shalt  }
0x3f: {  	_ =	shalt  }
0x40: {  	_ =	shalt  }
0x41: {  	_ =	shalt  }
0x42: {  	_ =	shalt  }
0x43: {  	_ =	shalt  }
0x44: {  	_ =	shalt  }
0x45: {  	_ =	shalt  }
0x46: {  	_ =	shalt  }
0x47: {  	_ =	shalt  }
0x48: {  	_ =	shalt  }
0x49: {  	_ =	shalt  }
0x4a: {  	_ =	shalt  }
0x4b: {  	_ =	shalt  }
0x4c: {  	_ =	shalt  }
0x4d: {  	_ =	shalt  }
0x4e: {  	_ =	shalt  }
0x4f: {  	_ =	shalt  }
0x50: {  	_ =	shalt  }
0x51: {  	_ =	shalt  }
0x52: {  	_ =	shalt  }
0x53: {  	_ =	shalt  }
0x54: {  	_ =	shalt  }
0x55: {  	_ =	shalt  }
0x56: {  	_ =	shalt  }
0x57: {  	_ =	shalt  }
0x58: {  	_ =	shalt  }
0x59: {  	_ =	shalt  }
0x5a: {  	_ =	shalt  }
0x5b: {  	_ =	shalt  }
0x5c: {  	_ =	shalt  }
0x5d: {  	_ =	shalt  }
0x5e: {  	_ =	shalt  }
0x5f: {  	_ =	shalt  }
0x60: {  	_ =	shalt  }
0x61: {  	_ =	shalt  }
0x62: {  	_ =	shalt  }
0x63: {  	_ =	shalt  }
0x64: {  	_ =	shalt  }
0x65: {  	_ =	shalt  }
0x66: {  	_ =	shalt  }
0x67: {  	_ =	shalt  }
0x68: {  	_ =	shalt  }
0x69: {  	_ =	shalt  }
0x6a: {  	_ =	shalt  }
0x6b: {  	_ =	shalt  }
0x6c: {  	_ =	shalt  }
0x6d: {  	_ =	shalt  }
0x6e: {  	_ =	shalt  }
0x6f: {  	_ =	shalt  }
0x70: {  	_ =	shalt  }
0x71: {  	_ =	shalt  }
0x72: {  	_ =	shalt  }
0x73: {  	_ =	shalt  }
0x74: {  	_ =	shalt  }
0x75: {  	_ =	shalt  }
0x76: {  	_ =	shalt  }
0x77: {  	_ =	shalt  }
0x78: {  	_ =	shalt  }
0x79: {  	_ =	shalt  }
0x7a: {  	_ =	shalt  }
0x7b: {  	_ =	shalt  }
0x7c: {  	_ =	shalt  }
0x7d: {  	_ =	shalt  }
0x7e: {  	_ =	shalt  }
0x7f: {  	_ =	shalt  }
0x80: {  	_ =	shalt  }
0x81: {  	_ =	shalt  }
0x82: {  	_ =	shalt  }
0x83: {  	_ =	shalt  }
0x84: {  	_ =	shalt  }
0x85: {  	_ =	shalt  }
0x86: {  	_ =	shalt  }
0x87: {  	_ =	shalt  }
.Lfunc_end0:
.L_simem_size_0:
called_computation.5_lowered:
.L_overlay_start_0:
0x88: {  	s2 =	sld [smem:$0x3FD9]  }
0x89: {  	s3 =	sld [smem:$0x3FFE];
	_ =	sdelay $0x1  }
0x8a: {  	s1 =	srdreg.scid  }
0x8b: {  	s0 =	sand.u32 $0x1, s1  }
0x8c: {  	s16 =	sshll.u32 s0, $0xA;
	s2 =	sadd.s32 s3, s2  }
0x8d: {  	s2 =	sadd.s32 s2, s16  }
0x8e: {  	[smem:$0x3FA2] =	sst s2  }
0x8f: {  	_ = 	snop  }
0x90: {  	(tm) =	ssettm $0x1  }
0x91: {  	s17 =	sld [smem:$0x3FFB];
	_ =	sdelay $0x3  }
0x92: {  	_ =	strace s17  }
0x93: {  	s2 =	sld [smem:$0x3FFC];
	_ =	sdelay $0x3  }
0x94: {  	_ =	strace s2  }
0x95: {  	s2 =	sld [smem:$0x3FFD];
	_ =	sdelay $0x3  }
0x96: {  	_ =	strace s2  }
0x97: {  	_ =	strace $0x8FFFFFFF  }
0x98: {  	s18 =	sld [smem:$0x3FDB];
	_ =	sdelay $0x1  }
0x99: {  	s19 =	simm.s32 $_scs_section_size  }
0x9a: {  	s4 =	simm.s32 $_size__tile_overlayer_lowered;
	s5 =	simm.s32 $_tile_overlayer_lowered  }
0x9b: {  	s22 =	simm.s32 $0x1BFF;
	s21 =	sshll.u32 s5, $0x1;
	s2 =	sadd.s32 s19, s18  }
0x9c: {  	s6 =	simm.s32 $0x0;
	s20 =	sshll.u32 s4, $0x1;
	s4 =	sadd.s32 s21, s2  }
0x9d: {  	[timem:s6], [sflag:s22] =	dma.local [hbm:s4], s20  }
0x9e: {  	_ =	swait.ge [sflag:s22], s20  }
0x9f: {  	s3 =	ssub.s32 $0x0, s20;
	[sflag:s22] =	ssyncset.done $0x0  }
0xa0: {  	[sflag:s22] =	ssyncadd.s32 s3;
	_ =	sdelay $0x1  }
0xa1: {  	s23 =	simm.s32 $0x1B8B  }
0xa2: {  	_ =	swait.ge [sflag:s23], $0x1  }
0xa3: {  	[sflag:s23] =	ssyncset.done $0x0  }
0xa4: {  	s25 =	simm.s32 $0x1B8E;
	s24 =	sld [smem:$0x3FFE];
	[sflag:s23] =	ssyncadd.s32 $0xFFFFFFFF  }
0xa5: {  	s26 =	simm.s32 $execute0_lowered;
	[smem:$0x3FD2] =	sst s25  }
0xa6: {  	s4 =	sshll.u32 s26, $0x1;
	_ =	strace $0x8000004C;
	[dreg:$0x1] =	wrdreg $0xFFFFFFFF  }
0xa7: {  	s28 =	simm.s32 $_size_execute0_lowered;
	s2 =	sadd.s32 s2, s4;
	[dreg:$0x0] =	wrdreg $0x0  }
0xa8: {  	s4 =	sshll.u32 s28, $0x1;
	[dreg:$0x2] =	wrdreg s2  }
0xa9: {  	[dreg:$0x3] =	wrdreg s4  }
0xaa: {  	[dreg:$0x4] =	wrdreg $0xC0  }
0xab: {  	_ =	task [dreg:s6], $0x5FFFF  }
0xac: {  	[dreg:$0x1] =	wrdreg $0xFFFFFFFF  }
0xad: {  	[dreg:$0x0] =	wrdreg $0x60  }
0xae: {  	[dreg:$0x2] =	wrdreg s24  }
0xaf: {  	[dreg:$0x3] =	wrdreg $0xC  }
0xb0: {  	_ =	task.clear_ibuf [dreg:s6], $0x4FFFF;
	_ =	strace $0x9000004C  }
0xb1: {  	s29 =	simm.s32 $0xC;
	_ =	strace $0x8000004E  }
0xb2: {  	_ =	swait.ge [sflag:s29], $0x1  }
0xb3: {  	[sflag:s29] =	ssyncadd.s32 $0xFFFFFFFF  }
0xb4: {  	_ =	strace $0x9000004E  }
0xb5: {  	_ =	sfence  }
0xb6: {  	s30 =	sld [smem:$0x0];
	_ =	sdelay $0x2  }
0xb7: {  	s31 =	sshll.u32 s1, $0xD;
	s1 =	sshrl.u32 s1, $0x2  }
0xb8: {  	s3 =	sand.u32 $0x4000, s31;
	s1 =	sadd.s32 s1, s30  }
0xb9: {  	s0 =	sor.u32 s3, s0;
	s1 =	sshll.u32 s1, $0x11  }
0xba: {  	s0 =	sor.u32 s1, s0  }
0xbb: {  	s0 =	sadd.s32 $0x8F2B, s0  }
0xbc: {  	[sflag:s0] =	ssyncadd.remote.s32 $0x1  }
0xbd: {  	_ =	sfence.sel $0xFFFF  }
0xbe: {  	[dreg:$0x0] =	wrdreg $0xFFFFFFFF;
	(pc) =	sbr.abs _section_cstart, $3  }
0xbf: {  	[dreg:$0x1] =	wrdreg $0xFFFFFFFF  }
0xc0: {  	_ =	task.clear_ibuf [dreg:s6], $0x2FFFF;
	_ =	strace $0x9FFFFFFF  }
0xc1: {  	(tm) =	ssettm $0x7FFFFFFF  }
tec
execute0_lowered:
.L_overlay_start_1:
0x0: {  	(tag) =	ssettag $0x1  }
0x1: {  	s7 =	rddreg [dreg:$0x0]  }
0x2: {  	s0 =	rddreg [dreg:$0x1];
	_ =	strace $0x8000004D  }
0x3: {  	s1 =	srdreg.scid;
	s4 =	simm.s32 $0x1;
	s9 =	simm.s32 $0x3  }
0x4: {  	s12 =	simm.s32 $0x0;
	s10 =	simm.s32 $0x0;
	s5 =	sshll.u32 s1, $0x4  }
.Ltmp0:
0x5: {  	s1 =	stileid.u32;
	s5 =	sand.u32 $0x10, s5;
	(pc) =	sbr.rel .LBB2_1-.Ltmp0, $4  }
0x6: {  	s2 =	sadd.s32 $0x100C00, s7;
	s3 =	sadd.s32 $0x14DE00, s7;
	s6 =	sor.u32 s1, s5  }
0x7: {  	[sflag:s4] =	ssyncpa.u1 $0x0;
	s5 =	simm.s32 $0x2;
	s6 =	sshll.u32 s6, $0x6  }
0x8: {  	s7 =	sadd.s32 $0x20000, s7;
	[sflag:s5] =	ssyncpa.u1 $0x0;
	s8 =	sadd.s32 $0x40, s6  }
0x9: {  	vm0 =	vmmov $0xff;
	vm1 =	vcmask $0x3F20;
	[sflag:s9] =	ssyncpa.u1 $0x0;
	s9 =	simm.s32 $0x40;
	s11 =	smov.u32 s6  }
.LBB2_9:
0xa: {  	p0 =	seq.s32 s10, $0x2  }
.Ltmp1:
0xb: {  	_ = 	snop;
	(pc) =	sbr.rel @p0 .LBB2_11-.Ltmp1, $1  }
0xc: {  	_ =	sdelay $0x3  }
.LBB2_10:
0xd: {  	s12 =	sadd.s32 $0x40, s11  }
0xe: {  	s13 =	smov.u32 s6;
	p0 =	slt.s32 s12, s8  }
0xf: {  	s13 =	smov.u32 @p0 s12  }
0x10: {  	s10 =	sadd.s32 $0x1, s10;
	s12 =	smov.u32 s11;
	s11 =	smov.u32 s13  }
.LBB2_1:
0x11: {  	p0 =	sne.s32 s10, $0x0  }
.Ltmp2:
0x12: {  	_ = 	snop;
	(pc) =	sbr.rel @!p0 .LBB2_2-.Ltmp2, $1  }
0x13: {  	_ =	sdelay $0x3  }
0x14: {  	s13 =	sand.u32 $0x1, s10  }
0x15: {  	p0 =	seq.s32 s13, $0x0  }
.Ltmp3:
0x16: {  	_ = 	snop;
	(pc) =	sbr.rel @p0 .LBB2_9-.Ltmp3, $1  }
0x17: {  	_ =	sdelay $0x3  }
0x18: {  	_ =	swait.ge [sflag:s5], $0x40  }
0x19: {  	[sflag:s5] =	ssyncset.done $0x0  }
0x1a: {  	s13 =	simm.s32 $0x0;
	[sflag:s5] =	ssyncadd.s32 $0xFFFFFFC0  }
0x1b: {  	v0 =	vld.msk [tilespmem:s13+$0x40 ss:$0x1], $0xffff;
	_ =	sdelay $0x4  }
0x1c: {  	v1 =	vshll.u32 v0, $0x3  }
0x1d: {  	vm2 =	veq.s32 v0, $0x80000000;
	v0 =	vshll.u32 v0, $0x10;
	v1 =	vand.u32 $0xFF80, v1  }
0x1e: {  	v0 =	vand.u32 $0xF0000, v0;
	v1 =	vsel vm2, $0xFFFFFF80, v1  }
0x1f: {  	v0 =	vsel vm2, $0xFFFF0000, v0;
	v2 =	vand.u32 $0xFFFFFC00, v1  }
0x20: {  	v1 =	vand.u32 $0x380, v1;
	v0 =	vadd.s32 v0, v2  }
0x21: {  	v0 =	vor.u32 v1, v0  }
0x22: {  	v0 =	vshrl.u32 v0, $0x3;
	_ =	sdelay $0x3  }
0x23: {  	s13 =	simm.s32 $0x2080  }
0x24: {  	[tilespmem:s13], [sflag:$0x1] =	stream.indirect_vreg.gather [hbm:s2], $0x80, v0, vm0, $0x38;
	[tilespmem:$0x4080] =	vst v63  }
0x25: {  	s14 =	simm.s32 $0x2480;
	s31 =	simm.s32 $0x10  }
0x26: {  	[tilespmem:s14], [sflag:$0x1] =	stream.indirect_vreg.gather [hbm:s2], $0x80, v0, vm1, $0x38;
	[tilespmem:$0x4080] =	vst v63  }
0x27: {  	s14 =	simm.s32 $0x80;
	v0 =	vld.msk [tilespmem:s31+$0x40 ss:$0x1], $0xffff  }
.LBB2_5:
0x28: {  	p0 =	sne.s32 s14, $0xC0;
	_ =	sdelay $0x4  }
0x29: {  	v1 =	vshll.u32 v0, $0x3  }
0x2a: {  	vm2 =	veq.s32 v0, $0x80000000;
	v0 =	vshll.u32 v0, $0x10;
	v1 =	vand.u32 $0xFF80, v1  }
0x2b: {  	v0 =	vand.u32 $0xF0000, v0;
	v1 =	vsel vm2, $0xFFFFFF80, v1  }
0x2c: {  	v0 =	vsel vm2, $0xFFFF0000, v0;
	v2 =	vand.u32 $0xFFFFFC00, v1  }
0x2d: {  	v1 =	vand.u32 $0x380, v1;
	v0 =	vadd.s32 v0, v2  }
0x2e: {  	v0 =	vor.u32 v1, v0  }
0x2f: {  	v0 =	vshrl.u32 v0, $0x3;
	_ =	sdelay $0x3  }
.Ltmp4:
0x30: {  	s13 =	sadd.s32 $0x800, s13;
	(pc) =	sbr.rel @p0 .LBB2_5-.Ltmp4, $4  }
0x31: {  	[tilespmem:s13], [sflag:$0x1] =	stream.indirect_vreg.gather [hbm:s2], $0x80, v0, vm0, $0x38;
	[tilespmem:$0x4080] =	vst v63  }
0x32: {  	s15 =	sshra.s32 s14, $0x2;
	s16 =	sadd.s32 $0x400, s13  }
0x33: {  	[tilespmem:s16], [sflag:$0x1] =	stream.indirect_vreg.gather [hbm:s2], $0x80, v0, vm1, $0x38;
	[tilespmem:$0x4080] =	vst v63  }
0x34: {  	s14 =	sadd.s32 $0x40, s14;
	v0 =	vld.msk [tilespmem:s15+$0x40 ss:$0x1], $0xffff  }
0x35: {  	_ =	sdelay $0x3  }
0x36: {  	v1 =	vshll.u32 v0, $0x3  }
0x37: {  	vm2 =	veq.s32 v0, $0x80000000;
	v63 =	vshll.u32 v0, $0x10;
	v1 =	vand.u32 $0xFF80, v1  }
0x38: {  	v0 =	vand.u32 $0xF0000, v63;
	v1 =	vsel vm2, $0xFFFFFF80, v1  }
0x39: {  	v0 =	vsel vm2, $0xFFFF0000, v0;
	v2 =	vand.u32 $0xFFFFFC00, v1  }
0x3a: {  	v1 =	vand.u32 $0x380, v1;
	v0 =	vadd.s32 v0, v2  }
0x3b: {  	v0 =	vor.u32 v1, v0  }
0x3c: {  	v0 =	vshrl.u32 v0, $0x3;
	_ =	sdelay $0x3  }
0x3d: {  	s13 =	sadd.s32 $0x800, s13  }
0x3e: {  	[tilespmem:s13], [sflag:$0x1] =	stream.indirect_vreg.gather [hbm:s2], $0x80, v0, vm0, $0x38;
	[tilespmem:$0x4080] =	vst v63  }
0x3f: {  	s13 =	sadd.s32 $0x400, s13  }
0x40: {  	[tilespmem:s13], [sflag:$0x1] =	stream.indirect_vreg.gather [hbm:s2], $0x80, v0, vm1, $0x38;
	[tilespmem:$0x4080] =	vst v63  }
0x41: {  	s12 =	sshll.u32 s12, $0x4;
	s14 =	simm.s32 $0x80;
	_ =	swait.ge [sflag:s4], $0x2000  }
0x42: {  	s15 =	simm.s32 $0x2480;
	s12 =	sadd.s32 s12, s7;
	[sflag:s4] =	ssyncset.done $0x0  }
0x43: {  	s16 =	sadd.s32 $0x0, s12;
	s13 =	simm.s32 $0x2080;
	[sflag:s4] =	ssyncadd.s32 $0xFFFFE000  }
.LBB2_7:
0x44: {  	[hbm:s16] =	stream.linear.scatter [tilespmem:s13], [sflag:$0x3], $0x400, $0x38;
	[tilespmem:$0x4080] =	vst v63  }
0x45: {  	s16 =	smov.u32 s14;
	s13 =	smov.u32 s15;
	p0 =	sne.s32 s14, $0x380  }
.Ltmp5:
0x46: {  	s14 =	sadd.s32 $0x80, s14;
	(pc) =	sbr.rel @p0 .LBB2_7-.Ltmp5, $2  }
0x47: {  	_ =	sdelay $0x2  }
0x48: {  	s15 =	sadd.s32 $0x400, s15;
	s16 =	sadd.s32 s16, s12  }
.Ltmp6:
0x49: {  	(pc) =	sbr.rel .LBB2_9-.Ltmp6, $2  }
0x4a: {  	_ =	sdelay $0x2  }
0x4b: {  	[hbm:s16] =	stream.linear.scatter [tilespmem:s13], [sflag:$0x3], $0x400, $0x38;
	[tilespmem:$0x4080] =	vst v63  }
.LBB2_2:
.Ltmp7:
0x4c: {  	(pc) =	sbr.rel .LBB2_10-.Ltmp7, $4  }
0x4d: {  	_ = 	snop  }
0x4e: {  	s12 =	sshrl.u32 s11, $0x3  }
0x4f: {  	s13 =	sand.u32 $0x7, s11;
	s12 =	sadd.s32 s3, s12  }
0x50: {  	[tilespmem:s9], [sflag:$0x2] =	stream.linear.gather [hbm4b:s12+s13], $0x40, $0x38;
	[tilespmem:$0x4080] =	vst v63  }
.LBB2_11:
0x51: {  	s2 =	simm.s32 $0x3  }
0x52: {  	_ =	swait.ge [sflag:s2], $0x2000  }
0x53: {  	[sflag:s2] =	ssyncset.done $0x0  }
0x54: {  	[sflag:s2] =	ssyncadd.s32 $0xFFFFE000  }
0x55: {  	_ =	sfence.sel $0x180000  }
0x56: {  	s3 =	simm.s32 $0x2;
	[bflag:$0x0] =	sbarrier.arrive $0xFFFF  }
0x57: {  	[sflag:s3] =	ssyncpa.u1 $0x1  }
0x58: {  	s31 =	simm.s32 $0x1;
	[sflag:s2] =	ssyncpa.u1 $0x1  }
0x59: {  	[sflag:s31] =	ssyncpa.u1 $0x1  }
0x5a: {  	p0 =	sne.s32 s1, $0x0;
	_ =	strace $0x9000004D  }
0x5b: {  	s0 =	sadd.s32 @!p0 $0x100000, s0;
	[bflag:$0x2] =	sbarrier.arrive $0xFFFF  }
0x5c: {  	[sflag:s0] =	ssyncadd.tile.s32 @!p0 $0x1;
	_ =	shalt  }
.Lfunc_end2:
_tile_overlayer_lowered:
.L_overlay_start_2:
0x5d: {  	(tag) =	ssettag $0x2  }
0x5e: {  	s0 =	rddreg [dreg:$0x0];
	s2 =	stileid.u32  }
0x5f: {  	s1 =	rddreg [dreg:$0x1];
	p0 =	sne.s32 s2, $0x0  }
0x60: {  	s3 =	rddreg [dreg:$0x2];
	[bflag:$0x3] =	sbarrier.arrive $0xFFFF;
	s2 =	simm.s32 @!p0 $0x1C01  }
0x61: {  	[timem:s3], [sflag:s2] =	dma.local @!p0 [hbm:s0], s1  }
0x62: {  	s0 =	simm.s32 @!p0 $0x1  }
0x63: {  	_ =	swait.ge @!p0 [sflag:s0], s1  }
0x64: {  	s1 =	ssub.s32 @!p0 $0x0, s1;
	[sflag:s0] =	ssyncset.done @!p0 $0x0  }
0x65: {  	[sflag:s0] =	ssyncadd.s32 @!p0 s1  }
0x66: {  	[bflag:$0x3] =	sbarrier.arrive $0xFFFF  }
0x67: {  	_ =	shalt  }

// kernel: gather_offload_async_start
scs
__scs_entry_jumppad:
0x0: {  	(pc) =	sbr.rel $0x88, $3  }
0x1: {  	(tag) =	ssettag $0x0;
	lr =	simm.s32 $0x1  }
0x2: {  	[smem:$0x3F7B] =	sst lr;
	_ =	strace $0xD0000000  }
0x3: {  	_ = 	snop  }
0x4: {  	_ = 	snop  }
0x5: {  	_ = 	snop  }
0x6: {  	_ = 	snop  }
0x7: {  	_ = 	snop  }
__scs_overlays_trampoline_lowered:
0x8: {  	[smem:$0x3F8A] =	sst s0  }
0x9: {  	[smem:$0x3F8B] =	sst s1  }
0xa: {  	[smem:$0x3F8C] =	sst s2  }
0xb: {  	[smem:$0x3F8D] =	sst s3  }
0xc: {  	[smem:$0x3F8E] =	sst s4  }
0xd: {  	[smem:$0x3F8F] =	sst s5  }
0xe: {  	[smem:$0x3F90] =	sst s6  }
0xf: {  	[smem:$0x3F91] =	sst s7  }
0x10: {  	[smem:$0x3F92] =	sst s8  }
0x11: {  	[smem:$0x3F93] =	sst s9;
	s0 =	simm.s32 @!p0 $0x0  }
0x12: {  	s1 =	sld [smem:$0x3F79];
	s0 =	simm.s32 @p0 $0x1  }
0x13: {  	[smem:$0x3F94] =	sst s0;
	s0 =	simm.s32 @!p1 $0x0  }
0x14: {  	s2 =	sld [smem:$0x3F78];
	s0 =	simm.s32 @p1 $0x1  }
0x15: {  	[smem:$0x3F95] =	sst s0;
	s0 =	simm.s32 @!p2 $0x0  }
0x16: {  	s3 =	sld [smem:$0x3FDB];
	s0 =	simm.s32 @p2 $0x1  }
0x17: {  	s4 =	simm.s32 $0x1BF5;
	[smem:$0x3F97] =	sst s0  }
0x18: {  	s0 =	sld [smem:$0x3F7A];
	_ =	swait.ge [sflag:s4], $0x0  }
0x19: {  	s7 =	sld [smem:$0x3F7B]  }
0x1a: {  	s8 =	sadd.s32 $0xFFFFE003, lr  }
0x1b: {  	s9 =	sadd.s32 $0xFFFFFEF7, lr;
	s5 =	simm.s32 $0xFFFFFFFF;
	p2 =	slt.u32 s8, $0xFFFFF086  }
0x1c: {  	p1 =	slt.u32 s9, $0xF7A;
	s5 =	simm.s32 @!p2 $0x0  }
0x1d: {  	s5 =	simm.s32 @p1 $0x1;
	p0 =	seq.s32 s7, s2  }
0x1e: {  	s7 =	smul.u32 @!p0 $0xF7A, s2;
	p2 =	seq.s32 @!p0 s5, $0x0  }
0x1f: {  	s9 =	smul.u32 $0xF7A, s1;
	s8 =	simm.s32 @!p0 $0x1BF5;
	p2 =	por !p2, p0  }
0x20: {  	[sflag:s8] =	ssyncset.s32 @!p0 $0xFFFFF086;
	s6 =	sadd.s32 @!p0 s3, s7;
	s7 =	simm.s32 @!p0 $0x108  }
0x21: {  	s3 =	sadd.s32 s3, s9;
	s6 =	sadd.s32 @!p0 $0x88, s6;
	s7 =	simm.s32 @p2 $0x1082  }
0x22: {  	[simem:s7], [sflag:s8] =	dma.local @!p0 [hbm:s6], $0xF7A  }
0x23: {  	s9 =	sor.u32 $0xD0000000, s2;
	s6 =	simm.s32 $0x108;
	_ =	swait.ge @!p0 [sflag:s8], $0x0  }
0x24: {  	s3 =	sadd.s32 $0x88, s3;
	s6 =	simm.s32 @!p1 $0x1082;
	[sflag:s4] =	ssyncset.s32 $0xFFFFF086  }
0x25: {  	[simem:s6], [sflag:s4] =	dma.local [hbm:s3], $0xF7A  }
0x26: {  	[smem:$0x3F7B] =	sst s1;
	(tag) =	ssettag s2;
	_ =	strace s9  }
0x27: {  	s1 =	sld [smem:$0x3F8B]  }
0x28: {  	s2 =	sld [smem:$0x3F8C]  }
0x29: {  	s4 =	sld [smem:$0x3F8E]  }
0x2a: {  	p0 =	seq.s32 s5, $0x0;
	s5 =	sld [smem:$0x3F8F]  }
0x2b: {  	s6 =	sld [smem:$0x3F90]  }
0x2c: {  	s7 =	sld [smem:$0x3F91]  }
0x2d: {  	s3 =	simm.s32 $0x108;
	s8 =	sld [smem:$0x3F92]  }
0x2e: {  	s3 =	simm.s32 @!p0 $0x1082;
	s9 =	sld [smem:$0x3F93]  }
0x2f: {  	lr =	sadd.s32 s0, s3;
	s0 =	sld [smem:$0x3F8A]  }
0x30: {  	s3 =	sld [smem:$0x3F8D]  }
0x31: {  	[smem:$0x3F96] =	sst s10  }
0x32: {  	s10 =	sld [smem:$0x3F94];
	_ =	sdelay $0x3  }
0x33: {  	p0 =	seq.s32 s10, $0x1;
	s10 =	sld [smem:$0x3F96];
	_ =	sdelay $0x3  }
0x34: {  	[smem:$0x3F96] =	sst s10  }
0x35: {  	s10 =	sld [smem:$0x3F95];
	_ =	sdelay $0x3  }
0x36: {  	p1 =	seq.s32 s10, $0x1;
	s10 =	sld [smem:$0x3F96];
	_ =	sdelay $0x3  }
0x37: {  	[smem:$0x3F96] =	sst s10  }
0x38: {  	s10 =	sld [smem:$0x3F97]  }
0x39: {  	_ = 	snop;
	(pc) =	sbr.ind lr, $3  }
0x3a: {  	_ = 	snop  }
0x3b: {  	_ = 	snop  }
0x3c: {  	p2 =	seq.s32 s10, $0x1;
	s10 =	sld [smem:$0x3F96]  }
0x3d: {  	_ =	shalt  }
0x3e: {  	_ =	shalt  }
0x3f: {  	_ =	shalt  }
0x40: {  	_ =	shalt  }
0x41: {  	_ =	shalt  }
0x42: {  	_ =	shalt  }
0x43: {  	_ =	shalt  }
0x44: {  	_ =	shalt  }
0x45: {  	_ =	shalt  }
0x46: {  	_ =	shalt  }
0x47: {  	_ =	shalt  }
0x48: {  	_ =	shalt  }
0x49: {  	_ =	shalt  }
0x4a: {  	_ =	shalt  }
0x4b: {  	_ =	shalt  }
0x4c: {  	_ =	shalt  }
0x4d: {  	_ =	shalt  }
0x4e: {  	_ =	shalt  }
0x4f: {  	_ =	shalt  }
0x50: {  	_ =	shalt  }
0x51: {  	_ =	shalt  }
0x52: {  	_ =	shalt  }
0x53: {  	_ =	shalt  }
0x54: {  	_ =	shalt  }
0x55: {  	_ =	shalt  }
0x56: {  	_ =	shalt  }
0x57: {  	_ =	shalt  }
0x58: {  	_ =	shalt  }
0x59: {  	_ =	shalt  }
0x5a: {  	_ =	shalt  }
0x5b: {  	_ =	shalt  }
0x5c: {  	_ =	shalt  }
0x5d: {  	_ =	shalt  }
0x5e: {  	_ =	shalt  }
0x5f: {  	_ =	shalt  }
0x60: {  	_ =	shalt  }
0x61: {  	_ =	shalt  }
0x62: {  	_ =	shalt  }
0x63: {  	_ =	shalt  }
0x64: {  	_ =	shalt  }
0x65: {  	_ =	shalt  }
0x66: {  	_ =	shalt  }
0x67: {  	_ =	shalt  }
0x68: {  	_ =	shalt  }
0x69: {  	_ =	shalt  }
0x6a: {  	_ =	shalt  }
0x6b: {  	_ =	shalt  }
0x6c: {  	_ =	shalt  }
0x6d: {  	_ =	shalt  }
0x6e: {  	_ =	shalt  }
0x6f: {  	_ =	shalt  }
0x70: {  	_ =	shalt  }
0x71: {  	_ =	shalt  }
0x72: {  	_ =	shalt  }
0x73: {  	_ =	shalt  }
0x74: {  	_ =	shalt  }
0x75: {  	_ =	shalt  }
0x76: {  	_ =	shalt  }
0x77: {  	_ =	shalt  }
0x78: {  	_ =	shalt  }
0x79: {  	_ =	shalt  }
0x7a: {  	_ =	shalt  }
0x7b: {  	_ =	shalt  }
0x7c: {  	_ =	shalt  }
0x7d: {  	_ =	shalt  }
0x7e: {  	_ =	shalt  }
0x7f: {  	_ =	shalt  }
0x80: {  	_ =	shalt  }
0x81: {  	_ =	shalt  }
0x82: {  	_ =	shalt  }
0x83: {  	_ =	shalt  }
0x84: {  	_ =	shalt  }
0x85: {  	_ =	shalt  }
0x86: {  	_ =	shalt  }
0x87: {  	_ =	shalt  }
.Lfunc_end0:
.L_simem_size_0:
called_computation.2_lowered:
.L_overlay_start_0:
0x88: {  	s2 =	sld [smem:$0x3FD9]  }
0x89: {  	s3 =	sld [smem:$0x3FFE];
	_ =	sdelay $0x1  }
0x8a: {  	s1 =	srdreg.scid  }
0x8b: {  	s0 =	sand.u32 $0x1, s1  }
0x8c: {  	s16 =	sshll.u32 s0, $0xA;
	s2 =	sadd.s32 s3, s2  }
0x8d: {  	s2 =	sadd.s32 s2, s16  }
0x8e: {  	[smem:$0x3FA2] =	sst s2  }
0x8f: {  	_ = 	snop  }
0x90: {  	(tm) =	ssettm $0x1  }
0x91: {  	s17 =	sld [smem:$0x3FFB];
	_ =	sdelay $0x3  }
0x92: {  	_ =	strace s17  }
0x93: {  	s2 =	sld [smem:$0x3FFC];
	_ =	sdelay $0x3  }
0x94: {  	_ =	strace s2  }
0x95: {  	s2 =	sld [smem:$0x3FFD];
	_ =	sdelay $0x3  }
0x96: {  	_ =	strace s2  }
0x97: {  	_ =	strace $0x8FFFFFFF  }
0x98: {  	s18 =	sld [smem:$0x3FDB];
	_ =	sdelay $0x1  }
0x99: {  	s19 =	simm.s32 $_scs_section_size  }
0x9a: {  	s4 =	simm.s32 $_size__tile_overlayer_lowered;
	s5 =	simm.s32 $_tile_overlayer_lowered  }
0x9b: {  	s22 =	simm.s32 $0x1BFF;
	s21 =	sshll.u32 s5, $0x1;
	s2 =	sadd.s32 s19, s18  }
0x9c: {  	s6 =	simm.s32 $0x0;
	s20 =	sshll.u32 s4, $0x1;
	s4 =	sadd.s32 s21, s2  }
0x9d: {  	[timem:s6], [sflag:s22] =	dma.local [hbm:s4], s20  }
0x9e: {  	_ =	swait.ge [sflag:s22], s20  }
0x9f: {  	s3 =	ssub.s32 $0x0, s20;
	[sflag:s22] =	ssyncset.done $0x0  }
0xa0: {  	[sflag:s22] =	ssyncadd.s32 s3;
	_ =	sdelay $0x1  }
0xa1: {  	s23 =	simm.s32 $0x1B8B  }
0xa2: {  	_ =	swait.ge [sflag:s23], $0x1  }
0xa3: {  	[sflag:s23] =	ssyncset.done $0x0  }
0xa4: {  	s25 =	simm.s32 $0x1B8E;
	s24 =	sld [smem:$0x3FFE];
	[sflag:s23] =	ssyncadd.s32 $0xFFFFFFFF  }
0xa5: {  	s26 =	simm.s32 $execute0_lowered;
	[smem:$0x3FD2] =	sst s25  }
0xa6: {  	s4 =	sshll.u32 s26, $0x1;
	_ =	strace $0x80000049;
	[dreg:$0x1] =	wrdreg $0xFFFFFFFF  }
0xa7: {  	s28 =	simm.s32 $_size_execute0_lowered;
	s2 =	sadd.s32 s2, s4;
	[dreg:$0x0] =	wrdreg $0x0  }
0xa8: {  	s4 =	sshll.u32 s28, $0x1;
	[dreg:$0x2] =	wrdreg s2  }
0xa9: {  	[dreg:$0x3] =	wrdreg s4  }
0xaa: {  	[dreg:$0x4] =	wrdreg $0xC0  }
0xab: {  	_ =	task [dreg:s6], $0x5FFFF  }
0xac: {  	[dreg:$0x1] =	wrdreg $0xFFFFFFFF  }
0xad: {  	[dreg:$0x0] =	wrdreg $0x60  }
0xae: {  	[dreg:$0x2] =	wrdreg s24  }
0xaf: {  	[dreg:$0x3] =	wrdreg $0x9  }
0xb0: {  	_ =	task.clear_ibuf [dreg:s6], $0x4FFFF;
	_ =	strace $0x90000049  }
0xb1: {  	s29 =	simm.s32 $0x9;
	_ =	strace $0x8000004B  }
0xb2: {  	_ =	swait.ge [sflag:s29], $0x1  }
0xb3: {  	[sflag:s29] =	ssyncadd.s32 $0xFFFFFFFF  }
0xb4: {  	_ =	strace $0x9000004B  }
0xb5: {  	_ =	sfence  }
0xb6: {  	s30 =	sld [smem:$0x0];
	_ =	sdelay $0x2  }
0xb7: {  	s31 =	sshll.u32 s1, $0xD;
	s1 =	sshrl.u32 s1, $0x2  }
0xb8: {  	s3 =	sand.u32 $0x4000, s31;
	s1 =	sadd.s32 s1, s30  }
0xb9: {  	s0 =	sor.u32 s3, s0;
	s1 =	sshll.u32 s1, $0x11  }
0xba: {  	s0 =	sor.u32 s1, s0  }
0xbb: {  	s0 =	sadd.s32 $0x8F2B, s0  }
0xbc: {  	[sflag:s0] =	ssyncadd.remote.s32 $0x1  }
0xbd: {  	_ =	sfence.sel $0xFFFF  }
0xbe: {  	[dreg:$0x0] =	wrdreg $0xFFFFFFFF;
	(pc) =	sbr.abs _section_cstart, $3  }
0xbf: {  	[dreg:$0x1] =	wrdreg $0xFFFFFFFF  }
0xc0: {  	_ =	task.clear_ibuf [dreg:s6], $0x2FFFF;
	_ =	strace $0x9FFFFFFF  }
0xc1: {  	(tm) =	ssettm $0x7FFFFFFF  }
tec
execute0_lowered:
.L_overlay_start_1:
0x0: {  	(tag) =	ssettag $0x1  }
0x1: {  	s2 =	rddreg [dreg:$0x0]  }
0x2: {  	s0 =	rddreg [dreg:$0x1]  }
0x3: {  	s1 =	srdreg.scid;
	_ =	strace $0x8000004A;
	s4 =	simm.s32 $0x1  }
0x4: {  	s9 =	simm.s32 $0x3;
	s12 =	simm.s32 $0x0;
	s5 =	sshll.u32 s1, $0x4  }
.Ltmp0:
0x5: {  	s1 =	stileid.u32;
	s5 =	sand.u32 $0x10, s5;
	(pc) =	sbr.rel .LBB2_1-.Ltmp0, $4  }
0x6: {  	s10 =	simm.s32 $0x0;
	s3 =	sadd.s32 $0x80400, s2;
	s6 =	sor.u32 s1, s5  }
0x7: {  	[sflag:s4] =	ssyncpa.u1 $0x0;
	s5 =	simm.s32 $0x2;
	s6 =	sshll.u32 s6, $0x8  }
0x8: {  	s7 =	sadd.s32 $0x14DE00, s2;
	[sflag:s5] =	ssyncpa.u1 $0x0;
	s8 =	sadd.s32 $0x100, s6  }
0x9: {  	vm0 =	vmmov $0xff;
	vm1 =	vcmask $0x3F20;
	[sflag:s9] =	ssyncpa.u1 $0x0;
	s9 =	simm.s32 $0x100;
	s11 =	smov.u32 s6  }
.LBB2_9:
0xa: {  	p0 =	seq.s32 s10, $0x2  }
.Ltmp1:
0xb: {  	_ = 	snop;
	(pc) =	sbr.rel @p0 .LBB2_11-.Ltmp1, $1  }
0xc: {  	_ =	sdelay $0x3  }
.LBB2_10:
0xd: {  	s12 =	sadd.s32 $0x100, s11  }
0xe: {  	s13 =	smov.u32 s6;
	p0 =	slt.s32 s12, s8  }
0xf: {  	s13 =	smov.u32 @p0 s12  }
0x10: {  	s10 =	sadd.s32 $0x1, s10;
	s12 =	smov.u32 s11;
	s11 =	smov.u32 s13  }
.LBB2_1:
0x11: {  	p0 =	sne.s32 s10, $0x0  }
.Ltmp2:
0x12: {  	_ = 	snop;
	(pc) =	sbr.rel @!p0 .LBB2_2-.Ltmp2, $1  }
0x13: {  	_ =	sdelay $0x3  }
0x14: {  	s13 =	sand.u32 $0x1, s10  }
0x15: {  	p0 =	seq.s32 s13, $0x0  }
.Ltmp3:
0x16: {  	_ = 	snop;
	(pc) =	sbr.rel @p0 .LBB2_9-.Ltmp3, $1  }
0x17: {  	_ =	sdelay $0x3  }
0x18: {  	_ =	swait.ge [sflag:s5], $0x100  }
0x19: {  	[sflag:s5] =	ssyncset.done $0x0  }
0x1a: {  	s13 =	simm.s32 $0x0;
	[sflag:s5] =	ssyncadd.s32 $0xFFFFFF00  }
0x1b: {  	v0 =	vld.msk [tilespmem:s13+$0x100 ss:$0x1], $0xffff;
	_ =	sdelay $0x4  }
0x1c: {  	v1 =	vshll.u32 v0, $0x3  }
0x1d: {  	vm2 =	veq.s32 v0, $0x80000000;
	v0 =	vshll.u32 v0, $0x11;
	v1 =	vand.u32 $0x1FF80, v1  }
0x1e: {  	v0 =	vand.u32 $0x1E0000, v0;
	v1 =	vsel vm2, $0xFFFFFF80, v1  }
0x1f: {  	v0 =	vsel vm2, $0xFFFE0000, v0;
	v2 =	vand.u32 $0xFFFFFC00, v1  }
0x20: {  	v1 =	vand.u32 $0x380, v1;
	v0 =	vadd.s32 v0, v2  }
0x21: {  	v0 =	vor.u32 v1, v0  }
0x22: {  	v0 =	vshrl.u32 v0, $0x3;
	_ =	sdelay $0x3  }
0x23: {  	s13 =	simm.s32 $0x8200  }
0x24: {  	[tilespmem:s13], [sflag:$0x1] =	stream.indirect_vreg.gather [hbm:s3], $0x80, v0, vm0, $0x38;
	[tilespmem:$0x10200] =	vst v63  }
0x25: {  	s14 =	simm.s32 $0x8600;
	s31 =	simm.s32 $0x10  }
0x26: {  	[tilespmem:s14], [sflag:$0x1] =	stream.indirect_vreg.gather [hbm:s3], $0x80, v0, vm1, $0x38;
	[tilespmem:$0x10200] =	vst v63  }
0x27: {  	s14 =	simm.s32 $0x80;
	v0 =	vld.msk [tilespmem:s31+$0x100 ss:$0x1], $0xffff  }
.LBB2_5:
0x28: {  	p0 =	sne.s32 s14, $0x3C0;
	_ =	sdelay $0x4  }
0x29: {  	v1 =	vshll.u32 v0, $0x3  }
0x2a: {  	vm2 =	veq.s32 v0, $0x80000000;
	v0 =	vshll.u32 v0, $0x11;
	v1 =	vand.u32 $0x1FF80, v1  }
0x2b: {  	v0 =	vand.u32 $0x1E0000, v0;
	v1 =	vsel vm2, $0xFFFFFF80, v1  }
0x2c: {  	v0 =	vsel vm2, $0xFFFE0000, v0;
	v2 =	vand.u32 $0xFFFFFC00, v1  }
0x2d: {  	v1 =	vand.u32 $0x380, v1;
	v0 =	vadd.s32 v0, v2  }
0x2e: {  	v0 =	vor.u32 v1, v0  }
0x2f: {  	v0 =	vshrl.u32 v0, $0x3;
	_ =	sdelay $0x3  }
.Ltmp4:
0x30: {  	s13 =	sadd.s32 $0x800, s13;
	(pc) =	sbr.rel @p0 .LBB2_5-.Ltmp4, $4  }
0x31: {  	[tilespmem:s13], [sflag:$0x1] =	stream.indirect_vreg.gather [hbm:s3], $0x80, v0, vm0, $0x38;
	[tilespmem:$0x10200] =	vst v63  }
0x32: {  	s15 =	sshra.s32 s14, $0x2;
	s16 =	sadd.s32 $0x400, s13  }
0x33: {  	[tilespmem:s16], [sflag:$0x1] =	stream.indirect_vreg.gather [hbm:s3], $0x80, v0, vm1, $0x38;
	[tilespmem:$0x10200] =	vst v63  }
0x34: {  	s14 =	sadd.s32 $0x40, s14;
	v0 =	vld.msk [tilespmem:s15+$0x100 ss:$0x1], $0xffff  }
0x35: {  	_ =	sdelay $0x3  }
0x36: {  	v1 =	vshll.u32 v0, $0x3  }
0x37: {  	vm2 =	veq.s32 v0, $0x80000000;
	v63 =	vshll.u32 v0, $0x11;
	v1 =	vand.u32 $0x1FF80, v1  }
0x38: {  	v0 =	vand.u32 $0x1E0000, v63;
	v1 =	vsel vm2, $0xFFFFFF80, v1  }
0x39: {  	v0 =	vsel vm2, $0xFFFE0000, v0;
	v2 =	vand.u32 $0xFFFFFC00, v1  }
0x3a: {  	v1 =	vand.u32 $0x380, v1;
	v0 =	vadd.s32 v0, v2  }
0x3b: {  	v0 =	vor.u32 v1, v0  }
0x3c: {  	v0 =	vshrl.u32 v0, $0x3;
	_ =	sdelay $0x3  }
0x3d: {  	s13 =	sadd.s32 $0x800, s13  }
0x3e: {  	[tilespmem:s13], [sflag:$0x1] =	stream.indirect_vreg.gather [hbm:s3], $0x80, v0, vm0, $0x38;
	[tilespmem:$0x10200] =	vst v63  }
0x3f: {  	s13 =	sadd.s32 $0x400, s13  }
0x40: {  	[tilespmem:s13], [sflag:$0x1] =	stream.indirect_vreg.gather [hbm:s3], $0x80, v0, vm1, $0x38;
	[tilespmem:$0x10200] =	vst v63  }
0x41: {  	s12 =	sshll.u32 s12, $0x4;
	s14 =	simm.s32 $0x80;
	_ =	swait.ge [sflag:s4], $0x8000  }
0x42: {  	s15 =	simm.s32 $0x8600;
	s12 =	sadd.s32 s12, s2;
	[sflag:s4] =	ssyncset.done $0x0  }
0x43: {  	s16 =	sadd.s32 $0x0, s12;
	s13 =	simm.s32 $0x8200;
	[sflag:s4] =	ssyncadd.s32 $0xFFFF8000  }
.LBB2_7:
0x44: {  	[hbm:s16] =	stream.linear.scatter [tilespmem:s13], [sflag:$0x3], $0x400, $0x38;
	[tilespmem:$0x10200] =	vst v63  }
0x45: {  	s16 =	smov.u32 s14;
	s13 =	smov.u32 s15;
	p0 =	sne.s32 s14, $0xF80  }
.Ltmp5:
0x46: {  	s14 =	sadd.s32 $0x80, s14;
	(pc) =	sbr.rel @p0 .LBB2_7-.Ltmp5, $2  }
0x47: {  	_ =	sdelay $0x2  }
0x48: {  	s15 =	sadd.s32 $0x400, s15;
	s16 =	sadd.s32 s16, s12  }
.Ltmp6:
0x49: {  	(pc) =	sbr.rel .LBB2_9-.Ltmp6, $2  }
0x4a: {  	_ =	sdelay $0x2  }
0x4b: {  	[hbm:s16] =	stream.linear.scatter [tilespmem:s13], [sflag:$0x3], $0x400, $0x38;
	[tilespmem:$0x10200] =	vst v63  }
.LBB2_2:
.Ltmp7:
0x4c: {  	(pc) =	sbr.rel .LBB2_10-.Ltmp7, $4  }
0x4d: {  	_ = 	snop  }
0x4e: {  	s12 =	sshrl.u32 s11, $0x3  }
0x4f: {  	s13 =	sand.u32 $0x7, s11;
	s12 =	sadd.s32 s7, s12  }
0x50: {  	[tilespmem:s9], [sflag:$0x2] =	stream.linear.gather [hbm4b:s12+s13], $0x100, $0x38;
	[tilespmem:$0x10200] =	vst v63  }
.LBB2_11:
0x51: {  	s2 =	simm.s32 $0x3  }
0x52: {  	_ =	swait.ge [sflag:s2], $0x8000  }
0x53: {  	[sflag:s2] =	ssyncset.done $0x0  }
0x54: {  	[sflag:s2] =	ssyncadd.s32 $0xFFFF8000  }
0x55: {  	_ =	sfence.sel $0x180000  }
0x56: {  	s3 =	simm.s32 $0x2;
	[bflag:$0x0] =	sbarrier.arrive $0xFFFF  }
0x57: {  	[sflag:s3] =	ssyncpa.u1 $0x1  }
0x58: {  	s31 =	simm.s32 $0x1;
	[sflag:s2] =	ssyncpa.u1 $0x1  }
0x59: {  	[sflag:s31] =	ssyncpa.u1 $0x1  }
0x5a: {  	p0 =	sne.s32 s1, $0x0;
	_ =	strace $0x9000004A  }
0x5b: {  	s0 =	sadd.s32 @!p0 $0x100000, s0;
	[bflag:$0x2] =	sbarrier.arrive $0xFFFF  }
0x5c: {  	[sflag:s0] =	ssyncadd.tile.s32 @!p0 $0x1;
	_ =	shalt  }
.Lfunc_end2:
_tile_overlayer_lowered:
.L_overlay_start_2:
0x5d: {  	(tag) =	ssettag $0x2  }
0x5e: {  	s0 =	rddreg [dreg:$0x0];
	s2 =	stileid.u32  }
0x5f: {  	s1 =	rddreg [dreg:$0x1];
	p0 =	sne.s32 s2, $0x0  }
0x60: {  	s3 =	rddreg [dreg:$0x2];
	[bflag:$0x3] =	sbarrier.arrive $0xFFFF;
	s2 =	simm.s32 @!p0 $0x1C01  }
0x61: {  	[timem:s3], [sflag:s2] =	dma.local @!p0 [hbm:s0], s1  }
0x62: {  	s0 =	simm.s32 @!p0 $0x1  }
0x63: {  	_ =	swait.ge @!p0 [sflag:s0], s1  }
0x64: {  	s1 =	ssub.s32 @!p0 $0x0, s1;
	[sflag:s0] =	ssyncset.done @!p0 $0x0  }
0x65: {  	[sflag:s0] =	ssyncadd.s32 @!p0 s1  }
0x66: {  	[bflag:$0x3] =	sbarrier.arrive $0xFFFF  }
0x67: {  	_ =	shalt  }

// kernel: sparse-core-data-format-call.1.cloned.1.call-start
scs
called_computation.1_lowered:
.L_overlay_start_0:
0x0: {  	s2 =	sld [smem:$0x3FD9]  }
0x1: {  	s3 =	sld [smem:$0x3FFE];
	_ =	sdelay $0x1  }
0x2: {  	s1 =	srdreg.scid  }
0x3: {  	s0 =	sand.u32 $0x1, s1  }
0x4: {  	s18 =	sshll.u32 s0, $0xA;
	s2 =	sadd.s32 s3, s2  }
0x5: {  	s2 =	sadd.s32 s2, s18  }
0x6: {  	[smem:$0x3FA2] =	sst s2  }
0x7: {  	_ = 	snop  }
0x8: {  	(tm) =	ssettm $0x1  }
0x9: {  	s19 =	sld [smem:$0x3FFB];
	_ =	sdelay $0x3  }
0xa: {  	_ =	strace s19  }
0xb: {  	s2 =	sld [smem:$0x3FFC];
	_ =	sdelay $0x3  }
0xc: {  	_ =	strace s2  }
0xd: {  	s2 =	sld [smem:$0x3FFD];
	_ =	sdelay $0x3  }
0xe: {  	_ =	strace s2  }
0xf: {  	_ =	strace $0x8FFFFFFF  }
0x10: {  	s20 =	sld [smem:$0x3FDB];
	_ =	sdelay $0x1  }
0x11: {  	s21 =	simm.s32 $_scs_section_size  }
0x12: {  	s4 =	simm.s32 $_size__tile_overlayer_lowered;
	s5 =	simm.s32 $_tile_overlayer_lowered  }
0x13: {  	s6 =	simm.s32 $0x1BFF;
	s22 =	sshll.u32 s5, $0x1;
	s3 =	sadd.s32 s21, s20  }
0x14: {  	s23 =	simm.s32 $0x0;
	s4 =	sshll.u32 s4, $0x1;
	s5 =	sadd.s32 s22, s3  }
0x15: {  	[timem:s23], [sflag:s6] =	dma.local [hbm:s5], s4  }
0x16: {  	_ =	swait.ge [sflag:s6], s4  }
0x17: {  	s4 =	ssub.s32 $0x0, s4;
	[sflag:s6] =	ssyncset.done $0x0  }
0x18: {  	[sflag:s6] =	ssyncadd.s32 s4;
	_ =	sdelay $0x1  }
0x19: {  	s24 =	simm.s32 $0x1B8B  }
0x1a: {  	_ =	swait.ge [sflag:s24], $0x1  }
0x1b: {  	[sflag:s24] =	ssyncset.done $0x0  }
0x1c: {  	[sflag:s24] =	ssyncadd.s32 $0xFFFFFFFF  }
0x1d: {  	s4 =	sld [smem:$0x0]  }
0x1e: {  	s5 =	sand.u32 $0xFFFFFFFE, s1  }
0x1f: {  	p0 =	sne.s32 s1, s5  }
0x20: {  	s5 =	sshll.u32 @p0 s5, $0xE  }
0x21: {  	s5 =	sadd.s32 @p0 $0x11B8D, s5;
	s6 =	sshll.u32 @p0 s4, $0x11  }
0x22: {  	s5 =	sor.u32 @p0 s6, s5  }
0x23: {  	[sflag:s5] =	ssyncadd.remote.s32 @p0 $0x1;
	_ =	sdelay $0x1  }
0x24: {  	s5 =	simm.s32 @p0 $0x1B8D  }
0x25: {  	_ =	swait.eq @p0 [sflag:s5], $0x1  }
0x26: {  	[sflag:s5] =	ssyncadd.s32 @p0 $0xFFFFFFFF  }
0x27: {  	s6 =	sshll.u32 @!p0 s1, $0xE  }
0x28: {  	s6 =	sor.u32 @!p0 $0x4000, s6;
	s5 =	simm.s32 @!p0 $0x1B8D  }
0x29: {  	s4 =	sshll.u32 @!p0 s4, $0x11;
	s6 =	sadd.s32 @!p0 $0x11B8D, s6;
	_ =	swait.eq @!p0 [sflag:s5], $0x1  }
0x2a: {  	s4 =	sor.u32 @!p0 s4, s6;
	[sflag:s5] =	ssyncadd.s32 @!p0 $0xFFFFFFFF  }
0x2b: {  	s26 =	simm.s32 $0x1B8E;
	s25 =	sld [smem:$0x3FFE];
	[sflag:s4] =	ssyncadd.remote.s32 @!p0 $0x1  }
0x2c: {  	s27 =	simm.s32 $execute0_lowered;
	[smem:$0x3FD2] =	sst s26  }
0x2d: {  	s5 =	sshll.u32 s27, $0x1;
	_ =	strace $0x80000052;
	[dreg:$0x1] =	wrdreg $0xFFFFFFFF  }
0x2e: {  	s28 =	simm.s32 $_size_execute0_lowered;
	s3 =	sadd.s32 s3, s5;
	[dreg:$0x0] =	wrdreg $0x0  }
0x2f: {  	s5 =	sshll.u32 s28, $0x1;
	[dreg:$0x2] =	wrdreg s3  }
0x30: {  	[dreg:$0x3] =	wrdreg s5  }
0x31: {  	[dreg:$0x4] =	wrdreg $0xC0  }
0x32: {  	_ =	task [dreg:s23], $0x5FFFF  }
0x33: {  	[dreg:$0x1] =	wrdreg $0xFFFFFFFF  }
0x34: {  	[dreg:$0x0] =	wrdreg $0x60  }
0x35: {  	[dreg:$0x2] =	wrdreg s25  }
0x36: {  	[dreg:$0x3] =	wrdreg $0xA  }
0x37: {  	_ =	task.clear_ibuf [dreg:s23], $0x4FFFF;
	_ =	strace $0x90000052  }
0x38: {  	s29 =	simm.s32 $0xA;
	_ =	strace $0x80000054  }
0x39: {  	_ =	swait.ge [sflag:s29], $0x1  }
0x3a: {  	[sflag:s29] =	ssyncadd.s32 $0xFFFFFFFF  }
0x3b: {  	_ =	strace $0x90000054  }
0x3c: {  	_ =	sfence  }
0x3d: {  	s30 =	sld [smem:$0x0];
	_ =	sdelay $0x2  }
0x3e: {  	s31 =	sshll.u32 s1, $0xD;
	s1 =	sshrl.u32 s1, $0x2  }
0x3f: {  	s4 =	sand.u32 $0x4000, s31;
	s1 =	sadd.s32 s1, s30  }
0x40: {  	s0 =	sor.u32 s4, s0;
	s1 =	sshll.u32 s1, $0x11  }
0x41: {  	s0 =	sor.u32 s1, s0  }
0x42: {  	s0 =	sadd.s32 $0x8F2B, s0  }
0x43: {  	[sflag:s0] =	ssyncadd.remote.s32 $0x1  }
0x44: {  	_ =	sfence.sel $0xFFFF  }
0x45: {  	[dreg:$0x0] =	wrdreg $0xFFFFFFFF;
	(pc) =	sbr.abs _section_cstart, $3  }
0x46: {  	[dreg:$0x1] =	wrdreg $0xFFFFFFFF  }
0x47: {  	_ =	task.clear_ibuf [dreg:s23], $0x2FFFF;
	_ =	strace $0x9FFFFFFF  }
0x48: {  	(tm) =	ssettm $0x7FFFFFFF  }
0x49: {  	_ =	shalt  }
tec
execute0_lowered:
.L_overlay_start_1:
0x0: {  	(tag) =	ssettag $0x1  }
0x1: {  	s0 =	srdreg.scid;
	s3 =	rddreg [dreg:$0x0];
	s5 =	simm.s32 $0x1  }
0x2: {  	s7 =	simm.s32 $0x2;
	s15 =	simm.s32 $0x0;
	p0 =	por $0x0, $0x0  }
0x3: {  	s8 =	simm.s32 $0x1000;
	s13 =	simm.s32 $0x0;
	s1 =	sshll.u32 s0, $0x7  }
0x4: {  	s14 =	simm.s32 $0x0;
	s9 =	simm.s32 $0x0;
	s1 =	sand.u32 $0x80, s1  }
0x5: {  	s0 =	rddreg [dreg:$0x1];
	_ =	strace $0x80000053;
	s6 =	ssub.s32 $0x200, s1  }
.Ltmp0:
0x6: {  	s2 =	sadd.s32 $0x14E200, s3;
	s31 =	sshrl.u32 s6, $0x7;
	(pc) =	sbr.rel .LBB1_1-.Ltmp0, $4  }
0x7: {  	s4 =	sadd.s32 $0x28E200, s3;
	s6 =	sshrl.u32 s6, $0x8;
	s3 =	sand.u32 $0x1, s31  }
0x8: {  	s11 =	stileid.u32;
	[sflag:s5] =	ssyncpa.u1 $0x0;
	s6 =	sadd.s32 s6, s3  }
0x9: {  	s12 =	simm.s32 $0x0;
	[sflag:s7] =	ssyncpa.u1 $0x0;
	s6 =	sshll.u32 s6, $0x3  }
0xa: {  	s10 =	smov.u32 s1;
	s3 =	stileid.u32;
	s7 =	sor.u32 $0x1, s6  }
.LBB1_4:
0xb: {  	v5 =	vld [tilespmem:s18+$0xFFFFFFD0];
	[tilespmem:s19+$0x2040 ss:$0x81] =	vst.msk $0xffff, v1  }
0xc: {  	v58 =	vld [tilespmem:s18+$0xFFFFFFE0];
	[tilespmem:s19+$0x2850 ss:$0x81] =	vst.msk $0xffff, v2  }
0xd: {  	s20 =	sshra.s32 s20, $0x2;
	v59 =	vld [tilespmem:s18+$0xFFFFFFF0];
	[tilespmem:s19+$0x3060 ss:$0x81] =	vst.msk $0xffff, v3  }
0xe: {  	v60 =	vld [tilespmem:s18+$0x0];
	[tilespmem:s19+$0x0 ss:$0x81] =	vst.msk $0xffff, v0;
	s17 =	sadd.s32 s20, s17  }
0xf: {  	v61 =	vld [tilespmem:s18+$0x10];
	s25 =	sshll.u32 s15, $0x9;
	[tilespmem:s17+$0x3870 ss:$0x81] =	vst.msk $0xffff, v4  }
0x10: {  	s26 =	sshll.u32 s13, $0x3;
	v62 =	vld [tilespmem:s18+$0x20];
	s27 =	sshll.u32 s15, $0x7;
	s30 =	sand.u32 $0x78, s13;
	[tilespmem:s17+$0x810 ss:$0x81] =	vst.msk $0xffff, v5  }
0x11: {  	v63 =	vld [tilespmem:s18+$0xFFFFFFC0];
	s14 =	sshll.u32 s14, $0x10;
	s19 =	sand.u32 $0x7F000, s25;
	s20 =	sand.u32 $0x7FC00, s26;
	[tilespmem:s17+$0x1020 ss:$0x81] =	vst.msk $0xffff, v58  }
0x12: {  	s29 =	sand.u32 $0x200, s27;
	s15 =	sand.u32 $0x180, s27;
	s28 =	sadd.s32 s20, s19;
	[tilespmem:s17+$0x1830 ss:$0x81] =	vst.msk $0xffff, v59  }
0x13: {  	s31 =	sand.u32 $0x7, s13;
	s15 =	sor.u32 s30, s15;
	s18 =	sor.u32 s29, s28;
	[tilespmem:s17+$0x2040 ss:$0x81] =	vst.msk $0xffff, v60  }
0x14: {  	s14 =	sadd.s32 s4, s14;
	s15 =	sshrl.u32 s15, $0x3;
	s18 =	sshrl.u32 s18, $0x3;
	[tilespmem:s17+$0x2850 ss:$0x81] =	vst.msk $0xffff, v61  }
0x15: {  	s13 =	sshll.u32 s31, $0x12;
	s14 =	sadd.s32 s15, s14;
	[tilespmem:s17+$0x3060 ss:$0x81] =	vst.msk $0xffff, v62;
	s18 =	sand.u32 $0xFFC0, s18  }
0x16: {  	s13 =	sor.u32 $0x400, s13;
	[tilespmem:s17+$0x0 ss:$0x81] =	vst.msk $0xffff, v63;
	s14 =	sadd.s32 s18, s14  }
0x17: {  	[hbm4b:s14+s13] =	stream.strided.scatter [tilespmem:s16], [sflag:$0x2], $0x4000, s8, s13, $0x20;
	[tilespmem:$0x10100] =	vst v63  }
.LBB1_5:
0x18: {  	s16 =	sadd.s32 $0x80, s9  }
0x19: {  	s13 =	sadd.s32 $0x100, s10;
	s17 =	smov.u32 s10;
	p2 =	sgt.s32 s16, $0x3FF  }
0x1a: {  	s17 =	smov.u32 @p2 s13  }
0x1b: {  	s19 =	smov.u32 s11;
	s13 =	sadd.s32 $0x10, s11;
	p3 =	sgt.s32 s17, $0x1FF  }
0x1c: {  	s19 =	smov.u32 @p3 s13  }
0x1d: {  	s16 =	simm.s32 @p2 $0x0;
	p2 =	sgt.s32 s19, $0xF  }
0x1e: {  	p1 =	slt.u32 s12, $0x2;
	s19 =	smov.u32 @p2 s3;
	p2 =	sne.s32 s12, s7  }
.Ltmp1:
0x1f: {  	s18 =	simm.s32 @!p1 $0x2;
	(pc) =	sbr.rel @!p2 .LBB1_6-.Ltmp1, $4  }
0x20: {  	s15 =	smov.u32 s9;
	s14 =	smov.u32 s11;
	_ =	swait.ge @!p1 [sflag:s18], $0x4000  }
0x21: {  	p0 =	por !p0, !p0;
	[sflag:s18] =	ssyncset.done @!p1 $0x0;
	s9 =	smov.u32 s16  }
0x22: {  	s17 =	smov.u32 @p3 s1;
	s13 =	smov.u32 s10;
	[sflag:s18] =	ssyncadd.s32 @!p1 $0xFFFFC000  }
0x23: {  	s10 =	smov.u32 s17;
	s12 =	sadd.s32 $0x1, s12;
	s11 =	smov.u32 s19  }
.LBB1_1:
0x24: {  	p1 =	sge.u32 s12, s6  }
0x25: {  	s31 =	sadd.s32 $0xFFFFFFFF, s12;
	s16 =	sshll.u32 @!p1 s10, $0x7  }
0x26: {  	s17 =	sxor.u32 @!p1 $0xFFFFFFFF, s12;
	s18 =	sand.u32 @!p1 $0x78, s9;
	s19 =	sand.u32 @!p1 $0x380, s16  }
0x27: {  	s17 =	sshll.u32 @!p1 s17, $0xE;
	s18 =	sor.u32 @!p1 s18, s19;
	s19 =	sshll.u32 @!p1 s11, $0x10  }
0x28: {  	s16 =	sand.u32 @!p1 $0xFC00, s16;
	s18 =	sshrl.u32 @!p1 s18, $0x3;
	s19 =	sadd.s32 @!p1 s2, s19  }
0x29: {  	s16 =	sadd.s32 @!p1 s9, s16;
	s18 =	sadd.s32 @!p1 s18, s19;
	s19 =	sand.u32 @!p1 $0x7, s9  }
0x2a: {  	s17 =	sand.u32 @!p1 $0x4000, s17;
	s16 =	sand.u32 @!p1 $0xFF80, s16;
	s19 =	sshll.u32 @!p1 s19, $0x12  }
0x2b: {  	s16 =	sadd.s32 @!p1 s16, s18;
	s18 =	sor.u32 @!p1 $0x400, s19;
	s19 =	simm.s32 @!p1 $0x2000  }
0x2c: {  	[tilespmem:s17], [sflag:$0x1] =	stream.strided.gather @!p1 [hbm4b:s16+s18], $0x4000, s19, s18, $0x38;
	[tilespmem:$0x10100] =	vst v63  }
0x2d: {  	p1 =	sge.u32 s31, s6  }
.Ltmp2:
0x2e: {  	_ = 	snop;
	(pc) =	sbr.rel @p1 .LBB1_5-.Ltmp2, $1  }
0x2f: {  	_ =	sdelay $0x3  }
0x30: {  	s16 =	simm.s32 $0x1  }
0x31: {  	_ =	swait.ge [sflag:s5], $0x4000;
	s16 =	simm.s32 @!p0 $0x0  }
0x32: {  	[sflag:s5] =	ssyncset.done $0x0;
	s17 =	sshll.u32 s16, $0xE  }
0x33: {  	[sflag:s5] =	ssyncadd.s32 $0xFFFFC000;
	s18 =	sor.u32 $0x40, s17  }
0x34: {  	s16 =	smul.u32 $0x10200, s16;
	v0 =	vld [tilespmem:s18+$0x30]  }
0x35: {  	v3 =	vld [tilespmem:s18+$0xFFFFFFD0]  }
0x36: {  	s16 =	sshrl.u32 s16, $0x2;
	v4 =	vld [tilespmem:s18+$0xFFFFFFE0]  }
0x37: {  	v5 =	vld [tilespmem:s18+$0xFFFFFFF0];
	s17 =	sor.u32 $0x8000, s16  }
0x38: {  	s31 =	sand.u32 $0x1, s12;
	v1 =	vld [tilespmem:s18+$0x0];
	s19 =	sadd.s32 $0x0, s17  }
0x39: {  	v2 =	vld [tilespmem:s18+$0x10];
	s16 =	smul.u32 $0x10200, s31;
	[tilespmem:s19+$0x3870 ss:$0x81] =	vst.msk $0xffff, v0  }
0x3a: {  	[tilespmem:s19+$0x810 ss:$0x81] =	vst.msk $0xffff, v3;
	v3 =	vld [tilespmem:s18+$0x20]  }
0x3b: {  	s16 =	sshrl.u32 s16, $0x2;
	v0 =	vld [tilespmem:s18+$0xFFFFFFC0];
	[tilespmem:s19+$0x1020 ss:$0x81] =	vst.msk $0xffff, v4;
	s18 =	sadd.s32 $0x80, s18  }
0x3c: {  	s20 =	simm.s32 $0x4;
	s21 =	simm.s32 $0x8;
	s16 =	sor.u32 $0x8000, s16;
	[tilespmem:s19+$0x1830 ss:$0x81] =	vst.msk $0xffff, v5;
	v4 =	vld [tilespmem:s18+$0x30]  }
.LBB1_3:
0x3d: {  	p1 =	sne.s32 s21, $0x1FC;
	v5 =	vld [tilespmem:s18+$0xFFFFFFD0];
	[tilespmem:s19+$0x2040 ss:$0x81] =	vst.msk $0xffff, v1  }
0x3e: {  	v6 =	vld [tilespmem:s18+$0xFFFFFFE0];
	[tilespmem:s19+$0x2850 ss:$0x81] =	vst.msk $0xffff, v2  }
0x3f: {  	s22 =	sshra.s32 s20, $0x2;
	s20 =	smov.u32 s21;
	v7 =	vld [tilespmem:s18+$0xFFFFFFF0];
	[tilespmem:s19+$0x3060 ss:$0x81] =	vst.msk $0xffff, v3  }
.Ltmp3:
0x40: {  	v1 =	vld [tilespmem:s18+$0x0];
	[tilespmem:s19+$0x0 ss:$0x81] =	vst.msk $0xffff, v0;
	s19 =	sadd.s32 s22, s17;
	(pc) =	sbr.rel @p1 .LBB1_3-.Ltmp3, $4  }
0x41: {  	v2 =	vld [tilespmem:s18+$0x10];
	[tilespmem:s19+$0x3870 ss:$0x81] =	vst.msk $0xffff, v4  }
0x42: {  	[tilespmem:s19+$0x810 ss:$0x81] =	vst.msk $0xffff, v5;
	v3 =	vld [tilespmem:s18+$0x20]  }
0x43: {  	v0 =	vld [tilespmem:s18+$0xFFFFFFC0];
	[tilespmem:s19+$0x1020 ss:$0x81] =	vst.msk $0xffff, v6;
	s18 =	sadd.s32 $0x80, s18  }
0x44: {  	s21 =	sadd.s32 $0x4, s21;
	v4 =	vld [tilespmem:s18+$0x30];
	[tilespmem:s19+$0x1830 ss:$0x81] =	vst.msk $0xffff, v7  }
.Ltmp4:
0x45: {  	_ = 	snop;
	(pc) =	sbr.rel .LBB1_4-.Ltmp4, $1  }
0x46: {  	_ =	sdelay $0x3  }
.LBB1_6:
0x47: {  	_ =	sfence.sel $0x180000  }
0x48: {  	s1 =	simm.s32 $0x1;
	[bflag:$0x0] =	sbarrier.arrive $0xFFFF  }
0x49: {  	s31 =	simm.s32 $0x2;
	[sflag:s1] =	ssyncpa.u1 $0x1  }
0x4a: {  	[sflag:s31] =	ssyncpa.u1 $0x1  }
0x4b: {  	p0 =	sne.s32 s3, $0x0;
	_ =	strace $0x90000053  }
0x4c: {  	s0 =	sadd.s32 @!p0 $0x100000, s0;
	[bflag:$0x2] =	sbarrier.arrive $0xFFFF  }
0x4d: {  	[sflag:s0] =	ssyncadd.tile.s32 @!p0 $0x1;
	_ =	shalt  }
.Lfunc_end1:
_tile_overlayer_lowered:
.L_overlay_start_2:
0x4e: {  	(tag) =	ssettag $0x2  }
0x4f: {  	s0 =	rddreg [dreg:$0x0];
	s2 =	stileid.u32  }
0x50: {  	s1 =	rddreg [dreg:$0x1];
	p0 =	sne.s32 s2, $0x0  }
0x51: {  	s3 =	rddreg [dreg:$0x2];
	[bflag:$0x3] =	sbarrier.arrive $0xFFFF;
	s2 =	simm.s32 @!p0 $0x1C01  }
0x52: {  	[timem:s3], [sflag:s2] =	dma.local @!p0 [hbm:s0], s1  }
0x53: {  	s0 =	simm.s32 @!p0 $0x1  }
0x54: {  	_ =	swait.ge @!p0 [sflag:s0], s1  }
0x55: {  	s1 =	ssub.s32 @!p0 $0x0, s1;
	[sflag:s0] =	ssyncset.done @!p0 $0x0  }
0x56: {  	[sflag:s0] =	ssyncadd.s32 @!p0 s1  }
0x57: {  	[bflag:$0x3] =	sbarrier.arrive $0xFFFF  }
0x58: {  	_ =	shalt  }

// kernel: sparse-core-data-format-call.cloned.1.call-start
scs
called_computation_lowered:
.L_overlay_start_0:
0x0: {  	s2 =	sld [smem:$0x3FD9]  }
0x1: {  	s3 =	sld [smem:$0x3FFE];
	_ =	sdelay $0x1  }
0x2: {  	s1 =	srdreg.scid  }
0x3: {  	s0 =	sand.u32 $0x1, s1  }
0x4: {  	s18 =	sshll.u32 s0, $0xA;
	s2 =	sadd.s32 s3, s2  }
0x5: {  	s2 =	sadd.s32 s2, s18  }
0x6: {  	[smem:$0x3FA2] =	sst s2  }
0x7: {  	_ = 	snop  }
0x8: {  	(tm) =	ssettm $0x1  }
0x9: {  	s19 =	sld [smem:$0x3FFB];
	_ =	sdelay $0x3  }
0xa: {  	_ =	strace s19  }
0xb: {  	s2 =	sld [smem:$0x3FFC];
	_ =	sdelay $0x3  }
0xc: {  	_ =	strace s2  }
0xd: {  	s2 =	sld [smem:$0x3FFD];
	_ =	sdelay $0x3  }
0xe: {  	_ =	strace s2  }
0xf: {  	_ =	strace $0x8FFFFFFF  }
0x10: {  	s20 =	sld [smem:$0x3FDB];
	_ =	sdelay $0x1  }
0x11: {  	s21 =	simm.s32 $_scs_section_size  }
0x12: {  	s4 =	simm.s32 $_size__tile_overlayer_lowered;
	s5 =	simm.s32 $_tile_overlayer_lowered  }
0x13: {  	s6 =	simm.s32 $0x1BFF;
	s22 =	sshll.u32 s5, $0x1;
	s3 =	sadd.s32 s21, s20  }
0x14: {  	s23 =	simm.s32 $0x0;
	s4 =	sshll.u32 s4, $0x1;
	s5 =	sadd.s32 s22, s3  }
0x15: {  	[timem:s23], [sflag:s6] =	dma.local [hbm:s5], s4  }
0x16: {  	_ =	swait.ge [sflag:s6], s4  }
0x17: {  	s4 =	ssub.s32 $0x0, s4;
	[sflag:s6] =	ssyncset.done $0x0  }
0x18: {  	[sflag:s6] =	ssyncadd.s32 s4;
	_ =	sdelay $0x1  }
0x19: {  	s24 =	simm.s32 $0x1B8B  }
0x1a: {  	_ =	swait.ge [sflag:s24], $0x1  }
0x1b: {  	[sflag:s24] =	ssyncset.done $0x0  }
0x1c: {  	[sflag:s24] =	ssyncadd.s32 $0xFFFFFFFF  }
0x1d: {  	s4 =	sld [smem:$0x0]  }
0x1e: {  	s5 =	sand.u32 $0xFFFFFFFE, s1  }
0x1f: {  	p0 =	sne.s32 s1, s5  }
0x20: {  	s5 =	sshll.u32 @p0 s5, $0xE  }
0x21: {  	s5 =	sadd.s32 @p0 $0x11B8D, s5;
	s6 =	sshll.u32 @p0 s4, $0x11  }
0x22: {  	s5 =	sor.u32 @p0 s6, s5  }
0x23: {  	[sflag:s5] =	ssyncadd.remote.s32 @p0 $0x1;
	_ =	sdelay $0x1  }
0x24: {  	s5 =	simm.s32 @p0 $0x1B8D  }
0x25: {  	_ =	swait.eq @p0 [sflag:s5], $0x1  }
0x26: {  	[sflag:s5] =	ssyncadd.s32 @p0 $0xFFFFFFFF  }
0x27: {  	s6 =	sshll.u32 @!p0 s1, $0xE  }
0x28: {  	s6 =	sor.u32 @!p0 $0x4000, s6;
	s5 =	simm.s32 @!p0 $0x1B8D  }
0x29: {  	s4 =	sshll.u32 @!p0 s4, $0x11;
	s6 =	sadd.s32 @!p0 $0x11B8D, s6;
	_ =	swait.eq @!p0 [sflag:s5], $0x1  }
0x2a: {  	s4 =	sor.u32 @!p0 s4, s6;
	[sflag:s5] =	ssyncadd.s32 @!p0 $0xFFFFFFFF  }
0x2b: {  	s26 =	simm.s32 $0x1B8E;
	s25 =	sld [smem:$0x3FFE];
	[sflag:s4] =	ssyncadd.remote.s32 @!p0 $0x1  }
0x2c: {  	s27 =	simm.s32 $execute0_lowered;
	[smem:$0x3FD2] =	sst s26  }
0x2d: {  	s5 =	sshll.u32 s27, $0x1;
	_ =	strace $0x80000055;
	[dreg:$0x1] =	wrdreg $0xFFFFFFFF  }
0x2e: {  	s28 =	simm.s32 $_size_execute0_lowered;
	s3 =	sadd.s32 s3, s5;
	[dreg:$0x0] =	wrdreg $0x0  }
0x2f: {  	s5 =	sshll.u32 s28, $0x1;
	[dreg:$0x2] =	wrdreg s3  }
0x30: {  	[dreg:$0x3] =	wrdreg s5  }
0x31: {  	[dreg:$0x4] =	wrdreg $0xC0  }
0x32: {  	_ =	task [dreg:s23], $0x5FFFF  }
0x33: {  	[dreg:$0x1] =	wrdreg $0xFFFFFFFF  }
0x34: {  	[dreg:$0x0] =	wrdreg $0x60  }
0x35: {  	[dreg:$0x2] =	wrdreg s25  }
0x36: {  	[dreg:$0x3] =	wrdreg $0x9  }
0x37: {  	_ =	task.clear_ibuf [dreg:s23], $0x4FFFF;
	_ =	strace $0x90000055  }
0x38: {  	s29 =	simm.s32 $0x9;
	_ =	strace $0x80000057  }
0x39: {  	_ =	swait.ge [sflag:s29], $0x1  }
0x3a: {  	[sflag:s29] =	ssyncadd.s32 $0xFFFFFFFF  }
0x3b: {  	_ =	strace $0x90000057  }
0x3c: {  	_ =	sfence  }
0x3d: {  	s30 =	sld [smem:$0x0];
	_ =	sdelay $0x2  }
0x3e: {  	s31 =	sshll.u32 s1, $0xD;
	s1 =	sshrl.u32 s1, $0x2  }
0x3f: {  	s4 =	sand.u32 $0x4000, s31;
	s1 =	sadd.s32 s1, s30  }
0x40: {  	s0 =	sor.u32 s4, s0;
	s1 =	sshll.u32 s1, $0x11  }
0x41: {  	s0 =	sor.u32 s1, s0  }
0x42: {  	s0 =	sadd.s32 $0x8F2B, s0  }
0x43: {  	[sflag:s0] =	ssyncadd.remote.s32 $0x1  }
0x44: {  	_ =	sfence.sel $0xFFFF  }
0x45: {  	[dreg:$0x0] =	wrdreg $0xFFFFFFFF;
	(pc) =	sbr.abs _section_cstart, $3  }
0x46: {  	[dreg:$0x1] =	wrdreg $0xFFFFFFFF  }
0x47: {  	_ =	task.clear_ibuf [dreg:s23], $0x2FFFF;
	_ =	strace $0x9FFFFFFF  }
0x48: {  	(tm) =	ssettm $0x7FFFFFFF  }
0x49: {  	_ =	shalt  }
tec
execute0_lowered:
.L_overlay_start_1:
0x0: {  	(tag) =	ssettag $0x1  }
0x1: {  	s0 =	srdreg.scid;
	s3 =	rddreg [dreg:$0x0];
	s5 =	simm.s32 $0x1  }
0x2: {  	s7 =	simm.s32 $0x2;
	s15 =	simm.s32 $0x0;
	p0 =	por $0x0, $0x0  }
0x3: {  	s8 =	simm.s32 $0x1000;
	s13 =	simm.s32 $0x0;
	s1 =	sshll.u32 s0, $0x7  }
0x4: {  	s14 =	simm.s32 $0x0;
	s9 =	simm.s32 $0x0;
	s1 =	sand.u32 $0x80, s1  }
0x5: {  	s0 =	rddreg [dreg:$0x1];
	_ =	strace $0x80000056;
	s6 =	ssub.s32 $0x200, s1  }
.Ltmp0:
0x6: {  	s2 =	sadd.s32 $0x38E200, s3;
	s31 =	sshrl.u32 s6, $0x7;
	(pc) =	sbr.rel .LBB1_1-.Ltmp0, $4  }
0x7: {  	s4 =	sadd.s32 $0x48E200, s3;
	s6 =	sshrl.u32 s6, $0x8;
	s3 =	sand.u32 $0x1, s31  }
0x8: {  	s11 =	stileid.u32;
	[sflag:s5] =	ssyncpa.u1 $0x0;
	s6 =	sadd.s32 s6, s3  }
0x9: {  	s12 =	simm.s32 $0x0;
	[sflag:s7] =	ssyncpa.u1 $0x0;
	s6 =	sshll.u32 s6, $0x3  }
0xa: {  	s10 =	smov.u32 s1;
	s3 =	stileid.u32;
	s7 =	sor.u32 $0x1, s6  }
.LBB1_4:
0xb: {  	v5 =	vld [tilespmem:s18+$0xFFFFFFD0];
	[tilespmem:s19+$0x2040 ss:$0x81] =	vst.msk $0xffff, v1  }
0xc: {  	v58 =	vld [tilespmem:s18+$0xFFFFFFE0];
	[tilespmem:s19+$0x2850 ss:$0x81] =	vst.msk $0xffff, v2  }
0xd: {  	s20 =	sshra.s32 s20, $0x2;
	v59 =	vld [tilespmem:s18+$0xFFFFFFF0];
	[tilespmem:s19+$0x3060 ss:$0x81] =	vst.msk $0xffff, v3  }
0xe: {  	v60 =	vld [tilespmem:s18+$0x0];
	[tilespmem:s19+$0x0 ss:$0x81] =	vst.msk $0xffff, v0;
	s17 =	sadd.s32 s20, s17  }
0xf: {  	v61 =	vld [tilespmem:s18+$0x10];
	s25 =	sshll.u32 s15, $0x9;
	[tilespmem:s17+$0x3870 ss:$0x81] =	vst.msk $0xffff, v4  }
0x10: {  	s26 =	sshll.u32 s13, $0x3;
	v62 =	vld [tilespmem:s18+$0x20];
	s27 =	sshll.u32 s15, $0x7;
	s30 =	sand.u32 $0x78, s13;
	[tilespmem:s17+$0x810 ss:$0x81] =	vst.msk $0xffff, v5  }
0x11: {  	v63 =	vld [tilespmem:s18+$0xFFFFFFC0];
	s14 =	sshll.u32 s14, $0x10;
	s19 =	sand.u32 $0x7F000, s25;
	s20 =	sand.u32 $0x7FC00, s26;
	[tilespmem:s17+$0x1020 ss:$0x81] =	vst.msk $0xffff, v58  }
0x12: {  	s29 =	sand.u32 $0x200, s27;
	s15 =	sand.u32 $0x180, s27;
	s28 =	sadd.s32 s20, s19;
	[tilespmem:s17+$0x1830 ss:$0x81] =	vst.msk $0xffff, v59  }
0x13: {  	s31 =	sand.u32 $0x7, s13;
	s15 =	sor.u32 s30, s15;
	s18 =	sor.u32 s29, s28;
	[tilespmem:s17+$0x2040 ss:$0x81] =	vst.msk $0xffff, v60  }
0x14: {  	s14 =	sadd.s32 s4, s14;
	s15 =	sshrl.u32 s15, $0x3;
	s18 =	sshrl.u32 s18, $0x3;
	[tilespmem:s17+$0x2850 ss:$0x81] =	vst.msk $0xffff, v61  }
0x15: {  	s13 =	sshll.u32 s31, $0x12;
	s14 =	sadd.s32 s15, s14;
	[tilespmem:s17+$0x3060 ss:$0x81] =	vst.msk $0xffff, v62;
	s18 =	sand.u32 $0xFFC0, s18  }
0x16: {  	s13 =	sor.u32 $0x400, s13;
	[tilespmem:s17+$0x0 ss:$0x81] =	vst.msk $0xffff, v63;
	s14 =	sadd.s32 s18, s14  }
0x17: {  	[hbm4b:s14+s13] =	stream.strided.scatter [tilespmem:s16], [sflag:$0x2], $0x4000, s8, s13, $0x20;
	[tilespmem:$0x10100] =	vst v63  }
.LBB1_5:
0x18: {  	s16 =	sadd.s32 $0x80, s9  }
0x19: {  	s13 =	sadd.s32 $0x100, s10;
	s17 =	smov.u32 s10;
	p2 =	sgt.s32 s16, $0x3FF  }
0x1a: {  	s17 =	smov.u32 @p2 s13  }
0x1b: {  	s19 =	smov.u32 s11;
	s13 =	sadd.s32 $0x10, s11;
	p3 =	sgt.s32 s17, $0x1FF  }
0x1c: {  	s19 =	smov.u32 @p3 s13  }
0x1d: {  	s16 =	simm.s32 @p2 $0x0;
	p2 =	sgt.s32 s19, $0xF  }
0x1e: {  	p1 =	slt.u32 s12, $0x2;
	s19 =	smov.u32 @p2 s3;
	p2 =	sne.s32 s12, s7  }
.Ltmp1:
0x1f: {  	s18 =	simm.s32 @!p1 $0x2;
	(pc) =	sbr.rel @!p2 .LBB1_6-.Ltmp1, $4  }
0x20: {  	s15 =	smov.u32 s9;
	s14 =	smov.u32 s11;
	_ =	swait.ge @!p1 [sflag:s18], $0x4000  }
0x21: {  	p0 =	por !p0, !p0;
	[sflag:s18] =	ssyncset.done @!p1 $0x0;
	s9 =	smov.u32 s16  }
0x22: {  	s17 =	smov.u32 @p3 s1;
	s13 =	smov.u32 s10;
	[sflag:s18] =	ssyncadd.s32 @!p1 $0xFFFFC000  }
0x23: {  	s10 =	smov.u32 s17;
	s12 =	sadd.s32 $0x1, s12;
	s11 =	smov.u32 s19  }
.LBB1_1:
0x24: {  	p1 =	sge.u32 s12, s6  }
0x25: {  	s31 =	sadd.s32 $0xFFFFFFFF, s12;
	s16 =	sshll.u32 @!p1 s10, $0x7  }
0x26: {  	s17 =	sxor.u32 @!p1 $0xFFFFFFFF, s12;
	s18 =	sand.u32 @!p1 $0x78, s9;
	s19 =	sand.u32 @!p1 $0x380, s16  }
0x27: {  	s17 =	sshll.u32 @!p1 s17, $0xE;
	s18 =	sor.u32 @!p1 s18, s19;
	s19 =	sshll.u32 @!p1 s11, $0x10  }
0x28: {  	s16 =	sand.u32 @!p1 $0xFC00, s16;
	s18 =	sshrl.u32 @!p1 s18, $0x3;
	s19 =	sadd.s32 @!p1 s2, s19  }
0x29: {  	s16 =	sadd.s32 @!p1 s9, s16;
	s18 =	sadd.s32 @!p1 s18, s19;
	s19 =	sand.u32 @!p1 $0x7, s9  }
0x2a: {  	s17 =	sand.u32 @!p1 $0x4000, s17;
	s16 =	sand.u32 @!p1 $0xFF80, s16;
	s19 =	sshll.u32 @!p1 s19, $0x12  }
0x2b: {  	s16 =	sadd.s32 @!p1 s16, s18;
	s18 =	sor.u32 @!p1 $0x400, s19;
	s19 =	simm.s32 @!p1 $0x2000  }
0x2c: {  	[tilespmem:s17], [sflag:$0x1] =	stream.strided.gather @!p1 [hbm4b:s16+s18], $0x4000, s19, s18, $0x38;
	[tilespmem:$0x10100] =	vst v63  }
0x2d: {  	p1 =	sge.u32 s31, s6  }
.Ltmp2:
0x2e: {  	_ = 	snop;
	(pc) =	sbr.rel @p1 .LBB1_5-.Ltmp2, $1  }
0x2f: {  	_ =	sdelay $0x3  }
0x30: {  	s16 =	simm.s32 $0x1  }
0x31: {  	_ =	swait.ge [sflag:s5], $0x4000;
	s16 =	simm.s32 @!p0 $0x0  }
0x32: {  	[sflag:s5] =	ssyncset.done $0x0;
	s17 =	sshll.u32 s16, $0xE  }
0x33: {  	[sflag:s5] =	ssyncadd.s32 $0xFFFFC000;
	s18 =	sor.u32 $0x40, s17  }
0x34: {  	s16 =	smul.u32 $0x10200, s16;
	v0 =	vld [tilespmem:s18+$0x30]  }
0x35: {  	v3 =	vld [tilespmem:s18+$0xFFFFFFD0]  }
0x36: {  	s16 =	sshrl.u32 s16, $0x2;
	v4 =	vld [tilespmem:s18+$0xFFFFFFE0]  }
0x37: {  	v5 =	vld [tilespmem:s18+$0xFFFFFFF0];
	s17 =	sor.u32 $0x8000, s16  }
0x38: {  	s31 =	sand.u32 $0x1, s12;
	v1 =	vld [tilespmem:s18+$0x0];
	s19 =	sadd.s32 $0x0, s17  }
0x39: {  	v2 =	vld [tilespmem:s18+$0x10];
	s16 =	smul.u32 $0x10200, s31;
	[tilespmem:s19+$0x3870 ss:$0x81] =	vst.msk $0xffff, v0  }
0x3a: {  	[tilespmem:s19+$0x810 ss:$0x81] =	vst.msk $0xffff, v3;
	v3 =	vld [tilespmem:s18+$0x20]  }
0x3b: {  	s16 =	sshrl.u32 s16, $0x2;
	v0 =	vld [tilespmem:s18+$0xFFFFFFC0];
	[tilespmem:s19+$0x1020 ss:$0x81] =	vst.msk $0xffff, v4;
	s18 =	sadd.s32 $0x80, s18  }
0x3c: {  	s20 =	simm.s32 $0x4;
	s21 =	simm.s32 $0x8;
	s16 =	sor.u32 $0x8000, s16;
	[tilespmem:s19+$0x1830 ss:$0x81] =	vst.msk $0xffff, v5;
	v4 =	vld [tilespmem:s18+$0x30]  }
.LBB1_3:
0x3d: {  	p1 =	sne.s32 s21, $0x1FC;
	v5 =	vld [tilespmem:s18+$0xFFFFFFD0];
	[tilespmem:s19+$0x2040 ss:$0x81] =	vst.msk $0xffff, v1  }
0x3e: {  	v6 =	vld [tilespmem:s18+$0xFFFFFFE0];
	[tilespmem:s19+$0x2850 ss:$0x81] =	vst.msk $0xffff, v2  }
0x3f: {  	s22 =	sshra.s32 s20, $0x2;
	s20 =	smov.u32 s21;
	v7 =	vld [tilespmem:s18+$0xFFFFFFF0];
	[tilespmem:s19+$0x3060 ss:$0x81] =	vst.msk $0xffff, v3  }
.Ltmp3:
0x40: {  	v1 =	vld [tilespmem:s18+$0x0];
	[tilespmem:s19+$0x0 ss:$0x81] =	vst.msk $0xffff, v0;
	s19 =	sadd.s32 s22, s17;
	(pc) =	sbr.rel @p1 .LBB1_3-.Ltmp3, $4  }
0x41: {  	v2 =	vld [tilespmem:s18+$0x10];
	[tilespmem:s19+$0x3870 ss:$0x81] =	vst.msk $0xffff, v4  }
0x42: {  	[tilespmem:s19+$0x810 ss:$0x81] =	vst.msk $0xffff, v5;
	v3 =	vld [tilespmem:s18+$0x20]  }
0x43: {  	v0 =	vld [tilespmem:s18+$0xFFFFFFC0];
	[tilespmem:s19+$0x1020 ss:$0x81] =	vst.msk $0xffff, v6;
	s18 =	sadd.s32 $0x80, s18  }
0x44: {  	s21 =	sadd.s32 $0x4, s21;
	v4 =	vld [tilespmem:s18+$0x30];
	[tilespmem:s19+$0x1830 ss:$0x81] =	vst.msk $0xffff, v7  }
.Ltmp4:
0x45: {  	_ = 	snop;
	(pc) =	sbr.rel .LBB1_4-.Ltmp4, $1  }
0x46: {  	_ =	sdelay $0x3  }
.LBB1_6:
0x47: {  	_ =	sfence.sel $0x180000  }
0x48: {  	s1 =	simm.s32 $0x1;
	[bflag:$0x0] =	sbarrier.arrive $0xFFFF  }
0x49: {  	s31 =	simm.s32 $0x2;
	[sflag:s1] =	ssyncpa.u1 $0x1  }
0x4a: {  	[sflag:s31] =	ssyncpa.u1 $0x1  }
0x4b: {  	p0 =	sne.s32 s3, $0x0;
	_ =	strace $0x90000056  }
0x4c: {  	s0 =	sadd.s32 @!p0 $0x100000, s0;
	[bflag:$0x2] =	sbarrier.arrive $0xFFFF  }
0x4d: {  	[sflag:s0] =	ssyncadd.tile.s32 @!p0 $0x1;
	_ =	shalt  }
.Lfunc_end1:
_tile_overlayer_lowered:
.L_overlay_start_2:
0x4e: {  	(tag) =	ssettag $0x2  }
0x4f: {  	s0 =	rddreg [dreg:$0x0];
	s2 =	stileid.u32  }
0x50: {  	s1 =	rddreg [dreg:$0x1];
	p0 =	sne.s32 s2, $0x0  }
0x51: {  	s3 =	rddreg [dreg:$0x2];
	[bflag:$0x3] =	sbarrier.arrive $0xFFFF;
	s2 =	simm.s32 @!p0 $0x1C01  }
0x52: {  	[timem:s3], [sflag:s2] =	dma.local @!p0 [hbm:s0], s1  }
0x53: {  	s0 =	simm.s32 @!p0 $0x1  }
0x54: {  	_ =	swait.ge @!p0 [sflag:s0], s1  }
0x55: {  	s1 =	ssub.s32 @!p0 $0x0, s1;
	[sflag:s0] =	ssyncset.done @!p0 $0x0  }
0x56: {  	[sflag:s0] =	ssyncadd.s32 @!p0 s1  }
0x57: {  	[bflag:$0x3] =	sbarrier.arrive $0xFFFF  }
0x58: {  	_ =	shalt  }

</sc_bundles>
